<compile_context>
chip_gen: v7x
topology: tpu7x:2x2x1
jax: 0.10.2.dev20260603
libtpu: 0.0.44.dev20260713+nightly
codegen_flags: <defaults>
</compile_context>

<pallas_src>
import functools

import jax
import jax.numpy as jnp
from jax import lax
from jax.experimental import pallas as pl
from jax.experimental.pallas import tpu as pltpu
from jax.experimental.pallas import tpu_sc as plsc

N = 10000
D = 128
DOUT = 40
DOUTP = 128
E = 320000
NP = 10240
NC = 2
NS = 16
NW = NC * NS
C = 128
CPT = 80
EPT = C * CPT
EP = EPT * NW
RPT = NP // NS
IB = 8
CPT0 = 136
CPT1 = 2 * CPT - CPT0


@functools.lru_cache(maxsize=None)
def _make_agg(rowdim):
  mesh = plsc.VectorSubcoreMesh(core_axis_name="c", subcore_axis_name="s")

  @functools.partial(
      pl.kernel,
      out_type=jax.ShapeDtypeStruct((NC, NP, rowdim), jnp.float32),
      mesh=mesh,
      scratch_types=[
          pltpu.VMEM((IB, C), jnp.int32),
          pltpu.VMEM((IB, C), jnp.int32),
          pltpu.VMEM((C, rowdim), jnp.float32),
          pltpu.VMEM((C, rowdim), jnp.float32),
          pltpu.VMEM_SHARED((NP, rowdim), jnp.float32),
          pltpu.SemaphoreType.DMA,
          pltpu.SemaphoreType.DMA,
          pltpu.SemaphoreType.DMA,
          pltpu.SemaphoreType.DMA,
      ],
      compiler_params=pltpu.CompilerParams(use_tc_tiling_on_sc=False),
  )
  def agg(table_hbm, srcs_hbm, dsts_hbm, zeros_hbm, out_hbm,
          idxs, idxd, rows0, rows1, accum, sem0, sem1, ssem0, ssem1):
    c = lax.axis_index("c")
    s = lax.axis_index("s")
    pltpu.sync_copy(zeros_hbm, accum.at[pl.ds(s * RPT, RPT)])
    plsc.subcore_barrier()

    my_base = lax.select(c == 0, s * CPT0, NS * CPT0 + s * CPT1)
    my_halves = lax.select(c == 0, CPT0 // IB, CPT1 // IB)

    def half_body(h, carry):
      base = my_base + h * IB
      pltpu.sync_copy(srcs_hbm.at[pl.ds(base, IB)], idxs)
      pltpu.sync_copy(dsts_hbm.at[pl.ds(base, IB)], idxd)
      pltpu.async_copy(table_hbm.at[idxs.at[0]], rows0, sem0)
      pltpu.async_copy(table_hbm.at[idxs.at[1]], rows1, sem1)

      def body(k, carry2):
        j = 2 * k
        pltpu.make_async_copy(table_hbm.at[idxs.at[j]], rows0, sem0).wait()
        pltpu.async_copy(rows0, accum.at[idxd.at[j]], ssem0, add=True)
        pltpu.make_async_copy(table_hbm.at[idxs.at[j]], rows1, sem1).wait()
        pltpu.async_copy(rows1, accum.at[idxd.at[j + 1]], ssem1, add=True)

        @pl.when(k < IB // 2 - 1)
        def _():
          pltpu.make_async_copy(rows0, accum.at[idxd.at[j]], ssem0).wait()
          pltpu.async_copy(table_hbm.at[idxs.at[j + 2]], rows0, sem0)
          pltpu.make_async_copy(rows1, accum.at[idxd.at[j]], ssem1).wait()
          pltpu.async_copy(table_hbm.at[idxs.at[j + 3]], rows1, sem1)

        return carry2

      lax.fori_loop(0, IB // 2, body, 0)
      pltpu.make_async_copy(rows0, accum.at[idxd.at[0]], ssem0).wait()
      pltpu.make_async_copy(rows1, accum.at[idxd.at[0]], ssem1).wait()
      return carry

    lax.fori_loop(0, my_halves, half_body, 0)
    plsc.subcore_barrier()
    pltpu.sync_copy(accum.at[pl.ds(s * RPT, RPT)],
                    out_hbm.at[c, pl.ds(s * RPT, RPT)])

  return agg


@functools.lru_cache(maxsize=None)
def _make_deg():
  mesh = plsc.VectorSubcoreMesh(core_axis_name="c", subcore_axis_name="s")

  @functools.partial(
      pl.kernel,
      out_type=jax.ShapeDtypeStruct((NC, NP, 16), jnp.float32),
      mesh=mesh,
      scratch_types=[
          pltpu.VMEM((CPT, C), jnp.int32),
          pltpu.VMEM((C, 16), jnp.float32),
          pltpu.VMEM_SHARED((NP, 16), jnp.float32),
      ],
      compiler_params=pltpu.CompilerParams(use_tc_tiling_on_sc=False),
  )
  def deg(dsts_hbm, ones_hbm, zeros_hbm, out_hbm, idxd, ones_b, accum):
    c = lax.axis_index("c")
    s = lax.axis_index("s")
    w = s * NC + c
    pltpu.sync_copy(dsts_hbm.at[pl.ds(w * CPT, CPT)], idxd)
    pltpu.sync_copy(ones_hbm, ones_b)
    pltpu.sync_copy(zeros_hbm, accum.at[pl.ds(s * RPT, RPT)])
    plsc.subcore_barrier()

    def body(j, carry):
      pltpu.sync_copy(ones_b, accum.at[idxd.at[j]], add=True)
      return carry

    lax.fori_loop(0, CPT, body, 0)
    plsc.subcore_barrier()
    pltpu.sync_copy(accum.at[pl.ds(s * RPT, RPT)],
                    out_hbm.at[c, pl.ds(s * RPT, RPT)])

  return deg


def _dinv_col(dp_ref):
  deg = 1.0 + dp_ref[0, :, 0:1] + dp_ref[1, :, 0:1]
  return lax.rsqrt(deg)


def _first_body(x_ref, w_ref, dp_ref, o_ref):
  dinv = _dinv_col(dp_ref)
  y = jnp.dot(x_ref[...], w_ref[...], preferred_element_type=jnp.float32)
  o_ref[...] = y * dinv


def _tc_first(x_p, W1, deg_parts):
  return pl.pallas_call(
      _first_body,
      out_shape=jax.ShapeDtypeStruct((NP, D), jnp.float32),
  )(x_p, W1, deg_parts)


def _mid_body(p_ref, y_ref, dp_ref, b_ref, g_ref, be_ref, w_ref, o_ref):
  dinv = _dinv_col(dp_ref)
  h = dinv * (p_ref[0] + p_ref[1] + y_ref[...]) + b_ref[...]
  mask = lax.broadcasted_iota(jnp.int32, (NP, 1), 0) < N
  h = jnp.where(mask, h, 0.0)
  mu = jnp.sum(h, axis=0, keepdims=True) * (1.0 / N)
  d = h - mu
  var = jnp.sum(jnp.where(mask, d * d, 0.0), axis=0, keepdims=True) * (1.0 / N)
  hn = d * lax.rsqrt(var + 1e-5) * g_ref[...] + be_ref[...]
  hn = jnp.maximum(hn, 0.0)
  hn = jnp.where(mask, hn, 0.0)
  o_ref[...] = jnp.dot(hn, w_ref[...], preferred_element_type=jnp.float32) * dinv


def _tc_mid(p, y, deg_parts, b, g, be, Wn, outdim):
  return pl.pallas_call(
      _mid_body,
      out_shape=jax.ShapeDtypeStruct((NP, outdim), jnp.float32),
  )(p, y, deg_parts, b, g, be, Wn)


def _fin_body(p_ref, y_ref, dp_ref, b_ref, o_ref):
  dinv = _dinv_col(dp_ref)
  h = dinv * (p_ref[0] + p_ref[1] + y_ref[...]) + b_ref[...]
  z = h[:N, :DOUT]
  m = jnp.max(z, axis=1, keepdims=True)
  zz = z - m
  lse = jnp.log(jnp.sum(jnp.exp(zz), axis=1, keepdims=True))
  o_ref[...] = zz - lse


def _tc_fin(p, y, deg_parts, b):
  return pl.pallas_call(
      _fin_body,
      out_shape=jax.ShapeDtypeStruct((N, DOUT), jnp.float32),
  )(p, y, deg_parts, b)


def kernel(x, edge_index, W1, b1, g1, be1, W2, b2, g2, be2, W3, b3):
  src = edge_index[0]
  dst = edge_index[1]
  pad_idx = jnp.full((EP - E,), NP - 1, jnp.int32)
  srcs = jnp.concatenate([src, pad_idx]).reshape(EP // C, C)
  dsts = jnp.concatenate([dst, pad_idx]).reshape(EP // C, C)
  x_p = jnp.zeros((NP, D), jnp.float32).at[:N].set(x)

  zeros16 = jnp.zeros((RPT, 16), jnp.float32)
  zeros128 = jnp.zeros((RPT, D), jnp.float32)
  ones16 = jnp.ones((C, 16), jnp.float32)
  W3p = jnp.zeros((D, DOUTP), jnp.float32).at[:, :DOUT].set(W3)
  b1r = b1.reshape(1, D)
  g1r = g1.reshape(1, D)
  be1r = be1.reshape(1, D)
  b2r = b2.reshape(1, D)
  g2r = g2.reshape(1, D)
  be2r = be2.reshape(1, D)
  b3r = jnp.zeros((1, DOUTP), jnp.float32).at[0, :DOUT].set(b3)

  deg_parts = _make_deg()(dsts, ones16, zeros16)
  y1 = _tc_first(x_p, W1, deg_parts)
  p1 = _make_agg(D)(y1, srcs, dsts, zeros128)
  y2 = _tc_mid(p1, y1, deg_parts, b1r, g1r, be1r, W2, D)
  p2 = _make_agg(D)(y2, srcs, dsts, zeros128)
  y3 = _tc_mid(p2, y2, deg_parts, b2r, g2r, be2r, W3p, DOUTP)
  p3 = _make_agg(DOUTP)(y3, srcs, dsts, zeros128)
  return _tc_fin(p3, y3, deg_parts, b3r)

# --- scband reference (transcript-rebuilt; emitter-appended) ---
"""Pipeline reference for scband-gcn-85126251807570 (READ-ONLY COPY).

The authoritative reference and input builder live on the scoring server;
editing this copy changes nothing except your own understanding.
"""

import jax, jax.numpy as jnp
import numpy as np

N_NODES = 10000
N_EDGES = 320000
D_IN = 128
D_HID = 128
D_OUT = 40


def gcn_conv(x, src, dst, W, b, n):
    # GCNConv: linear transform, add self-loops, symmetric normalization, sum-aggregate
    x = x @ W
    loop = jnp.arange(n)
    src2 = jnp.concatenate([src, loop])
    dst2 = jnp.concatenate([dst, loop])
    deg = jnp.zeros((n,), x.dtype).at[dst2].add(1.0)
    dinv = jnp.where(deg > 0, jax.lax.rsqrt(jnp.maximum(deg, 1e-12)), 0.0)
    norm = dinv[src2] * dinv[dst2]
    msg = x[src2] * norm[:, None]
    out = jax.ops.segment_sum(msg, dst2, num_segments=n)
    return out + b


def batch_norm(x, gamma, beta, eps=1e-5):
    mu = jnp.mean(x, axis=0)
    var = jnp.var(x, axis=0)
    return (x - mu) * jax.lax.rsqrt(var + eps) * gamma + beta


def setup_inputs(seed: int = 0) -> dict:
    key = jax.random.key(seed)
    ks = jax.random.split(key, 12)
    x = jax.random.normal(ks[0], (N_NODES, D_IN), dtype=jnp.float32)
    edge_index = jax.random.randint(ks[1], (2, N_EDGES), 0, N_NODES, dtype=jnp.int32)
    W1 = jax.random.normal(ks[2], (D_IN, D_HID), dtype=jnp.float32) * (1.0 / np.sqrt(D_IN))
    b1 = jnp.zeros((D_HID,), jnp.float32)
    g1 = jnp.ones((D_HID,), jnp.float32)
    be1 = jnp.zeros((D_HID,), jnp.float32)
    W2 = jax.random.normal(ks[3], (D_HID, D_HID), dtype=jnp.float32) * (1.0 / np.sqrt(D_HID))
    b2 = jnp.zeros((D_HID,), jnp.float32)
    g2 = jnp.ones((D_HID,), jnp.float32)
    be2 = jnp.zeros((D_HID,), jnp.float32)
    W3 = jax.random.normal(ks[4], (D_HID, D_OUT), dtype=jnp.float32) * (1.0 / np.sqrt(D_HID))
    b3 = jnp.zeros((D_OUT,), jnp.float32)
    return {"x": x, "edge_index": edge_index, "W1": W1, "b1": b1, "g1": g1, "be1": be1,
            "W2": W2, "b2": b2, "g2": g2, "be2": be2, "W3": W3, "b3": b3}


def reference(x, edge_index, W1, b1, g1, be1, W2, b2, g2, be2, W3, b3):
    src, dst = edge_index[0], edge_index[1]
    n = x.shape[0]
    h = gcn_conv(x, src, dst, W1, b1, n)
    h = batch_norm(h, g1, be1)
    h = jax.nn.relu(h)
    # dropout treated as identity for deterministic reference
    h = gcn_conv(h, src, dst, W2, b2, n)
    h = batch_norm(h, g2, be2)
    h = jax.nn.relu(h)
    h = gcn_conv(h, src, dst, W3, b3, n)
    return jax.nn.log_softmax(h, axis=1)

if __name__ == "__main__":
    import jax
    _d = setup_inputs()
    print(jax.jit(kernel)(*tuple(_d.values())))

</pallas_src>

<mosaic_0001>
#map = affine_map<(d0, d1) -> (0, 0)>
#map1 = affine_map<(d0, d1) -> (0, 0, 0)>
module attributes {stable_mosaic.version = 14 : i64} {
  func.func @deg(%arg0: i32, %arg1: i32, %arg2: memref<2560x128xi32, #tpu.memory_space<hbm>>, %arg3: memref<128x16xf32, #tpu.memory_space<hbm>>, %arg4: memref<640x16xf32, #tpu.memory_space<hbm>>, %arg5: memref<2x10240x16xf32, #tpu.memory_space<hbm>>, %arg6: memref<80x128xi32, #tpu.memory_space<vmem>>, %arg7: memref<128x16xf32, #tpu.memory_space<vmem>>, %arg8: memref<10240x16xf32, #tpu.memory_space<vmem_shared>>) attributes {dimension_semantics = [#tpu.dimension_semantics<core_parallel>, #tpu.dimension_semantics<subcore_parallel>], iteration_bounds = array<i64: 2, 16>, scalar_prefetch = 0 : i64, scratch_operands = 3 : i64, tpu.core_type = #tpu.core_type<sc_vector_subcore>, window_params = [{transform_indices = #map}, {transform_indices = #map}, {transform_indices = #map}, {transform_indices = #map1}]} {
    %mul3A = arith.constant 2 : i32
    %mul3A_0 = arith.muli %arg1, %mul3A : i32
    %add3A = arith.addi %mul3A_0, %arg0 : i32
    %mul3A_1 = arith.constant 80 : i32
    %mul3A_2 = arith.muli %add3A, %mul3A_1 : i32
    "tpu.region"() ({
      %run_scoped3A = tpu.sem_alloc : memref<!tpu.dma_semaphore, #tpu.memory_space<semaphore_mem>>
      %dma_start3A = arith.constant 0 : i32
      %dma_start3A_15 = tpu.memref_slice %arg2[%mul3A_2, %dma_start3A] : memref<2560x128xi32, #tpu.memory_space<hbm>> -> memref<80x128xi32, #tpu.memory_space<hbm>>
      %dma_start3A_16 = arith.constant 0 : i32
      %dma_start3A_17 = tpu.memref_slice %arg2[%mul3A_2, %dma_start3A_16] : memref<2560x128xi32, #tpu.memory_space<hbm>> -> memref<80x128xi32, #tpu.memory_space<hbm>>
      tpu.enqueue_dma source(%dma_start3A_17 : memref<80x128xi32, #tpu.memory_space<hbm>>) target(%arg6 : memref<80x128xi32, #tpu.memory_space<vmem>>) target_semaphore(%run_scoped3A : memref<!tpu.dma_semaphore, #tpu.memory_space<semaphore_mem>>)
      %dma_wait3A = arith.constant 0 : i32
      %dma_wait3A_18 = tpu.memref_slice %arg2[%mul3A_2, %dma_wait3A] : memref<2560x128xi32, #tpu.memory_space<hbm>> -> memref<80x128xi32, #tpu.memory_space<hbm>>
      %dma_wait3A_19 = arith.constant 0 : i32
      %dma_wait3A_20 = tpu.memref_slice %arg2[%mul3A_2, %dma_wait3A_19] : memref<2560x128xi32, #tpu.memory_space<hbm>> -> memref<80x128xi32, #tpu.memory_space<hbm>>
      tpu.wait_dma2 semaphore(%run_scoped3A : memref<!tpu.dma_semaphore, #tpu.memory_space<semaphore_mem>>) src(%dma_wait3A_20 : memref<80x128xi32, #tpu.memory_space<hbm>>) dst(%arg6 : memref<80x128xi32, #tpu.memory_space<vmem>>)
      tpu.yield
    }) : () -> ()
    "tpu.region"() ({
      %run_scoped3A = tpu.sem_alloc : memref<!tpu.dma_semaphore, #tpu.memory_space<semaphore_mem>>
      tpu.enqueue_dma source(%arg3 : memref<128x16xf32, #tpu.memory_space<hbm>>) target(%arg7 : memref<128x16xf32, #tpu.memory_space<vmem>>) target_semaphore(%run_scoped3A : memref<!tpu.dma_semaphore, #tpu.memory_space<semaphore_mem>>)
      tpu.wait_dma2 semaphore(%run_scoped3A : memref<!tpu.dma_semaphore, #tpu.memory_space<semaphore_mem>>) src(%arg3 : memref<128x16xf32, #tpu.memory_space<hbm>>) dst(%arg7 : memref<128x16xf32, #tpu.memory_space<vmem>>)
      tpu.yield
    }) : () -> ()
    %mul3A_3 = arith.constant 640 : i32
    %mul3A_4 = arith.muli %arg1, %mul3A_3 : i32
    "tpu.region"() ({
      %run_scoped3A = tpu.sem_alloc : memref<!tpu.dma_semaphore, #tpu.memory_space<semaphore_mem>>
      %dma_start3A = arith.constant 0 : i32
      %dma_start3A_15 = tpu.memref_slice %arg8[%mul3A_4, %dma_start3A] : memref<10240x16xf32, #tpu.memory_space<vmem_shared>> -> memref<640x16xf32, #tpu.memory_space<vmem_shared>>
      tpu.enqueue_dma source(%arg4 : memref<640x16xf32, #tpu.memory_space<hbm>>) target(%dma_start3A_15 : memref<640x16xf32, #tpu.memory_space<vmem_shared>>) target_semaphore(%run_scoped3A : memref<!tpu.dma_semaphore, #tpu.memory_space<semaphore_mem>>)
      %dma_wait3A = arith.constant 0 : i32
      %dma_wait3A_16 = tpu.memref_slice %arg8[%mul3A_4, %dma_wait3A] : memref<10240x16xf32, #tpu.memory_space<vmem_shared>> -> memref<640x16xf32, #tpu.memory_space<vmem_shared>>
      tpu.wait_dma2 semaphore(%run_scoped3A : memref<!tpu.dma_semaphore, #tpu.memory_space<semaphore_mem>>) src(%arg4 : memref<640x16xf32, #tpu.memory_space<hbm>>) dst(%dma_wait3A_16 : memref<640x16xf32, #tpu.memory_space<vmem_shared>>)
      tpu.yield
    }) : () -> ()
    %barrier3A = arith.constant 0 : index
    tpu.barrier barrier_id(%barrier3A)
    %scan3A = arith.constant 0 : i32
    %scan3A_5 = arith.constant 0 : i32
    %scan3A_6 = arith.constant 80 : i32
    %scan3A_7 = arith.addi %scan3A_5, %scan3A_6 : i32
    %scan3A_8 = arith.constant 1 : i32
    scf.for %scan3A_15 = %scan3A_5 to %scan3A_7 step %scan3A_8  : i32 {
      "tpu.region"() ({
        %run_scoped3A = tpu.sem_alloc : memref<!tpu.dma_semaphore, #tpu.memory_space<semaphore_mem>>
        %dma_start3A = arith.constant 0 : i32
        %dma_start3A_16 = tpu.memref_slice %arg6[%scan3A_15, %dma_start3A] : memref<80x128xi32, #tpu.memory_space<vmem>> -> memref<1x128xi32, #tpu.memory_space<vmem>>
        %dma_start3A_17 = tpu.memref_squeeze %dma_start3A_16 : memref<1x128xi32, #tpu.memory_space<vmem>> -> memref<128xi32, #tpu.memory_space<vmem>>
        %dma_start3A_18 = arith.constant 0 : i32
        %dma_start3A_19 = arith.constant 0 : i32
        %dma_start3A_20 = tpu.memref_slice %arg8[%dma_start3A_18, %dma_start3A_19] : memref<10240x16xf32, #tpu.memory_space<vmem_shared>> -> memref<10240x16xf32, #tpu.memory_space<vmem_shared>>
        tpu.enqueue_indirect_dma source(%arg7 : memref<128x16xf32, #tpu.memory_space<vmem>>) target(%dma_start3A_20 : memref<10240x16xf32, #tpu.memory_space<vmem_shared>>) offsets(%dma_start3A_17 : memref<128xi32, #tpu.memory_space<vmem>>) semaphore(%run_scoped3A : memref<!tpu.dma_semaphore, #tpu.memory_space<semaphore_mem>>) {add = true}
        %dma_wait3A = arith.constant 0 : i32
        %dma_wait3A_21 = tpu.memref_slice %arg6[%scan3A_15, %dma_wait3A] : memref<80x128xi32, #tpu.memory_space<vmem>> -> memref<1x128xi32, #tpu.memory_space<vmem>>
        %dma_wait3A_22 = tpu.memref_squeeze %dma_wait3A_21 : memref<1x128xi32, #tpu.memory_space<vmem>> -> memref<128xi32, #tpu.memory_space<vmem>>
        %dma_wait3A_23 = arith.constant 0 : i32
        %dma_wait3A_24 = arith.constant 0 : i32
        %dma_wait3A_25 = tpu.memref_slice %arg8[%dma_wait3A_23, %dma_wait3A_24] : memref<10240x16xf32, #tpu.memory_space<vmem_shared>> -> memref<10240x16xf32, #tpu.memory_space<vmem_shared>>
        tpu.wait_indirect_dma semaphore(%run_scoped3A : memref<!tpu.dma_semaphore, #tpu.memory_space<semaphore_mem>>) src(%arg7 : memref<128x16xf32, #tpu.memory_space<vmem>>) dst(%dma_wait3A_25 : memref<10240x16xf32, #tpu.memory_space<vmem_shared>>)
        tpu.yield
      }) : () -> ()
    }
    %scan3A_9 = arith.constant 80 : i32
    %barrier3A_10 = arith.constant 0 : index
    tpu.barrier barrier_id(%barrier3A_10)
    %mul3A_11 = arith.constant 640 : i32
    %mul3A_12 = arith.muli %arg1, %mul3A_11 : i32
    %mul3A_13 = arith.constant 640 : i32
    %mul3A_14 = arith.muli %arg1, %mul3A_13 : i32
    "tpu.region"() ({
      %run_scoped3A = tpu.sem_alloc : memref<!tpu.dma_semaphore, #tpu.memory_space<semaphore_mem>>
      %dma_start3A = arith.constant 0 : i32
      %dma_start3A_15 = tpu.memref_slice %arg5[%arg0, %mul3A_14, %dma_start3A] : memref<2x10240x16xf32, #tpu.memory_space<hbm>> -> memref<1x640x16xf32, #tpu.memory_space<hbm>>
      %dma_start3A_16 = tpu.memref_squeeze %dma_start3A_15 : memref<1x640x16xf32, #tpu.memory_space<hbm>> -> memref<640x16xf32, #tpu.memory_space<hbm>>
      %dma_start3A_17 = arith.constant 0 : i32
      %dma_start3A_18 = tpu.memref_slice %arg8[%mul3A_12, %dma_start3A_17] : memref<10240x16xf32, #tpu.memory_space<vmem_shared>> -> memref<640x16xf32, #tpu.memory_space<vmem_shared>>
      tpu.enqueue_dma source(%dma_start3A_18 : memref<640x16xf32, #tpu.memory_space<vmem_shared>>) target(%dma_start3A_16 : memref<640x16xf32, #tpu.memory_space<hbm>>) target_semaphore(%run_scoped3A : memref<!tpu.dma_semaphore, #tpu.memory_space<semaphore_mem>>)
      %dma_wait3A = arith.constant 0 : i32
      %dma_wait3A_19 = tpu.memref_slice %arg5[%arg0, %mul3A_14, %dma_wait3A] : memref<2x10240x16xf32, #tpu.memory_space<hbm>> -> memref<1x640x16xf32, #tpu.memory_space<hbm>>
      %dma_wait3A_20 = tpu.memref_squeeze %dma_wait3A_19 : memref<1x640x16xf32, #tpu.memory_space<hbm>> -> memref<640x16xf32, #tpu.memory_space<hbm>>
      %dma_wait3A_21 = arith.constant 0 : i32
      %dma_wait3A_22 = tpu.memref_slice %arg8[%mul3A_12, %dma_wait3A_21] : memref<10240x16xf32, #tpu.memory_space<vmem_shared>> -> memref<640x16xf32, #tpu.memory_space<vmem_shared>>
      tpu.wait_dma2 semaphore(%run_scoped3A : memref<!tpu.dma_semaphore, #tpu.memory_space<semaphore_mem>>) src(%dma_wait3A_22 : memref<640x16xf32, #tpu.memory_space<vmem_shared>>) dst(%dma_wait3A_20 : memref<640x16xf32, #tpu.memory_space<hbm>>)
      tpu.yield
    }) : () -> ()
    return
  }
}

#map = affine_map<(d0, d1) -> (0, 0)>
#map1 = affine_map<(d0, d1) -> (0, 0, 0)>
module attributes {stable_mosaic.version = 14 : i64} {
  func.func @agg(%arg0: i32, %arg1: i32, %arg2: memref<10240x128xf32, #tpu.memory_space<hbm>>, %arg3: memref<2560x128xi32, #tpu.memory_space<hbm>>, %arg4: memref<2560x128xi32, #tpu.memory_space<hbm>>, %arg5: memref<640x128xf32, #tpu.memory_space<hbm>>, %arg6: memref<2x10240x128xf32, #tpu.memory_space<hbm>>, %arg7: memref<8x128xi32, #tpu.memory_space<vmem>>, %arg8: memref<8x128xi32, #tpu.memory_space<vmem>>, %arg9: memref<128x128xf32, #tpu.memory_space<vmem>>, %arg10: memref<128x128xf32, #tpu.memory_space<vmem>>, %arg11: memref<10240x128xf32, #tpu.memory_space<vmem_shared>>, %arg12: memref<!tpu.dma_semaphore, #tpu.memory_space<semaphore_mem>>, %arg13: memref<!tpu.dma_semaphore, #tpu.memory_space<semaphore_mem>>, %arg14: memref<!tpu.dma_semaphore, #tpu.memory_space<semaphore_mem>>, %arg15: memref<!tpu.dma_semaphore, #tpu.memory_space<semaphore_mem>>) attributes {dimension_semantics = [#tpu.dimension_semantics<core_parallel>, #tpu.dimension_semantics<subcore_parallel>], iteration_bounds = array<i64: 2, 16>, scalar_prefetch = 0 : i64, scratch_operands = 9 : i64, tpu.core_type = #tpu.core_type<sc_vector_subcore>, window_params = [{transform_indices = #map}, {transform_indices = #map}, {transform_indices = #map}, {transform_indices = #map}, {transform_indices = #map1}]} {
    %mul3A = arith.constant 640 : i32
    %mul3A_0 = arith.muli %arg1, %mul3A : i32
    "tpu.region"() ({
      %run_scoped3A = tpu.sem_alloc : memref<!tpu.dma_semaphore, #tpu.memory_space<semaphore_mem>>
      %dma_start3A = arith.constant 0 : i32
      %dma_start3A_26 = tpu.memref_slice %arg11[%mul3A_0, %dma_start3A] : memref<10240x128xf32, #tpu.memory_space<vmem_shared>> -> memref<640x128xf32, #tpu.memory_space<vmem_shared>>
      tpu.enqueue_dma source(%arg5 : memref<640x128xf32, #tpu.memory_space<hbm>>) target(%dma_start3A_26 : memref<640x128xf32, #tpu.memory_space<vmem_shared>>) target_semaphore(%run_scoped3A : memref<!tpu.dma_semaphore, #tpu.memory_space<semaphore_mem>>)
      %dma_wait3A = arith.constant 0 : i32
      %dma_wait3A_27 = tpu.memref_slice %arg11[%mul3A_0, %dma_wait3A] : memref<10240x128xf32, #tpu.memory_space<vmem_shared>> -> memref<640x128xf32, #tpu.memory_space<vmem_shared>>
      tpu.wait_dma2 semaphore(%run_scoped3A : memref<!tpu.dma_semaphore, #tpu.memory_space<semaphore_mem>>) src(%arg5 : memref<640x128xf32, #tpu.memory_space<hbm>>) dst(%dma_wait3A_27 : memref<640x128xf32, #tpu.memory_space<vmem_shared>>)
      tpu.yield
    }) : () -> ()
    %barrier3A = arith.constant 0 : index
    tpu.barrier barrier_id(%barrier3A)
    %eq3A = arith.constant 0 : i32
    %eq3A_1 = arith.cmpi eq, %arg0, %eq3A : i32
    %mul3A_2 = arith.constant 136 : i32
    %mul3A_3 = arith.muli %arg1, %mul3A_2 : i32
    %mul3A_4 = arith.constant 24 : i32
    %mul3A_5 = arith.muli %arg1, %mul3A_4 : i32
    %add3A = arith.constant 2176 : i32
    %add3A_6 = arith.addi %add3A, %mul3A_5 : i32
    %select_n3A = arith.select %eq3A_1, %mul3A_3, %add3A_6 : i32
    %eq3A_7 = arith.constant 0 : i32
    %eq3A_8 = arith.cmpi eq, %arg0, %eq3A_7 : i32
    %select_n3A_9 = arith.constant 3 : i32
    %select_n3A_10 = arith.constant 17 : i32
    %select_n3A_11 = arith.select %eq3A_8, %select_n3A_10, %select_n3A_9 : i32
    %while3A = arith.constant 0 : i32
    %while3A_12 = arith.constant 0 : i32
    %while3A_13 = arith.subi %select_n3A_11, %while3A_12 : i32
    %while3A_14 = arith.addi %while3A_12, %while3A_13 : i32
    %while3A_15 = arith.constant 1 : i32
    %while3A_16 = arith.divsi %while3A_13, %while3A_15 : i32
    %while3A_17 = arith.muli %while3A_16, %while3A_15 : i32
    %while3A_18 = arith.addi %while3A_12, %while3A_17 : i32
    %while3A_19 = arith.constant 1 : i32
    scf.for %while3A_26 = %while3A_12 to %while3A_18 step %while3A_19  : i32 {
      %mul3A_27 = arith.constant 8 : i32
      %mul3A_28 = arith.muli %while3A_26, %mul3A_27 : i32
      %add3A_29 = arith.addi %select_n3A, %mul3A_28 : i32
      "tpu.region"() ({
        %run_scoped3A = tpu.sem_alloc : memref<!tpu.dma_semaphore, #tpu.memory_space<semaphore_mem>>
        %dma_start3A_61 = arith.constant 0 : i32
        %dma_start3A_62 = tpu.memref_slice %arg3[%add3A_29, %dma_start3A_61] : memref<2560x128xi32, #tpu.memory_space<hbm>> -> memref<8x128xi32, #tpu.memory_space<hbm>>
        %dma_start3A_63 = arith.constant 0 : i32
        %dma_start3A_64 = tpu.memref_slice %arg3[%add3A_29, %dma_start3A_63] : memref<2560x128xi32, #tpu.memory_space<hbm>> -> memref<8x128xi32, #tpu.memory_space<hbm>>
        tpu.enqueue_dma source(%dma_start3A_64 : memref<8x128xi32, #tpu.memory_space<hbm>>) target(%arg7 : memref<8x128xi32, #tpu.memory_space<vmem>>) target_semaphore(%run_scoped3A : memref<!tpu.dma_semaphore, #tpu.memory_space<semaphore_mem>>)
        %dma_wait3A_65 = arith.constant 0 : i32
        %dma_wait3A_66 = tpu.memref_slice %arg3[%add3A_29, %dma_wait3A_65] : memref<2560x128xi32, #tpu.memory_space<hbm>> -> memref<8x128xi32, #tpu.memory_space<hbm>>
        %dma_wait3A_67 = arith.constant 0 : i32
        %dma_wait3A_68 = tpu.memref_slice %arg3[%add3A_29, %dma_wait3A_67] : memref<2560x128xi32, #tpu.memory_space<hbm>> -> memref<8x128xi32, #tpu.memory_space<hbm>>
        tpu.wait_dma2 semaphore(%run_scoped3A : memref<!tpu.dma_semaphore, #tpu.memory_space<semaphore_mem>>) src(%dma_wait3A_68 : memref<8x128xi32, #tpu.memory_space<hbm>>) dst(%arg7 : memref<8x128xi32, #tpu.memory_space<vmem>>)
        tpu.yield
      }) : () -> ()
      "tpu.region"() ({
        %run_scoped3A = tpu.sem_alloc : memref<!tpu.dma_semaphore, #tpu.memory_space<semaphore_mem>>
        %dma_start3A_61 = arith.constant 0 : i32
        %dma_start3A_62 = tpu.memref_slice %arg4[%add3A_29, %dma_start3A_61] : memref<2560x128xi32, #tpu.memory_space<hbm>> -> memref<8x128xi32, #tpu.memory_space<hbm>>
        %dma_start3A_63 = arith.constant 0 : i32
        %dma_start3A_64 = tpu.memref_slice %arg4[%add3A_29, %dma_start3A_63] : memref<2560x128xi32, #tpu.memory_space<hbm>> -> memref<8x128xi32, #tpu.memory_space<hbm>>
        tpu.enqueue_dma source(%dma_start3A_64 : memref<8x128xi32, #tpu.memory_space<hbm>>) target(%arg8 : memref<8x128xi32, #tpu.memory_space<vmem>>) target_semaphore(%run_scoped3A : memref<!tpu.dma_semaphore, #tpu.memory_space<semaphore_mem>>)
        %dma_wait3A_65 = arith.constant 0 : i32
        %dma_wait3A_66 = tpu.memref_slice %arg4[%add3A_29, %dma_wait3A_65] : memref<2560x128xi32, #tpu.memory_space<hbm>> -> memref<8x128xi32, #tpu.memory_space<hbm>>
        %dma_wait3A_67 = arith.constant 0 : i32
        %dma_wait3A_68 = tpu.memref_slice %arg4[%add3A_29, %dma_wait3A_67] : memref<2560x128xi32, #tpu.memory_space<hbm>> -> memref<8x128xi32, #tpu.memory_space<hbm>>
        tpu.wait_dma2 semaphore(%run_scoped3A : memref<!tpu.dma_semaphore, #tpu.memory_space<semaphore_mem>>) src(%dma_wait3A_68 : memref<8x128xi32, #tpu.memory_space<hbm>>) dst(%arg8 : memref<8x128xi32, #tpu.memory_space<vmem>>)
        tpu.yield
      }) : () -> ()
      %dma_start3A = arith.constant 0 : i32
      %dma_start3A_30 = arith.constant 0 : i32
      %dma_start3A_31 = tpu.memref_slice %arg7[%dma_start3A, %dma_start3A_30] : memref<8x128xi32, #tpu.memory_space<vmem>> -> memref<1x128xi32, #tpu.memory_space<vmem>>
      %dma_start3A_32 = tpu.memref_squeeze %dma_start3A_31 : memref<1x128xi32, #tpu.memory_space<vmem>> -> memref<128xi32, #tpu.memory_space<vmem>>
      %dma_start3A_33 = arith.constant 0 : i32
      %dma_start3A_34 = arith.constant 0 : i32
      %dma_start3A_35 = tpu.memref_slice %arg2[%dma_start3A_33, %dma_start3A_34] : memref<10240x128xf32, #tpu.memory_space<hbm>> -> memref<10240x128xf32, #tpu.memory_space<hbm>>
      tpu.enqueue_indirect_dma source(%dma_start3A_35 : memref<10240x128xf32, #tpu.memory_space<hbm>>) target(%arg9 : memref<128x128xf32, #tpu.memory_space<vmem>>) offsets(%dma_start3A_32 : memref<128xi32, #tpu.memory_space<vmem>>) semaphore(%arg12 : memref<!tpu.dma_semaphore, #tpu.memory_space<semaphore_mem>>)
      %dma_start3A_36 = arith.constant 1 : i32
      %dma_start3A_37 = arith.constant 0 : i32
      %dma_start3A_38 = tpu.memref_slice %arg7[%dma_start3A_36, %dma_start3A_37] : memref<8x128xi32, #tpu.memory_space<vmem>> -> memref<1x128xi32, #tpu.memory_space<vmem>>
      %dma_start3A_39 = tpu.memref_squeeze %dma_start3A_38 : memref<1x128xi32, #tpu.memory_space<vmem>> -> memref<128xi32, #tpu.memory_space<vmem>>
      %dma_start3A_40 = arith.constant 0 : i32
      %dma_start3A_41 = arith.constant 0 : i32
      %dma_start3A_42 = tpu.memref_slice %arg2[%dma_start3A_40, %dma_start3A_41] : memref<10240x128xf32, #tpu.memory_space<hbm>> -> memref<10240x128xf32, #tpu.memory_space<hbm>>
      tpu.enqueue_indirect_dma source(%dma_start3A_42 : memref<10240x128xf32, #tpu.memory_space<hbm>>) target(%arg10 : memref<128x128xf32, #tpu.memory_space<vmem>>) offsets(%dma_start3A_39 : memref<128xi32, #tpu.memory_space<vmem>>) semaphore(%arg13 : memref<!tpu.dma_semaphore, #tpu.memory_space<semaphore_mem>>)
      %scan3A = arith.constant 0 : i32
      %scan3A_43 = arith.constant 0 : i32
      %scan3A_44 = arith.constant 4 : i32
      %scan3A_45 = arith.addi %scan3A_43, %scan3A_44 : i32
      %scan3A_46 = arith.constant 1 : i32
      scf.for %scan3A_61 = %scan3A_43 to %scan3A_45 step %scan3A_46  : i32 {
        %mul3A_62 = arith.constant 2 : i32
        %mul3A_63 = arith.muli %mul3A_62, %scan3A_61 : i32
        %dma_wait3A_64 = arith.constant 0 : i32
        %dma_wait3A_65 = tpu.memref_slice %arg7[%mul3A_63, %dma_wait3A_64] : memref<8x128xi32, #tpu.memory_space<vmem>> -> memref<1x128xi32, #tpu.memory_space<vmem>>
        %dma_wait3A_66 = tpu.memref_squeeze %dma_wait3A_65 : memref<1x128xi32, #tpu.memory_space<vmem>> -> memref<128xi32, #tpu.memory_space<vmem>>
        %dma_wait3A_67 = arith.constant 0 : i32
        %dma_wait3A_68 = arith.constant 0 : i32
        %dma_wait3A_69 = tpu.memref_slice %arg2[%dma_wait3A_67, %dma_wait3A_68] : memref<10240x128xf32, #tpu.memory_space<hbm>> -> memref<10240x128xf32, #tpu.memory_space<hbm>>
        tpu.wait_indirect_dma semaphore(%arg12 : memref<!tpu.dma_semaphore, #tpu.memory_space<semaphore_mem>>) src(%dma_wait3A_69 : memref<10240x128xf32, #tpu.memory_space<hbm>>) dst(%arg9 : memref<128x128xf32, #tpu.memory_space<vmem>>)
        %dma_start3A_70 = arith.constant 0 : i32
        %dma_start3A_71 = tpu.memref_slice %arg8[%mul3A_63, %dma_start3A_70] : memref<8x128xi32, #tpu.memory_space<vmem>> -> memref<1x128xi32, #tpu.memory_space<vmem>>
        %dma_start3A_72 = tpu.memref_squeeze %dma_start3A_71 : memref<1x128xi32, #tpu.memory_space<vmem>> -> memref<128xi32, #tpu.memory_space<vmem>>
        %dma_start3A_73 = arith.constant 0 : i32
        %dma_start3A_74 = arith.constant 0 : i32
        %dma_start3A_75 = tpu.memref_slice %arg11[%dma_start3A_73, %dma_start3A_74] : memref<10240x128xf32, #tpu.memory_space<vmem_shared>> -> memref<10240x128xf32, #tpu.memory_space<vmem_shared>>
        tpu.enqueue_indirect_dma source(%arg9 : memref<128x128xf32, #tpu.memory_space<vmem>>) target(%dma_start3A_75 : memref<10240x128xf32, #tpu.memory_space<vmem_shared>>) offsets(%dma_start3A_72 : memref<128xi32, #tpu.memory_space<vmem>>) semaphore(%arg14 : memref<!tpu.dma_semaphore, #tpu.memory_space<semaphore_mem>>) {add = true}
        %dma_wait3A_76 = arith.constant 0 : i32
        %dma_wait3A_77 = tpu.memref_slice %arg7[%mul3A_63, %dma_wait3A_76] : memref<8x128xi32, #tpu.memory_space<vmem>> -> memref<1x128xi32, #tpu.memory_space<vmem>>
        %dma_wait3A_78 = tpu.memref_squeeze %dma_wait3A_77 : memref<1x128xi32, #tpu.memory_space<vmem>> -> memref<128xi32, #tpu.memory_space<vmem>>
        %dma_wait3A_79 = arith.constant 0 : i32
        %dma_wait3A_80 = arith.constant 0 : i32
        %dma_wait3A_81 = tpu.memref_slice %arg2[%dma_wait3A_79, %dma_wait3A_80] : memref<10240x128xf32, #tpu.memory_space<hbm>> -> memref<10240x128xf32, #tpu.memory_space<hbm>>
        tpu.wait_indirect_dma semaphore(%arg13 : memref<!tpu.dma_semaphore, #tpu.memory_space<semaphore_mem>>) src(%dma_wait3A_81 : memref<10240x128xf32, #tpu.memory_space<hbm>>) dst(%arg10 : memref<128x128xf32, #tpu.memory_space<vmem>>)
        %add3A_82 = arith.constant 1 : i32
        %add3A_83 = arith.addi %mul3A_63, %add3A_82 : i32
        %dma_start3A_84 = arith.constant 0 : i32
        %dma_start3A_85 = tpu.memref_slice %arg8[%add3A_83, %dma_start3A_84] : memref<8x128xi32, #tpu.memory_space<vmem>> -> memref<1x128xi32, #tpu.memory_space<vmem>>
        %dma_start3A_86 = tpu.memref_squeeze %dma_start3A_85 : memref<1x128xi32, #tpu.memory_space<vmem>> -> memref<128xi32, #tpu.memory_space<vmem>>
        %dma_start3A_87 = arith.constant 0 : i32
        %dma_start3A_88 = arith.constant 0 : i32
        %dma_start3A_89 = tpu.memref_slice %arg11[%dma_start3A_87, %dma_start3A_88] : memref<10240x128xf32, #tpu.memory_space<vmem_shared>> -> memref<10240x128xf32, #tpu.memory_space<vmem_shared>>
        tpu.enqueue_indirect_dma source(%arg10 : memref<128x128xf32, #tpu.memory_space<vmem>>) target(%dma_start3A_89 : memref<10240x128xf32, #tpu.memory_space<vmem_shared>>) offsets(%dma_start3A_86 : memref<128xi32, #tpu.memory_space<vmem>>) semaphore(%arg15 : memref<!tpu.dma_semaphore, #tpu.memory_space<semaphore_mem>>) {add = true}
        %lt3A = arith.constant 3 : i32
        %lt3A_90 = arith.cmpi slt, %scan3A_61, %lt3A : i32
        %convert_element_type3A = arith.extui %lt3A_90 : i1 to i32
        %cond3A = arith.constant 0 : i32
        %cond3A_91 = arith.cmpi ne, %convert_element_type3A, %cond3A : i32
        scf.if %cond3A_91 {
          %dma_wait3A_92 = arith.constant 0 : i32
          %dma_wait3A_93 = tpu.memref_slice %arg8[%mul3A_63, %dma_wait3A_92] : memref<8x128xi32, #tpu.memory_space<vmem>> -> memref<1x128xi32, #tpu.memory_space<vmem>>
          %dma_wait3A_94 = tpu.memref_squeeze %dma_wait3A_93 : memref<1x128xi32, #tpu.memory_space<vmem>> -> memref<128xi32, #tpu.memory_space<vmem>>
          %dma_wait3A_95 = arith.constant 0 : i32
          %dma_wait3A_96 = arith.constant 0 : i32
          %dma_wait3A_97 = tpu.memref_slice %arg11[%dma_wait3A_95, %dma_wait3A_96] : memref<10240x128xf32, #tpu.memory_space<vmem_shared>> -> memref<10240x128xf32, #tpu.memory_space<vmem_shared>>
          tpu.wait_indirect_dma semaphore(%arg14 : memref<!tpu.dma_semaphore, #tpu.memory_space<semaphore_mem>>) src(%arg9 : memref<128x128xf32, #tpu.memory_space<vmem>>) dst(%dma_wait3A_97 : memref<10240x128xf32, #tpu.memory_space<vmem_shared>>)
          %add3A_98 = arith.constant 2 : i32
          %add3A_99 = arith.addi %mul3A_63, %add3A_98 : i32
          %dma_start3A_100 = arith.constant 0 : i32
          %dma_start3A_101 = tpu.memref_slice %arg7[%add3A_99, %dma_start3A_100] : memref<8x128xi32, #tpu.memory_space<vmem>> -> memref<1x128xi32, #tpu.memory_space<vmem>>
          %dma_start3A_102 = tpu.memref_squeeze %dma_start3A_101 : memref<1x128xi32, #tpu.memory_space<vmem>> -> memref<128xi32, #tpu.memory_space<vmem>>
          %dma_start3A_103 = arith.constant 0 : i32
          %dma_start3A_104 = arith.constant 0 : i32
          %dma_start3A_105 = tpu.memref_slice %arg2[%dma_start3A_103, %dma_start3A_104] : memref<10240x128xf32, #tpu.memory_space<hbm>> -> memref<10240x128xf32, #tpu.memory_space<hbm>>
          tpu.enqueue_indirect_dma source(%dma_start3A_105 : memref<10240x128xf32, #tpu.memory_space<hbm>>) target(%arg9 : memref<128x128xf32, #tpu.memory_space<vmem>>) offsets(%dma_start3A_102 : memref<128xi32, #tpu.memory_space<vmem>>) semaphore(%arg12 : memref<!tpu.dma_semaphore, #tpu.memory_space<semaphore_mem>>)
          %dma_wait3A_106 = arith.constant 0 : i32
          %dma_wait3A_107 = tpu.memref_slice %arg8[%mul3A_63, %dma_wait3A_106] : memref<8x128xi32, #tpu.memory_space<vmem>> -> memref<1x128xi32, #tpu.memory_space<vmem>>
          %dma_wait3A_108 = tpu.memref_squeeze %dma_wait3A_107 : memref<1x128xi32, #tpu.memory_space<vmem>> -> memref<128xi32, #tpu.memory_space<vmem>>
          %dma_wait3A_109 = arith.constant 0 : i32
          %dma_wait3A_110 = arith.constant 0 : i32
          %dma_wait3A_111 = tpu.memref_slice %arg11[%dma_wait3A_109, %dma_wait3A_110] : memref<10240x128xf32, #tpu.memory_space<vmem_shared>> -> memref<10240x128xf32, #tpu.memory_space<vmem_shared>>
          tpu.wait_indirect_dma semaphore(%arg15 : memref<!tpu.dma_semaphore, #tpu.memory_space<semaphore_mem>>) src(%arg10 : memref<128x128xf32, #tpu.memory_space<vmem>>) dst(%dma_wait3A_111 : memref<10240x128xf32, #tpu.memory_space<vmem_shared>>)
          %add3A_112 = arith.constant 3 : i32
          %add3A_113 = arith.addi %mul3A_63, %add3A_112 : i32
          %dma_start3A_114 = arith.constant 0 : i32
          %dma_start3A_115 = tpu.memref_slice %arg7[%add3A_113, %dma_start3A_114] : memref<8x128xi32, #tpu.memory_space<vmem>> -> memref<1x128xi32, #tpu.memory_space<vmem>>
          %dma_start3A_116 = tpu.memref_squeeze %dma_start3A_115 : memref<1x128xi32, #tpu.memory_space<vmem>> -> memref<128xi32, #tpu.memory_space<vmem>>
          %dma_start3A_117 = arith.constant 0 : i32
          %dma_start3A_118 = arith.constant 0 : i32
          %dma_start3A_119 = tpu.memref_slice %arg2[%dma_start3A_117, %dma_start3A_118] : memref<10240x128xf32, #tpu.memory_space<hbm>> -> memref<10240x128xf32, #tpu.memory_space<hbm>>
          tpu.enqueue_indirect_dma source(%dma_start3A_119 : memref<10240x128xf32, #tpu.memory_space<hbm>>) target(%arg10 : memref<128x128xf32, #tpu.memory_space<vmem>>) offsets(%dma_start3A_116 : memref<128xi32, #tpu.memory_space<vmem>>) semaphore(%arg13 : memref<!tpu.dma_semaphore, #tpu.memory_space<semaphore_mem>>)
        } else {
        }
      }
      %scan3A_47 = arith.constant 4 : i32
      %dma_wait3A = arith.constant 0 : i32
      %dma_wait3A_48 = arith.constant 0 : i32
      %dma_wait3A_49 = tpu.memref_slice %arg8[%dma_wait3A, %dma_wait3A_48] : memref<8x128xi32, #tpu.memory_space<vmem>> -> memref<1x128xi32, #tpu.memory_space<vmem>>
      %dma_wait3A_50 = tpu.memref_squeeze %dma_wait3A_49 : memref<1x128xi32, #tpu.memory_space<vmem>> -> memref<128xi32, #tpu.memory_space<vmem>>
      %dma_wait3A_51 = arith.constant 0 : i32
      %dma_wait3A_52 = arith.constant 0 : i32
      %dma_wait3A_53 = tpu.memref_slice %arg11[%dma_wait3A_51, %dma_wait3A_52] : memref<10240x128xf32, #tpu.memory_space<vmem_shared>> -> memref<10240x128xf32, #tpu.memory_space<vmem_shared>>
      tpu.wait_indirect_dma semaphore(%arg14 : memref<!tpu.dma_semaphore, #tpu.memory_space<semaphore_mem>>) src(%arg9 : memref<128x128xf32, #tpu.memory_space<vmem>>) dst(%dma_wait3A_53 : memref<10240x128xf32, #tpu.memory_space<vmem_shared>>)
      %dma_wait3A_54 = arith.constant 0 : i32
      %dma_wait3A_55 = arith.constant 0 : i32
      %dma_wait3A_56 = tpu.memref_slice %arg8[%dma_wait3A_54, %dma_wait3A_55] : memref<8x128xi32, #tpu.memory_space<vmem>> -> memref<1x128xi32, #tpu.memory_space<vmem>>
      %dma_wait3A_57 = tpu.memref_squeeze %dma_wait3A_56 : memref<1x128xi32, #tpu.memory_space<vmem>> -> memref<128xi32, #tpu.memory_space<vmem>>
      %dma_wait3A_58 = arith.constant 0 : i32
      %dma_wait3A_59 = arith.constant 0 : i32
      %dma_wait3A_60 = tpu.memref_slice %arg11[%dma_wait3A_58, %dma_wait3A_59] : memref<10240x128xf32, #tpu.memory_space<vmem_shared>> -> memref<10240x128xf32, #tpu.memory_space<vmem_shared>>
      tpu.wait_indirect_dma semaphore(%arg15 : memref<!tpu.dma_semaphore, #tpu.memory_space<semaphore_mem>>) src(%arg10 : memref<128x128xf32, #tpu.memory_space<vmem>>) dst(%dma_wait3A_60 : memref<10240x128xf32, #tpu.memory_space<vmem_shared>>)
    }
    %while3A_20 = arith.constant 1 : i32
    scf.for %while3A_26 = %while3A_18 to %while3A_14 step %while3A_20  : i32 {
      %mul3A_27 = arith.constant 8 : i32
      %mul3A_28 = arith.muli %while3A_26, %mul3A_27 : i32
      %add3A_29 = arith.addi %select_n3A, %mul3A_28 : i32
      "tpu.region"() ({
        %run_scoped3A = tpu.sem_alloc : memref<!tpu.dma_semaphore, #tpu.memory_space<semaphore_mem>>
        %dma_start3A_61 = arith.constant 0 : i32
        %dma_start3A_62 = tpu.memref_slice %arg3[%add3A_29, %dma_start3A_61] : memref<2560x128xi32, #tpu.memory_space<hbm>> -> memref<8x128xi32, #tpu.memory_space<hbm>>
        %dma_start3A_63 = arith.constant 0 : i32
        %dma_start3A_64 = tpu.memref_slice %arg3[%add3A_29, %dma_start3A_63] : memref<2560x128xi32, #tpu.memory_space<hbm>> -> memref<8x128xi32, #tpu.memory_space<hbm>>
        tpu.enqueue_dma source(%dma_start3A_64 : memref<8x128xi32, #tpu.memory_space<hbm>>) target(%arg7 : memref<8x128xi32, #tpu.memory_space<vmem>>) target_semaphore(%run_scoped3A : memref<!tpu.dma_semaphore, #tpu.memory_space<semaphore_mem>>)
        %dma_wait3A_65 = arith.constant 0 : i32
        %dma_wait3A_66 = tpu.memref_slice %arg3[%add3A_29, %dma_wait3A_65] : memref<2560x128xi32, #tpu.memory_space<hbm>> -> memref<8x128xi32, #tpu.memory_space<hbm>>
        %dma_wait3A_67 = arith.constant 0 : i32
        %dma_wait3A_68 = tpu.memref_slice %arg3[%add3A_29, %dma_wait3A_67] : memref<2560x128xi32, #tpu.memory_space<hbm>> -> memref<8x128xi32, #tpu.memory_space<hbm>>
        tpu.wait_dma2 semaphore(%run_scoped3A : memref<!tpu.dma_semaphore, #tpu.memory_space<semaphore_mem>>) src(%dma_wait3A_68 : memref<8x128xi32, #tpu.memory_space<hbm>>) dst(%arg7 : memref<8x128xi32, #tpu.memory_space<vmem>>)
        tpu.yield
      }) : () -> ()
      "tpu.region"() ({
        %run_scoped3A = tpu.sem_alloc : memref<!tpu.dma_semaphore, #tpu.memory_space<semaphore_mem>>
        %dma_start3A_61 = arith.constant 0 : i32
        %dma_start3A_62 = tpu.memref_slice %arg4[%add3A_29, %dma_start3A_61] : memref<2560x128xi32, #tpu.memory_space<hbm>> -> memref<8x128xi32, #tpu.memory_space<hbm>>
        %dma_start3A_63 = arith.constant 0 : i32
        %dma_start3A_64 = tpu.memref_slice %arg4[%add3A_29, %dma_start3A_63] : memref<2560x128xi32, #tpu.memory_space<hbm>> -> memref<8x128xi32, #tpu.memory_space<hbm>>
        tpu.enqueue_dma source(%dma_start3A_64 : memref<8x128xi32, #tpu.memory_space<hbm>>) target(%arg8 : memref<8x128xi32, #tpu.memory_space<vmem>>) target_semaphore(%run_scoped3A : memref<!tpu.dma_semaphore, #tpu.memory_space<semaphore_mem>>)
        %dma_wait3A_65 = arith.constant 0 : i32
        %dma_wait3A_66 = tpu.memref_slice %arg4[%add3A_29, %dma_wait3A_65] : memref<2560x128xi32, #tpu.memory_space<hbm>> -> memref<8x128xi32, #tpu.memory_space<hbm>>
        %dma_wait3A_67 = arith.constant 0 : i32
        %dma_wait3A_68 = tpu.memref_slice %arg4[%add3A_29, %dma_wait3A_67] : memref<2560x128xi32, #tpu.memory_space<hbm>> -> memref<8x128xi32, #tpu.memory_space<hbm>>
        tpu.wait_dma2 semaphore(%run_scoped3A : memref<!tpu.dma_semaphore, #tpu.memory_space<semaphore_mem>>) src(%dma_wait3A_68 : memref<8x128xi32, #tpu.memory_space<hbm>>) dst(%arg8 : memref<8x128xi32, #tpu.memory_space<vmem>>)
        tpu.yield
      }) : () -> ()
      %dma_start3A = arith.constant 0 : i32
      %dma_start3A_30 = arith.constant 0 : i32
      %dma_start3A_31 = tpu.memref_slice %arg7[%dma_start3A, %dma_start3A_30] : memref<8x128xi32, #tpu.memory_space<vmem>> -> memref<1x128xi32, #tpu.memory_space<vmem>>
      %dma_start3A_32 = tpu.memref_squeeze %dma_start3A_31 : memref<1x128xi32, #tpu.memory_space<vmem>> -> memref<128xi32, #tpu.memory_space<vmem>>
      %dma_start3A_33 = arith.constant 0 : i32
      %dma_start3A_34 = arith.constant 0 : i32
      %dma_start3A_35 = tpu.memref_slice %arg2[%dma_start3A_33, %dma_start3A_34] : memref<10240x128xf32, #tpu.memory_space<hbm>> -> memref<10240x128xf32, #tpu.memory_space<hbm>>
      tpu.enqueue_indirect_dma source(%dma_start3A_35 : memref<10240x128xf32, #tpu.memory_space<hbm>>) target(%arg9 : memref<128x128xf32, #tpu.memory_space<vmem>>) offsets(%dma_start3A_32 : memref<128xi32, #tpu.memory_space<vmem>>) semaphore(%arg12 : memref<!tpu.dma_semaphore, #tpu.memory_space<semaphore_mem>>)
      %dma_start3A_36 = arith.constant 1 : i32
      %dma_start3A_37 = arith.constant 0 : i32
      %dma_start3A_38 = tpu.memref_slice %arg7[%dma_start3A_36, %dma_start3A_37] : memref<8x128xi32, #tpu.memory_space<vmem>> -> memref<1x128xi32, #tpu.memory_space<vmem>>
      %dma_start3A_39 = tpu.memref_squeeze %dma_start3A_38 : memref<1x128xi32, #tpu.memory_space<vmem>> -> memref<128xi32, #tpu.memory_space<vmem>>
      %dma_start3A_40 = arith.constant 0 : i32
      %dma_start3A_41 = arith.constant 0 : i32
      %dma_start3A_42 = tpu.memref_slice %arg2[%dma_start3A_40, %dma_start3A_41] : memref<10240x128xf32, #tpu.memory_space<hbm>> -> memref<10240x128xf32, #tpu.memory_space<hbm>>
      tpu.enqueue_indirect_dma source(%dma_start3A_42 : memref<10240x128xf32, #tpu.memory_space<hbm>>) target(%arg10 : memref<128x128xf32, #tpu.memory_space<vmem>>) offsets(%dma_start3A_39 : memref<128xi32, #tpu.memory_space<vmem>>) semaphore(%arg13 : memref<!tpu.dma_semaphore, #tpu.memory_space<semaphore_mem>>)
      %scan3A = arith.constant 0 : i32
      %scan3A_43 = arith.constant 0 : i32
      %scan3A_44 = arith.constant 4 : i32
      %scan3A_45 = arith.addi %scan3A_43, %scan3A_44 : i32
      %scan3A_46 = arith.constant 1 : i32
      scf.for %scan3A_61 = %scan3A_43 to %scan3A_45 step %scan3A_46  : i32 {
        %mul3A_62 = arith.constant 2 : i32
        %mul3A_63 = arith.muli %mul3A_62, %scan3A_61 : i32
        %dma_wait3A_64 = arith.constant 0 : i32
        %dma_wait3A_65 = tpu.memref_slice %arg7[%mul3A_63, %dma_wait3A_64] : memref<8x128xi32, #tpu.memory_space<vmem>> -> memref<1x128xi32, #tpu.memory_space<vmem>>
        %dma_wait3A_66 = tpu.memref_squeeze %dma_wait3A_65 : memref<1x128xi32, #tpu.memory_space<vmem>> -> memref<128xi32, #tpu.memory_space<vmem>>
        %dma_wait3A_67 = arith.constant 0 : i32
        %dma_wait3A_68 = arith.constant 0 : i32
        %dma_wait3A_69 = tpu.memref_slice %arg2[%dma_wait3A_67, %dma_wait3A_68] : memref<10240x128xf32, #tpu.memory_space<hbm>> -> memref<10240x128xf32, #tpu.memory_space<hbm>>
        tpu.wait_indirect_dma semaphore(%arg12 : memref<!tpu.dma_semaphore, #tpu.memory_space<semaphore_mem>>) src(%dma_wait3A_69 : memref<10240x128xf32, #tpu.memory_space<hbm>>) dst(%arg9 : memref<128x128xf32, #tpu.memory_space<vmem>>)
        %dma_start3A_70 = arith.constant 0 : i32
        %dma_start3A_71 = tpu.memref_slice %arg8[%mul3A_63, %dma_start3A_70] : memref<8x128xi32, #tpu.memory_space<vmem>> -> memref<1x128xi32, #tpu.memory_space<vmem>>
        %dma_start3A_72 = tpu.memref_squeeze %dma_start3A_71 : memref<1x128xi32, #tpu.memory_space<vmem>> -> memref<128xi32, #tpu.memory_space<vmem>>
        %dma_start3A_73 = arith.constant 0 : i32
        %dma_start3A_74 = arith.constant 0 : i32
        %dma_start3A_75 = tpu.memref_slice %arg11[%dma_start3A_73, %dma_start3A_74] : memref<10240x128xf32, #tpu.memory_space<vmem_shared>> -> memref<10240x128xf32, #tpu.memory_space<vmem_shared>>
        tpu.enqueue_indirect_dma source(%arg9 : memref<128x128xf32, #tpu.memory_space<vmem>>) target(%dma_start3A_75 : memref<10240x128xf32, #tpu.memory_space<vmem_shared>>) offsets(%dma_start3A_72 : memref<128xi32, #tpu.memory_space<vmem>>) semaphore(%arg14 : memref<!tpu.dma_semaphore, #tpu.memory_space<semaphore_mem>>) {add = true}
        %dma_wait3A_76 = arith.constant 0 : i32
        %dma_wait3A_77 = tpu.memref_slice %arg7[%mul3A_63, %dma_wait3A_76] : memref<8x128xi32, #tpu.memory_space<vmem>> -> memref<1x128xi32, #tpu.memory_space<vmem>>
        %dma_wait3A_78 = tpu.memref_squeeze %dma_wait3A_77 : memref<1x128xi32, #tpu.memory_space<vmem>> -> memref<128xi32, #tpu.memory_space<vmem>>
        %dma_wait3A_79 = arith.constant 0 : i32
        %dma_wait3A_80 = arith.constant 0 : i32
        %dma_wait3A_81 = tpu.memref_slice %arg2[%dma_wait3A_79, %dma_wait3A_80] : memref<10240x128xf32, #tpu.memory_space<hbm>> -> memref<10240x128xf32, #tpu.memory_space<hbm>>
        tpu.wait_indirect_dma semaphore(%arg13 : memref<!tpu.dma_semaphore, #tpu.memory_space<semaphore_mem>>) src(%dma_wait3A_81 : memref<10240x128xf32, #tpu.memory_space<hbm>>) dst(%arg10 : memref<128x128xf32, #tpu.memory_space<vmem>>)
        %add3A_82 = arith.constant 1 : i32
        %add3A_83 = arith.addi %mul3A_63, %add3A_82 : i32
        %dma_start3A_84 = arith.constant 0 : i32
        %dma_start3A_85 = tpu.memref_slice %arg8[%add3A_83, %dma_start3A_84] : memref<8x128xi32, #tpu.memory_space<vmem>> -> memref<1x128xi32, #tpu.memory_space<vmem>>
        %dma_start3A_86 = tpu.memref_squeeze %dma_start3A_85 : memref<1x128xi32, #tpu.memory_space<vmem>> -> memref<128xi32, #tpu.memory_space<vmem>>
        %dma_start3A_87 = arith.constant 0 : i32
        %dma_start3A_88 = arith.constant 0 : i32
        %dma_start3A_89 = tpu.memref_slice %arg11[%dma_start3A_87, %dma_start3A_88] : memref<10240x128xf32, #tpu.memory_space<vmem_shared>> -> memref<10240x128xf32, #tpu.memory_space<vmem_shared>>
        tpu.enqueue_indirect_dma source(%arg10 : memref<128x128xf32, #tpu.memory_space<vmem>>) target(%dma_start3A_89 : memref<10240x128xf32, #tpu.memory_space<vmem_shared>>) offsets(%dma_start3A_86 : memref<128xi32, #tpu.memory_space<vmem>>) semaphore(%arg15 : memref<!tpu.dma_semaphore, #tpu.memory_space<semaphore_mem>>) {add = true}
        %lt3A = arith.constant 3 : i32
        %lt3A_90 = arith.cmpi slt, %scan3A_61, %lt3A : i32
        %convert_element_type3A = arith.extui %lt3A_90 : i1 to i32
        %cond3A = arith.constant 0 : i32
        %cond3A_91 = arith.cmpi ne, %convert_element_type3A, %cond3A : i32
        scf.if %cond3A_91 {
          %dma_wait3A_92 = arith.constant 0 : i32
          %dma_wait3A_93 = tpu.memref_slice %arg8[%mul3A_63, %dma_wait3A_92] : memref<8x128xi32, #tpu.memory_space<vmem>> -> memref<1x128xi32, #tpu.memory_space<vmem>>
          %dma_wait3A_94 = tpu.memref_squeeze %dma_wait3A_93 : memref<1x128xi32, #tpu.memory_space<vmem>> -> memref<128xi32, #tpu.memory_space<vmem>>
          %dma_wait3A_95 = arith.constant 0 : i32
          %dma_wait3A_96 = arith.constant 0 : i32
          %dma_wait3A_97 = tpu.memref_slice %arg11[%dma_wait3A_95, %dma_wait3A_96] : memref<10240x128xf32, #tpu.memory_space<vmem_shared>> -> memref<10240x128xf32, #tpu.memory_space<vmem_shared>>
          tpu.wait_indirect_dma semaphore(%arg14 : memref<!tpu.dma_semaphore, #tpu.memory_space<semaphore_mem>>) src(%arg9 : memref<128x128xf32, #tpu.memory_space<vmem>>) dst(%dma_wait3A_97 : memref<10240x128xf32, #tpu.memory_space<vmem_shared>>)
          %add3A_98 = arith.constant 2 : i32
          %add3A_99 = arith.addi %mul3A_63, %add3A_98 : i32
          %dma_start3A_100 = arith.constant 0 : i32
          %dma_start3A_101 = tpu.memref_slice %arg7[%add3A_99, %dma_start3A_100] : memref<8x128xi32, #tpu.memory_space<vmem>> -> memref<1x128xi32, #tpu.memory_space<vmem>>
          %dma_start3A_102 = tpu.memref_squeeze %dma_start3A_101 : memref<1x128xi32, #tpu.memory_space<vmem>> -> memref<128xi32, #tpu.memory_space<vmem>>
          %dma_start3A_103 = arith.constant 0 : i32
          %dma_start3A_104 = arith.constant 0 : i32
          %dma_start3A_105 = tpu.memref_slice %arg2[%dma_start3A_103, %dma_start3A_104] : memref<10240x128xf32, #tpu.memory_space<hbm>> -> memref<10240x128xf32, #tpu.memory_space<hbm>>
          tpu.enqueue_indirect_dma source(%dma_start3A_105 : memref<10240x128xf32, #tpu.memory_space<hbm>>) target(%arg9 : memref<128x128xf32, #tpu.memory_space<vmem>>) offsets(%dma_start3A_102 : memref<128xi32, #tpu.memory_space<vmem>>) semaphore(%arg12 : memref<!tpu.dma_semaphore, #tpu.memory_space<semaphore_mem>>)
          %dma_wait3A_106 = arith.constant 0 : i32
          %dma_wait3A_107 = tpu.memref_slice %arg8[%mul3A_63, %dma_wait3A_106] : memref<8x128xi32, #tpu.memory_space<vmem>> -> memref<1x128xi32, #tpu.memory_space<vmem>>
          %dma_wait3A_108 = tpu.memref_squeeze %dma_wait3A_107 : memref<1x128xi32, #tpu.memory_space<vmem>> -> memref<128xi32, #tpu.memory_space<vmem>>
          %dma_wait3A_109 = arith.constant 0 : i32
          %dma_wait3A_110 = arith.constant 0 : i32
          %dma_wait3A_111 = tpu.memref_slice %arg11[%dma_wait3A_109, %dma_wait3A_110] : memref<10240x128xf32, #tpu.memory_space<vmem_shared>> -> memref<10240x128xf32, #tpu.memory_space<vmem_shared>>
          tpu.wait_indirect_dma semaphore(%arg15 : memref<!tpu.dma_semaphore, #tpu.memory_space<semaphore_mem>>) src(%arg10 : memref<128x128xf32, #tpu.memory_space<vmem>>) dst(%dma_wait3A_111 : memref<10240x128xf32, #tpu.memory_space<vmem_shared>>)
          %add3A_112 = arith.constant 3 : i32
          %add3A_113 = arith.addi %mul3A_63, %add3A_112 : i32
          %dma_start3A_114 = arith.constant 0 : i32
          %dma_start3A_115 = tpu.memref_slice %arg7[%add3A_113, %dma_start3A_114] : memref<8x128xi32, #tpu.memory_space<vmem>> -> memref<1x128xi32, #tpu.memory_space<vmem>>
          %dma_start3A_116 = tpu.memref_squeeze %dma_start3A_115 : memref<1x128xi32, #tpu.memory_space<vmem>> -> memref<128xi32, #tpu.memory_space<vmem>>
          %dma_start3A_117 = arith.constant 0 : i32
          %dma_start3A_118 = arith.constant 0 : i32
          %dma_start3A_119 = tpu.memref_slice %arg2[%dma_start3A_117, %dma_start3A_118] : memref<10240x128xf32, #tpu.memory_space<hbm>> -> memref<10240x128xf32, #tpu.memory_space<hbm>>
          tpu.enqueue_indirect_dma source(%dma_start3A_119 : memref<10240x128xf32, #tpu.memory_space<hbm>>) target(%arg10 : memref<128x128xf32, #tpu.memory_space<vmem>>) offsets(%dma_start3A_116 : memref<128xi32, #tpu.memory_space<vmem>>) semaphore(%arg13 : memref<!tpu.dma_semaphore, #tpu.memory_space<semaphore_mem>>)
        } else {
        }
      }
      %scan3A_47 = arith.constant 4 : i32
      %dma_wait3A = arith.constant 0 : i32
      %dma_wait3A_48 = arith.constant 0 : i32
      %dma_wait3A_49 = tpu.memref_slice %arg8[%dma_wait3A, %dma_wait3A_48] : memref<8x128xi32, #tpu.memory_space<vmem>> -> memref<1x128xi32, #tpu.memory_space<vmem>>
      %dma_wait3A_50 = tpu.memref_squeeze %dma_wait3A_49 : memref<1x128xi32, #tpu.memory_space<vmem>> -> memref<128xi32, #tpu.memory_space<vmem>>
      %dma_wait3A_51 = arith.constant 0 : i32
      %dma_wait3A_52 = arith.constant 0 : i32
      %dma_wait3A_53 = tpu.memref_slice %arg11[%dma_wait3A_51, %dma_wait3A_52] : memref<10240x128xf32, #tpu.memory_space<vmem_shared>> -> memref<10240x128xf32, #tpu.memory_space<vmem_shared>>
      tpu.wait_indirect_dma semaphore(%arg14 : memref<!tpu.dma_semaphore, #tpu.memory_space<semaphore_mem>>) src(%arg9 : memref<128x128xf32, #tpu.memory_space<vmem>>) dst(%dma_wait3A_53 : memref<10240x128xf32, #tpu.memory_space<vmem_shared>>)
      %dma_wait3A_54 = arith.constant 0 : i32
      %dma_wait3A_55 = arith.constant 0 : i32
      %dma_wait3A_56 = tpu.memref_slice %arg8[%dma_wait3A_54, %dma_wait3A_55] : memref<8x128xi32, #tpu.memory_space<vmem>> -> memref<1x128xi32, #tpu.memory_space<vmem>>
      %dma_wait3A_57 = tpu.memref_squeeze %dma_wait3A_56 : memref<1x128xi32, #tpu.memory_space<vmem>> -> memref<128xi32, #tpu.memory_space<vmem>>
      %dma_wait3A_58 = arith.constant 0 : i32
      %dma_wait3A_59 = arith.constant 0 : i32
      %dma_wait3A_60 = tpu.memref_slice %arg11[%dma_wait3A_58, %dma_wait3A_59] : memref<10240x128xf32, #tpu.memory_space<vmem_shared>> -> memref<10240x128xf32, #tpu.memory_space<vmem_shared>>
      tpu.wait_indirect_dma semaphore(%arg15 : memref<!tpu.dma_semaphore, #tpu.memory_space<semaphore_mem>>) src(%arg10 : memref<128x128xf32, #tpu.memory_space<vmem>>) dst(%dma_wait3A_60 : memref<10240x128xf32, #tpu.memory_space<vmem_shared>>)
    }
    %barrier3A_21 = arith.constant 0 : index
    tpu.barrier barrier_id(%barrier3A_21)
    %mul3A_22 = arith.constant 640 : i32
    %mul3A_23 = arith.muli %arg1, %mul3A_22 : i32
    %mul3A_24 = arith.constant 640 : i32
    %mul3A_25 = arith.muli %arg1, %mul3A_24 : i32
    "tpu.region"() ({
      %run_scoped3A = tpu.sem_alloc : memref<!tpu.dma_semaphore, #tpu.memory_space<semaphore_mem>>
      %dma_start3A = arith.constant 0 : i32
      %dma_start3A_26 = tpu.memref_slice %arg6[%arg0, %mul3A_25, %dma_start3A] : memref<2x10240x128xf32, #tpu.memory_space<hbm>> -> memref<1x640x128xf32, #tpu.memory_space<hbm>>
      %dma_start3A_27 = tpu.memref_squeeze %dma_start3A_26 : memref<1x640x128xf32, #tpu.memory_space<hbm>> -> memref<640x128xf32, #tpu.memory_space<hbm>>
      %dma_start3A_28 = arith.constant 0 : i32
      %dma_start3A_29 = tpu.memref_slice %arg11[%mul3A_23, %dma_start3A_28] : memref<10240x128xf32, #tpu.memory_space<vmem_shared>> -> memref<640x128xf32, #tpu.memory_space<vmem_shared>>
      tpu.enqueue_dma source(%dma_start3A_29 : memref<640x128xf32, #tpu.memory_space<vmem_shared>>) target(%dma_start3A_27 : memref<640x128xf32, #tpu.memory_space<hbm>>) target_semaphore(%run_scoped3A : memref<!tpu.dma_semaphore, #tpu.memory_space<semaphore_mem>>)
      %dma_wait3A = arith.constant 0 : i32
      %dma_wait3A_30 = tpu.memref_slice %arg6[%arg0, %mul3A_25, %dma_wait3A] : memref<2x10240x128xf32, #tpu.memory_space<hbm>> -> memref<1x640x128xf32, #tpu.memory_space<hbm>>
      %dma_wait3A_31 = tpu.memref_squeeze %dma_wait3A_30 : memref<1x640x128xf32, #tpu.memory_space<hbm>> -> memref<640x128xf32, #tpu.memory_space<hbm>>
      %dma_wait3A_32 = arith.constant 0 : i32
      %dma_wait3A_33 = tpu.memref_slice %arg11[%mul3A_23, %dma_wait3A_32] : memref<10240x128xf32, #tpu.memory_space<vmem_shared>> -> memref<640x128xf32, #tpu.memory_space<vmem_shared>>
      tpu.wait_dma2 semaphore(%run_scoped3A : memref<!tpu.dma_semaphore, #tpu.memory_space<semaphore_mem>>) src(%dma_wait3A_33 : memref<640x128xf32, #tpu.memory_space<vmem_shared>>) dst(%dma_wait3A_31 : memref<640x128xf32, #tpu.memory_space<hbm>>)
      tpu.yield
    }) : () -> ()
    return
  }
}

#map = affine_map<(d0, d1) -> (0, 0)>
#map1 = affine_map<(d0, d1) -> (0, 0, 0)>
module attributes {stable_mosaic.version = 14 : i64} {
  func.func @agg(%arg0: i32, %arg1: i32, %arg2: memref<10240x128xf32, #tpu.memory_space<hbm>>, %arg3: memref<2560x128xi32, #tpu.memory_space<hbm>>, %arg4: memref<2560x128xi32, #tpu.memory_space<hbm>>, %arg5: memref<640x128xf32, #tpu.memory_space<hbm>>, %arg6: memref<2x10240x128xf32, #tpu.memory_space<hbm>>, %arg7: memref<8x128xi32, #tpu.memory_space<vmem>>, %arg8: memref<8x128xi32, #tpu.memory_space<vmem>>, %arg9: memref<128x128xf32, #tpu.memory_space<vmem>>, %arg10: memref<128x128xf32, #tpu.memory_space<vmem>>, %arg11: memref<10240x128xf32, #tpu.memory_space<vmem_shared>>, %arg12: memref<!tpu.dma_semaphore, #tpu.memory_space<semaphore_mem>>, %arg13: memref<!tpu.dma_semaphore, #tpu.memory_space<semaphore_mem>>, %arg14: memref<!tpu.dma_semaphore, #tpu.memory_space<semaphore_mem>>, %arg15: memref<!tpu.dma_semaphore, #tpu.memory_space<semaphore_mem>>) attributes {dimension_semantics = [#tpu.dimension_semantics<core_parallel>, #tpu.dimension_semantics<subcore_parallel>], iteration_bounds = array<i64: 2, 16>, scalar_prefetch = 0 : i64, scratch_operands = 9 : i64, tpu.core_type = #tpu.core_type<sc_vector_subcore>, window_params = [{transform_indices = #map}, {transform_indices = #map}, {transform_indices = #map}, {transform_indices = #map}, {transform_indices = #map1}]} {
    %mul3A = arith.constant 640 : i32
    %mul3A_0 = arith.muli %arg1, %mul3A : i32
    "tpu.region"() ({
      %run_scoped3A = tpu.sem_alloc : memref<!tpu.dma_semaphore, #tpu.memory_space<semaphore_mem>>
      %dma_start3A = arith.constant 0 : i32
      %dma_start3A_26 = tpu.memref_slice %arg11[%mul3A_0, %dma_start3A] : memref<10240x128xf32, #tpu.memory_space<vmem_shared>> -> memref<640x128xf32, #tpu.memory_space<vmem_shared>>
      tpu.enqueue_dma source(%arg5 : memref<640x128xf32, #tpu.memory_space<hbm>>) target(%dma_start3A_26 : memref<640x128xf32, #tpu.memory_space<vmem_shared>>) target_semaphore(%run_scoped3A : memref<!tpu.dma_semaphore, #tpu.memory_space<semaphore_mem>>)
      %dma_wait3A = arith.constant 0 : i32
      %dma_wait3A_27 = tpu.memref_slice %arg11[%mul3A_0, %dma_wait3A] : memref<10240x128xf32, #tpu.memory_space<vmem_shared>> -> memref<640x128xf32, #tpu.memory_space<vmem_shared>>
      tpu.wait_dma2 semaphore(%run_scoped3A : memref<!tpu.dma_semaphore, #tpu.memory_space<semaphore_mem>>) src(%arg5 : memref<640x128xf32, #tpu.memory_space<hbm>>) dst(%dma_wait3A_27 : memref<640x128xf32, #tpu.memory_space<vmem_shared>>)
      tpu.yield
    }) : () -> ()
    %barrier3A = arith.constant 0 : index
    tpu.barrier barrier_id(%barrier3A)
    %eq3A = arith.constant 0 : i32
    %eq3A_1 = arith.cmpi eq, %arg0, %eq3A : i32
    %mul3A_2 = arith.constant 136 : i32
    %mul3A_3 = arith.muli %arg1, %mul3A_2 : i32
    %mul3A_4 = arith.constant 24 : i32
    %mul3A_5 = arith.muli %arg1, %mul3A_4 : i32
    %add3A = arith.constant 2176 : i32
    %add3A_6 = arith.addi %add3A, %mul3A_5 : i32
    %select_n3A = arith.select %eq3A_1, %mul3A_3, %add3A_6 : i32
    %eq3A_7 = arith.constant 0 : i32
    %eq3A_8 = arith.cmpi eq, %arg0, %eq3A_7 : i32
    %select_n3A_9 = arith.constant 3 : i32
    %select_n3A_10 = arith.constant 17 : i32
    %select_n3A_11 = arith.select %eq3A_8, %select_n3A_10, %select_n3A_9 : i32
    %while3A = arith.constant 0 : i32
    %while3A_12 = arith.constant 0 : i32
    %while3A_13 = arith.subi %select_n3A_11, %while3A_12 : i32
    %while3A_14 = arith.addi %while3A_12, %while3A_13 : i32
    %while3A_15 = arith.constant 1 : i32
    %while3A_16 = arith.divsi %while3A_13, %while3A_15 : i32
    %while3A_17 = arith.muli %while3A_16, %while3A_15 : i32
    %while3A_18 = arith.addi %while3A_12, %while3A_17 : i32
    %while3A_19 = arith.constant 1 : i32
    scf.for %while3A_26 = %while3A_12 to %while3A_18 step %while3A_19  : i32 {
      %mul3A_27 = arith.constant 8 : i32
      %mul3A_28 = arith.muli %while3A_26, %mul3A_27 : i32
      %add3A_29 = arith.addi %select_n3A, %mul3A_28 : i32
      "tpu.region"() ({
        %run_scoped3A = tpu.sem_alloc : memref<!tpu.dma_semaphore, #tpu.memory_space<semaphore_mem>>
        %dma_start3A_61 = arith.constant 0 : i32
        %dma_start3A_62 = tpu.memref_slice %arg3[%add3A_29, %dma_start3A_61] : memref<2560x128xi32, #tpu.memory_space<hbm>> -> memref<8x128xi32, #tpu.memory_space<hbm>>
        %dma_start3A_63 = arith.constant 0 : i32
        %dma_start3A_64 = tpu.memref_slice %arg3[%add3A_29, %dma_start3A_63] : memref<2560x128xi32, #tpu.memory_space<hbm>> -> memref<8x128xi32, #tpu.memory_space<hbm>>
        tpu.enqueue_dma source(%dma_start3A_64 : memref<8x128xi32, #tpu.memory_space<hbm>>) target(%arg7 : memref<8x128xi32, #tpu.memory_space<vmem>>) target_semaphore(%run_scoped3A : memref<!tpu.dma_semaphore, #tpu.memory_space<semaphore_mem>>)
        %dma_wait3A_65 = arith.constant 0 : i32
        %dma_wait3A_66 = tpu.memref_slice %arg3[%add3A_29, %dma_wait3A_65] : memref<2560x128xi32, #tpu.memory_space<hbm>> -> memref<8x128xi32, #tpu.memory_space<hbm>>
        %dma_wait3A_67 = arith.constant 0 : i32
        %dma_wait3A_68 = tpu.memref_slice %arg3[%add3A_29, %dma_wait3A_67] : memref<2560x128xi32, #tpu.memory_space<hbm>> -> memref<8x128xi32, #tpu.memory_space<hbm>>
        tpu.wait_dma2 semaphore(%run_scoped3A : memref<!tpu.dma_semaphore, #tpu.memory_space<semaphore_mem>>) src(%dma_wait3A_68 : memref<8x128xi32, #tpu.memory_space<hbm>>) dst(%arg7 : memref<8x128xi32, #tpu.memory_space<vmem>>)
        tpu.yield
      }) : () -> ()
      "tpu.region"() ({
        %run_scoped3A = tpu.sem_alloc : memref<!tpu.dma_semaphore, #tpu.memory_space<semaphore_mem>>
        %dma_start3A_61 = arith.constant 0 : i32
        %dma_start3A_62 = tpu.memref_slice %arg4[%add3A_29, %dma_start3A_61] : memref<2560x128xi32, #tpu.memory_space<hbm>> -> memref<8x128xi32, #tpu.memory_space<hbm>>
        %dma_start3A_63 = arith.constant 0 : i32
        %dma_start3A_64 = tpu.memref_slice %arg4[%add3A_29, %dma_start3A_63] : memref<2560x128xi32, #tpu.memory_space<hbm>> -> memref<8x128xi32, #tpu.memory_space<hbm>>
        tpu.enqueue_dma source(%dma_start3A_64 : memref<8x128xi32, #tpu.memory_space<hbm>>) target(%arg8 : memref<8x128xi32, #tpu.memory_space<vmem>>) target_semaphore(%run_scoped3A : memref<!tpu.dma_semaphore, #tpu.memory_space<semaphore_mem>>)
        %dma_wait3A_65 = arith.constant 0 : i32
        %dma_wait3A_66 = tpu.memref_slice %arg4[%add3A_29, %dma_wait3A_65] : memref<2560x128xi32, #tpu.memory_space<hbm>> -> memref<8x128xi32, #tpu.memory_space<hbm>>
        %dma_wait3A_67 = arith.constant 0 : i32
        %dma_wait3A_68 = tpu.memref_slice %arg4[%add3A_29, %dma_wait3A_67] : memref<2560x128xi32, #tpu.memory_space<hbm>> -> memref<8x128xi32, #tpu.memory_space<hbm>>
        tpu.wait_dma2 semaphore(%run_scoped3A : memref<!tpu.dma_semaphore, #tpu.memory_space<semaphore_mem>>) src(%dma_wait3A_68 : memref<8x128xi32, #tpu.memory_space<hbm>>) dst(%arg8 : memref<8x128xi32, #tpu.memory_space<vmem>>)
        tpu.yield
      }) : () -> ()
      %dma_start3A = arith.constant 0 : i32
      %dma_start3A_30 = arith.constant 0 : i32
      %dma_start3A_31 = tpu.memref_slice %arg7[%dma_start3A, %dma_start3A_30] : memref<8x128xi32, #tpu.memory_space<vmem>> -> memref<1x128xi32, #tpu.memory_space<vmem>>
      %dma_start3A_32 = tpu.memref_squeeze %dma_start3A_31 : memref<1x128xi32, #tpu.memory_space<vmem>> -> memref<128xi32, #tpu.memory_space<vmem>>
      %dma_start3A_33 = arith.constant 0 : i32
      %dma_start3A_34 = arith.constant 0 : i32
      %dma_start3A_35 = tpu.memref_slice %arg2[%dma_start3A_33, %dma_start3A_34] : memref<10240x128xf32, #tpu.memory_space<hbm>> -> memref<10240x128xf32, #tpu.memory_space<hbm>>
      tpu.enqueue_indirect_dma source(%dma_start3A_35 : memref<10240x128xf32, #tpu.memory_space<hbm>>) target(%arg9 : memref<128x128xf32, #tpu.memory_space<vmem>>) offsets(%dma_start3A_32 : memref<128xi32, #tpu.memory_space<vmem>>) semaphore(%arg12 : memref<!tpu.dma_semaphore, #tpu.memory_space<semaphore_mem>>)
      %dma_start3A_36 = arith.constant 1 : i32
      %dma_start3A_37 = arith.constant 0 : i32
      %dma_start3A_38 = tpu.memref_slice %arg7[%dma_start3A_36, %dma_start3A_37] : memref<8x128xi32, #tpu.memory_space<vmem>> -> memref<1x128xi32, #tpu.memory_space<vmem>>
      %dma_start3A_39 = tpu.memref_squeeze %dma_start3A_38 : memref<1x128xi32, #tpu.memory_space<vmem>> -> memref<128xi32, #tpu.memory_space<vmem>>
      %dma_start3A_40 = arith.constant 0 : i32
      %dma_start3A_41 = arith.constant 0 : i32
      %dma_start3A_42 = tpu.memref_slice %arg2[%dma_start3A_40, %dma_start3A_41] : memref<10240x128xf32, #tpu.memory_space<hbm>> -> memref<10240x128xf32, #tpu.memory_space<hbm>>
      tpu.enqueue_indirect_dma source(%dma_start3A_42 : memref<10240x128xf32, #tpu.memory_space<hbm>>) target(%arg10 : memref<128x128xf32, #tpu.memory_space<vmem>>) offsets(%dma_start3A_39 : memref<128xi32, #tpu.memory_space<vmem>>) semaphore(%arg13 : memref<!tpu.dma_semaphore, #tpu.memory_space<semaphore_mem>>)
      %scan3A = arith.constant 0 : i32
      %scan3A_43 = arith.constant 0 : i32
      %scan3A_44 = arith.constant 4 : i32
      %scan3A_45 = arith.addi %scan3A_43, %scan3A_44 : i32
      %scan3A_46 = arith.constant 1 : i32
      scf.for %scan3A_61 = %scan3A_43 to %scan3A_45 step %scan3A_46  : i32 {
        %mul3A_62 = arith.constant 2 : i32
        %mul3A_63 = arith.muli %mul3A_62, %scan3A_61 : i32
        %dma_wait3A_64 = arith.constant 0 : i32
        %dma_wait3A_65 = tpu.memref_slice %arg7[%mul3A_63, %dma_wait3A_64] : memref<8x128xi32, #tpu.memory_space<vmem>> -> memref<1x128xi32, #tpu.memory_space<vmem>>
        %dma_wait3A_66 = tpu.memref_squeeze %dma_wait3A_65 : memref<1x128xi32, #tpu.memory_space<vmem>> -> memref<128xi32, #tpu.memory_space<vmem>>
        %dma_wait3A_67 = arith.constant 0 : i32
        %dma_wait3A_68 = arith.constant 0 : i32
        %dma_wait3A_69 = tpu.memref_slice %arg2[%dma_wait3A_67, %dma_wait3A_68] : memref<10240x128xf32, #tpu.memory_space<hbm>> -> memref<10240x128xf32, #tpu.memory_space<hbm>>
        tpu.wait_indirect_dma semaphore(%arg12 : memref<!tpu.dma_semaphore, #tpu.memory_space<semaphore_mem>>) src(%dma_wait3A_69 : memref<10240x128xf32, #tpu.memory_space<hbm>>) dst(%arg9 : memref<128x128xf32, #tpu.memory_space<vmem>>)
        %dma_start3A_70 = arith.constant 0 : i32
        %dma_start3A_71 = tpu.memref_slice %arg8[%mul3A_63, %dma_start3A_70] : memref<8x128xi32, #tpu.memory_space<vmem>> -> memref<1x128xi32, #tpu.memory_space<vmem>>
        %dma_start3A_72 = tpu.memref_squeeze %dma_start3A_71 : memref<1x128xi32, #tpu.memory_space<vmem>> -> memref<128xi32, #tpu.memory_space<vmem>>
        %dma_start3A_73 = arith.constant 0 : i32
        %dma_start3A_74 = arith.constant 0 : i32
        %dma_start3A_75 = tpu.memref_slice %arg11[%dma_start3A_73, %dma_start3A_74] : memref<10240x128xf32, #tpu.memory_space<vmem_shared>> -> memref<10240x128xf32, #tpu.memory_space<vmem_shared>>
        tpu.enqueue_indirect_dma source(%arg9 : memref<128x128xf32, #tpu.memory_space<vmem>>) target(%dma_start3A_75 : memref<10240x128xf32, #tpu.memory_space<vmem_shared>>) offsets(%dma_start3A_72 : memref<128xi32, #tpu.memory_space<vmem>>) semaphore(%arg14 : memref<!tpu.dma_semaphore, #tpu.memory_space<semaphore_mem>>) {add = true}
        %dma_wait3A_76 = arith.constant 0 : i32
        %dma_wait3A_77 = tpu.memref_slice %arg7[%mul3A_63, %dma_wait3A_76] : memref<8x128xi32, #tpu.memory_space<vmem>> -> memref<1x128xi32, #tpu.memory_space<vmem>>
        %dma_wait3A_78 = tpu.memref_squeeze %dma_wait3A_77 : memref<1x128xi32, #tpu.memory_space<vmem>> -> memref<128xi32, #tpu.memory_space<vmem>>
        %dma_wait3A_79 = arith.constant 0 : i32
        %dma_wait3A_80 = arith.constant 0 : i32
        %dma_wait3A_81 = tpu.memref_slice %arg2[%dma_wait3A_79, %dma_wait3A_80] : memref<10240x128xf32, #tpu.memory_space<hbm>> -> memref<10240x128xf32, #tpu.memory_space<hbm>>
        tpu.wait_indirect_dma semaphore(%arg13 : memref<!tpu.dma_semaphore, #tpu.memory_space<semaphore_mem>>) src(%dma_wait3A_81 : memref<10240x128xf32, #tpu.memory_space<hbm>>) dst(%arg10 : memref<128x128xf32, #tpu.memory_space<vmem>>)
        %add3A_82 = arith.constant 1 : i32
        %add3A_83 = arith.addi %mul3A_63, %add3A_82 : i32
        %dma_start3A_84 = arith.constant 0 : i32
        %dma_start3A_85 = tpu.memref_slice %arg8[%add3A_83, %dma_start3A_84] : memref<8x128xi32, #tpu.memory_space<vmem>> -> memref<1x128xi32, #tpu.memory_space<vmem>>
        %dma_start3A_86 = tpu.memref_squeeze %dma_start3A_85 : memref<1x128xi32, #tpu.memory_space<vmem>> -> memref<128xi32, #tpu.memory_space<vmem>>
        %dma_start3A_87 = arith.constant 0 : i32
        %dma_start3A_88 = arith.constant 0 : i32
        %dma_start3A_89 = tpu.memref_slice %arg11[%dma_start3A_87, %dma_start3A_88] : memref<10240x128xf32, #tpu.memory_space<vmem_shared>> -> memref<10240x128xf32, #tpu.memory_space<vmem_shared>>
        tpu.enqueue_indirect_dma source(%arg10 : memref<128x128xf32, #tpu.memory_space<vmem>>) target(%dma_start3A_89 : memref<10240x128xf32, #tpu.memory_space<vmem_shared>>) offsets(%dma_start3A_86 : memref<128xi32, #tpu.memory_space<vmem>>) semaphore(%arg15 : memref<!tpu.dma_semaphore, #tpu.memory_space<semaphore_mem>>) {add = true}
        %lt3A = arith.constant 3 : i32
        %lt3A_90 = arith.cmpi slt, %scan3A_61, %lt3A : i32
        %convert_element_type3A = arith.extui %lt3A_90 : i1 to i32
        %cond3A = arith.constant 0 : i32
        %cond3A_91 = arith.cmpi ne, %convert_element_type3A, %cond3A : i32
        scf.if %cond3A_91 {
          %dma_wait3A_92 = arith.constant 0 : i32
          %dma_wait3A_93 = tpu.memref_slice %arg8[%mul3A_63, %dma_wait3A_92] : memref<8x128xi32, #tpu.memory_space<vmem>> -> memref<1x128xi32, #tpu.memory_space<vmem>>
          %dma_wait3A_94 = tpu.memref_squeeze %dma_wait3A_93 : memref<1x128xi32, #tpu.memory_space<vmem>> -> memref<128xi32, #tpu.memory_space<vmem>>
          %dma_wait3A_95 = arith.constant 0 : i32
          %dma_wait3A_96 = arith.constant 0 : i32
          %dma_wait3A_97 = tpu.memref_slice %arg11[%dma_wait3A_95, %dma_wait3A_96] : memref<10240x128xf32, #tpu.memory_space<vmem_shared>> -> memref<10240x128xf32, #tpu.memory_space<vmem_shared>>
          tpu.wait_indirect_dma semaphore(%arg14 : memref<!tpu.dma_semaphore, #tpu.memory_space<semaphore_mem>>) src(%arg9 : memref<128x128xf32, #tpu.memory_space<vmem>>) dst(%dma_wait3A_97 : memref<10240x128xf32, #tpu.memory_space<vmem_shared>>)
          %add3A_98 = arith.constant 2 : i32
          %add3A_99 = arith.addi %mul3A_63, %add3A_98 : i32
          %dma_start3A_100 = arith.constant 0 : i32
          %dma_start3A_101 = tpu.memref_slice %arg7[%add3A_99, %dma_start3A_100] : memref<8x128xi32, #tpu.memory_space<vmem>> -> memref<1x128xi32, #tpu.memory_space<vmem>>
          %dma_start3A_102 = tpu.memref_squeeze %dma_start3A_101 : memref<1x128xi32, #tpu.memory_space<vmem>> -> memref<128xi32, #tpu.memory_space<vmem>>
          %dma_start3A_103 = arith.constant 0 : i32
          %dma_start3A_104 = arith.constant 0 : i32
          %dma_start3A_105 = tpu.memref_slice %arg2[%dma_start3A_103, %dma_start3A_104] : memref<10240x128xf32, #tpu.memory_space<hbm>> -> memref<10240x128xf32, #tpu.memory_space<hbm>>
          tpu.enqueue_indirect_dma source(%dma_start3A_105 : memref<10240x128xf32, #tpu.memory_space<hbm>>) target(%arg9 : memref<128x128xf32, #tpu.memory_space<vmem>>) offsets(%dma_start3A_102 : memref<128xi32, #tpu.memory_space<vmem>>) semaphore(%arg12 : memref<!tpu.dma_semaphore, #tpu.memory_space<semaphore_mem>>)
          %dma_wait3A_106 = arith.constant 0 : i32
          %dma_wait3A_107 = tpu.memref_slice %arg8[%mul3A_63, %dma_wait3A_106] : memref<8x128xi32, #tpu.memory_space<vmem>> -> memref<1x128xi32, #tpu.memory_space<vmem>>
          %dma_wait3A_108 = tpu.memref_squeeze %dma_wait3A_107 : memref<1x128xi32, #tpu.memory_space<vmem>> -> memref<128xi32, #tpu.memory_space<vmem>>
          %dma_wait3A_109 = arith.constant 0 : i32
          %dma_wait3A_110 = arith.constant 0 : i32
          %dma_wait3A_111 = tpu.memref_slice %arg11[%dma_wait3A_109, %dma_wait3A_110] : memref<10240x128xf32, #tpu.memory_space<vmem_shared>> -> memref<10240x128xf32, #tpu.memory_space<vmem_shared>>
          tpu.wait_indirect_dma semaphore(%arg15 : memref<!tpu.dma_semaphore, #tpu.memory_space<semaphore_mem>>) src(%arg10 : memref<128x128xf32, #tpu.memory_space<vmem>>) dst(%dma_wait3A_111 : memref<10240x128xf32, #tpu.memory_space<vmem_shared>>)
          %add3A_112 = arith.constant 3 : i32
          %add3A_113 = arith.addi %mul3A_63, %add3A_112 : i32
          %dma_start3A_114 = arith.constant 0 : i32
          %dma_start3A_115 = tpu.memref_slice %arg7[%add3A_113, %dma_start3A_114] : memref<8x128xi32, #tpu.memory_space<vmem>> -> memref<1x128xi32, #tpu.memory_space<vmem>>
          %dma_start3A_116 = tpu.memref_squeeze %dma_start3A_115 : memref<1x128xi32, #tpu.memory_space<vmem>> -> memref<128xi32, #tpu.memory_space<vmem>>
          %dma_start3A_117 = arith.constant 0 : i32
          %dma_start3A_118 = arith.constant 0 : i32
          %dma_start3A_119 = tpu.memref_slice %arg2[%dma_start3A_117, %dma_start3A_118] : memref<10240x128xf32, #tpu.memory_space<hbm>> -> memref<10240x128xf32, #tpu.memory_space<hbm>>
          tpu.enqueue_indirect_dma source(%dma_start3A_119 : memref<10240x128xf32, #tpu.memory_space<hbm>>) target(%arg10 : memref<128x128xf32, #tpu.memory_space<vmem>>) offsets(%dma_start3A_116 : memref<128xi32, #tpu.memory_space<vmem>>) semaphore(%arg13 : memref<!tpu.dma_semaphore, #tpu.memory_space<semaphore_mem>>)
        } else {
        }
      }
      %scan3A_47 = arith.constant 4 : i32
      %dma_wait3A = arith.constant 0 : i32
      %dma_wait3A_48 = arith.constant 0 : i32
      %dma_wait3A_49 = tpu.memref_slice %arg8[%dma_wait3A, %dma_wait3A_48] : memref<8x128xi32, #tpu.memory_space<vmem>> -> memref<1x128xi32, #tpu.memory_space<vmem>>
      %dma_wait3A_50 = tpu.memref_squeeze %dma_wait3A_49 : memref<1x128xi32, #tpu.memory_space<vmem>> -> memref<128xi32, #tpu.memory_space<vmem>>
      %dma_wait3A_51 = arith.constant 0 : i32
      %dma_wait3A_52 = arith.constant 0 : i32
      %dma_wait3A_53 = tpu.memref_slice %arg11[%dma_wait3A_51, %dma_wait3A_52] : memref<10240x128xf32, #tpu.memory_space<vmem_shared>> -> memref<10240x128xf32, #tpu.memory_space<vmem_shared>>
      tpu.wait_indirect_dma semaphore(%arg14 : memref<!tpu.dma_semaphore, #tpu.memory_space<semaphore_mem>>) src(%arg9 : memref<128x128xf32, #tpu.memory_space<vmem>>) dst(%dma_wait3A_53 : memref<10240x128xf32, #tpu.memory_space<vmem_shared>>)
      %dma_wait3A_54 = arith.constant 0 : i32
      %dma_wait3A_55 = arith.constant 0 : i32
      %dma_wait3A_56 = tpu.memref_slice %arg8[%dma_wait3A_54, %dma_wait3A_55] : memref<8x128xi32, #tpu.memory_space<vmem>> -> memref<1x128xi32, #tpu.memory_space<vmem>>
      %dma_wait3A_57 = tpu.memref_squeeze %dma_wait3A_56 : memref<1x128xi32, #tpu.memory_space<vmem>> -> memref<128xi32, #tpu.memory_space<vmem>>
      %dma_wait3A_58 = arith.constant 0 : i32
      %dma_wait3A_59 = arith.constant 0 : i32
      %dma_wait3A_60 = tpu.memref_slice %arg11[%dma_wait3A_58, %dma_wait3A_59] : memref<10240x128xf32, #tpu.memory_space<vmem_shared>> -> memref<10240x128xf32, #tpu.memory_space<vmem_shared>>
      tpu.wait_indirect_dma semaphore(%arg15 : memref<!tpu.dma_semaphore, #tpu.memory_space<semaphore_mem>>) src(%arg10 : memref<128x128xf32, #tpu.memory_space<vmem>>) dst(%dma_wait3A_60 : memref<10240x128xf32, #tpu.memory_space<vmem_shared>>)
    }
    %while3A_20 = arith.constant 1 : i32
    scf.for %while3A_26 = %while3A_18 to %while3A_14 step %while3A_20  : i32 {
      %mul3A_27 = arith.constant 8 : i32
      %mul3A_28 = arith.muli %while3A_26, %mul3A_27 : i32
      %add3A_29 = arith.addi %select_n3A, %mul3A_28 : i32
      "tpu.region"() ({
        %run_scoped3A = tpu.sem_alloc : memref<!tpu.dma_semaphore, #tpu.memory_space<semaphore_mem>>
        %dma_start3A_61 = arith.constant 0 : i32
        %dma_start3A_62 = tpu.memref_slice %arg3[%add3A_29, %dma_start3A_61] : memref<2560x128xi32, #tpu.memory_space<hbm>> -> memref<8x128xi32, #tpu.memory_space<hbm>>
        %dma_start3A_63 = arith.constant 0 : i32
        %dma_start3A_64 = tpu.memref_slice %arg3[%add3A_29, %dma_start3A_63] : memref<2560x128xi32, #tpu.memory_space<hbm>> -> memref<8x128xi32, #tpu.memory_space<hbm>>
        tpu.enqueue_dma source(%dma_start3A_64 : memref<8x128xi32, #tpu.memory_space<hbm>>) target(%arg7 : memref<8x128xi32, #tpu.memory_space<vmem>>) target_semaphore(%run_scoped3A : memref<!tpu.dma_semaphore, #tpu.memory_space<semaphore_mem>>)
        %dma_wait3A_65 = arith.constant 0 : i32
        %dma_wait3A_66 = tpu.memref_slice %arg3[%add3A_29, %dma_wait3A_65] : memref<2560x128xi32, #tpu.memory_space<hbm>> -> memref<8x128xi32, #tpu.memory_space<hbm>>
        %dma_wait3A_67 = arith.constant 0 : i32
        %dma_wait3A_68 = tpu.memref_slice %arg3[%add3A_29, %dma_wait3A_67] : memref<2560x128xi32, #tpu.memory_space<hbm>> -> memref<8x128xi32, #tpu.memory_space<hbm>>
        tpu.wait_dma2 semaphore(%run_scoped3A : memref<!tpu.dma_semaphore, #tpu.memory_space<semaphore_mem>>) src(%dma_wait3A_68 : memref<8x128xi32, #tpu.memory_space<hbm>>) dst(%arg7 : memref<8x128xi32, #tpu.memory_space<vmem>>)
        tpu.yield
      }) : () -> ()
      "tpu.region"() ({
        %run_scoped3A = tpu.sem_alloc : memref<!tpu.dma_semaphore, #tpu.memory_space<semaphore_mem>>
        %dma_start3A_61 = arith.constant 0 : i32
        %dma_start3A_62 = tpu.memref_slice %arg4[%add3A_29, %dma_start3A_61] : memref<2560x128xi32, #tpu.memory_space<hbm>> -> memref<8x128xi32, #tpu.memory_space<hbm>>
        %dma_start3A_63 = arith.constant 0 : i32
        %dma_start3A_64 = tpu.memref_slice %arg4[%add3A_29, %dma_start3A_63] : memref<2560x128xi32, #tpu.memory_space<hbm>> -> memref<8x128xi32, #tpu.memory_space<hbm>>
        tpu.enqueue_dma source(%dma_start3A_64 : memref<8x128xi32, #tpu.memory_space<hbm>>) target(%arg8 : memref<8x128xi32, #tpu.memory_space<vmem>>) target_semaphore(%run_scoped3A : memref<!tpu.dma_semaphore, #tpu.memory_space<semaphore_mem>>)
        %dma_wait3A_65 = arith.constant 0 : i32
        %dma_wait3A_66 = tpu.memref_slice %arg4[%add3A_29, %dma_wait3A_65] : memref<2560x128xi32, #tpu.memory_space<hbm>> -> memref<8x128xi32, #tpu.memory_space<hbm>>
        %dma_wait3A_67 = arith.constant 0 : i32
        %dma_wait3A_68 = tpu.memref_slice %arg4[%add3A_29, %dma_wait3A_67] : memref<2560x128xi32, #tpu.memory_space<hbm>> -> memref<8x128xi32, #tpu.memory_space<hbm>>
        tpu.wait_dma2 semaphore(%run_scoped3A : memref<!tpu.dma_semaphore, #tpu.memory_space<semaphore_mem>>) src(%dma_wait3A_68 : memref<8x128xi32, #tpu.memory_space<hbm>>) dst(%arg8 : memref<8x128xi32, #tpu.memory_space<vmem>>)
        tpu.yield
      }) : () -> ()
      %dma_start3A = arith.constant 0 : i32
      %dma_start3A_30 = arith.constant 0 : i32
      %dma_start3A_31 = tpu.memref_slice %arg7[%dma_start3A, %dma_start3A_30] : memref<8x128xi32, #tpu.memory_space<vmem>> -> memref<1x128xi32, #tpu.memory_space<vmem>>
      %dma_start3A_32 = tpu.memref_squeeze %dma_start3A_31 : memref<1x128xi32, #tpu.memory_space<vmem>> -> memref<128xi32, #tpu.memory_space<vmem>>
      %dma_start3A_33 = arith.constant 0 : i32
      %dma_start3A_34 = arith.constant 0 : i32
      %dma_start3A_35 = tpu.memref_slice %arg2[%dma_start3A_33, %dma_start3A_34] : memref<10240x128xf32, #tpu.memory_space<hbm>> -> memref<10240x128xf32, #tpu.memory_space<hbm>>
      tpu.enqueue_indirect_dma source(%dma_start3A_35 : memref<10240x128xf32, #tpu.memory_space<hbm>>) target(%arg9 : memref<128x128xf32, #tpu.memory_space<vmem>>) offsets(%dma_start3A_32 : memref<128xi32, #tpu.memory_space<vmem>>) semaphore(%arg12 : memref<!tpu.dma_semaphore, #tpu.memory_space<semaphore_mem>>)
      %dma_start3A_36 = arith.constant 1 : i32
      %dma_start3A_37 = arith.constant 0 : i32
      %dma_start3A_38 = tpu.memref_slice %arg7[%dma_start3A_36, %dma_start3A_37] : memref<8x128xi32, #tpu.memory_space<vmem>> -> memref<1x128xi32, #tpu.memory_space<vmem>>
      %dma_start3A_39 = tpu.memref_squeeze %dma_start3A_38 : memref<1x128xi32, #tpu.memory_space<vmem>> -> memref<128xi32, #tpu.memory_space<vmem>>
      %dma_start3A_40 = arith.constant 0 : i32
      %dma_start3A_41 = arith.constant 0 : i32
      %dma_start3A_42 = tpu.memref_slice %arg2[%dma_start3A_40, %dma_start3A_41] : memref<10240x128xf32, #tpu.memory_space<hbm>> -> memref<10240x128xf32, #tpu.memory_space<hbm>>
      tpu.enqueue_indirect_dma source(%dma_start3A_42 : memref<10240x128xf32, #tpu.memory_space<hbm>>) target(%arg10 : memref<128x128xf32, #tpu.memory_space<vmem>>) offsets(%dma_start3A_39 : memref<128xi32, #tpu.memory_space<vmem>>) semaphore(%arg13 : memref<!tpu.dma_semaphore, #tpu.memory_space<semaphore_mem>>)
      %scan3A = arith.constant 0 : i32
      %scan3A_43 = arith.constant 0 : i32
      %scan3A_44 = arith.constant 4 : i32
      %scan3A_45 = arith.addi %scan3A_43, %scan3A_44 : i32
      %scan3A_46 = arith.constant 1 : i32
      scf.for %scan3A_61 = %scan3A_43 to %scan3A_45 step %scan3A_46  : i32 {
        %mul3A_62 = arith.constant 2 : i32
        %mul3A_63 = arith.muli %mul3A_62, %scan3A_61 : i32
        %dma_wait3A_64 = arith.constant 0 : i32
        %dma_wait3A_65 = tpu.memref_slice %arg7[%mul3A_63, %dma_wait3A_64] : memref<8x128xi32, #tpu.memory_space<vmem>> -> memref<1x128xi32, #tpu.memory_space<vmem>>
        %dma_wait3A_66 = tpu.memref_squeeze %dma_wait3A_65 : memref<1x128xi32, #tpu.memory_space<vmem>> -> memref<128xi32, #tpu.memory_space<vmem>>
        %dma_wait3A_67 = arith.constant 0 : i32
        %dma_wait3A_68 = arith.constant 0 : i32
        %dma_wait3A_69 = tpu.memref_slice %arg2[%dma_wait3A_67, %dma_wait3A_68] : memref<10240x128xf32, #tpu.memory_space<hbm>> -> memref<10240x128xf32, #tpu.memory_space<hbm>>
        tpu.wait_indirect_dma semaphore(%arg12 : memref<!tpu.dma_semaphore, #tpu.memory_space<semaphore_mem>>) src(%dma_wait3A_69 : memref<10240x128xf32, #tpu.memory_space<hbm>>) dst(%arg9 : memref<128x128xf32, #tpu.memory_space<vmem>>)
        %dma_start3A_70 = arith.constant 0 : i32
        %dma_start3A_71 = tpu.memref_slice %arg8[%mul3A_63, %dma_start3A_70] : memref<8x128xi32, #tpu.memory_space<vmem>> -> memref<1x128xi32, #tpu.memory_space<vmem>>
        %dma_start3A_72 = tpu.memref_squeeze %dma_start3A_71 : memref<1x128xi32, #tpu.memory_space<vmem>> -> memref<128xi32, #tpu.memory_space<vmem>>
        %dma_start3A_73 = arith.constant 0 : i32
        %dma_start3A_74 = arith.constant 0 : i32
        %dma_start3A_75 = tpu.memref_slice %arg11[%dma_start3A_73, %dma_start3A_74] : memref<10240x128xf32, #tpu.memory_space<vmem_shared>> -> memref<10240x128xf32, #tpu.memory_space<vmem_shared>>
        tpu.enqueue_indirect_dma source(%arg9 : memref<128x128xf32, #tpu.memory_space<vmem>>) target(%dma_start3A_75 : memref<10240x128xf32, #tpu.memory_space<vmem_shared>>) offsets(%dma_start3A_72 : memref<128xi32, #tpu.memory_space<vmem>>) semaphore(%arg14 : memref<!tpu.dma_semaphore, #tpu.memory_space<semaphore_mem>>) {add = true}
        %dma_wait3A_76 = arith.constant 0 : i32
        %dma_wait3A_77 = tpu.memref_slice %arg7[%mul3A_63, %dma_wait3A_76] : memref<8x128xi32, #tpu.memory_space<vmem>> -> memref<1x128xi32, #tpu.memory_space<vmem>>
        %dma_wait3A_78 = tpu.memref_squeeze %dma_wait3A_77 : memref<1x128xi32, #tpu.memory_space<vmem>> -> memref<128xi32, #tpu.memory_space<vmem>>
        %dma_wait3A_79 = arith.constant 0 : i32
        %dma_wait3A_80 = arith.constant 0 : i32
        %dma_wait3A_81 = tpu.memref_slice %arg2[%dma_wait3A_79, %dma_wait3A_80] : memref<10240x128xf32, #tpu.memory_space<hbm>> -> memref<10240x128xf32, #tpu.memory_space<hbm>>
        tpu.wait_indirect_dma semaphore(%arg13 : memref<!tpu.dma_semaphore, #tpu.memory_space<semaphore_mem>>) src(%dma_wait3A_81 : memref<10240x128xf32, #tpu.memory_space<hbm>>) dst(%arg10 : memref<128x128xf32, #tpu.memory_space<vmem>>)
        %add3A_82 = arith.constant 1 : i32
        %add3A_83 = arith.addi %mul3A_63, %add3A_82 : i32
        %dma_start3A_84 = arith.constant 0 : i32
        %dma_start3A_85 = tpu.memref_slice %arg8[%add3A_83, %dma_start3A_84] : memref<8x128xi32, #tpu.memory_space<vmem>> -> memref<1x128xi32, #tpu.memory_space<vmem>>
        %dma_start3A_86 = tpu.memref_squeeze %dma_start3A_85 : memref<1x128xi32, #tpu.memory_space<vmem>> -> memref<128xi32, #tpu.memory_space<vmem>>
        %dma_start3A_87 = arith.constant 0 : i32
        %dma_start3A_88 = arith.constant 0 : i32
        %dma_start3A_89 = tpu.memref_slice %arg11[%dma_start3A_87, %dma_start3A_88] : memref<10240x128xf32, #tpu.memory_space<vmem_shared>> -> memref<10240x128xf32, #tpu.memory_space<vmem_shared>>
        tpu.enqueue_indirect_dma source(%arg10 : memref<128x128xf32, #tpu.memory_space<vmem>>) target(%dma_start3A_89 : memref<10240x128xf32, #tpu.memory_space<vmem_shared>>) offsets(%dma_start3A_86 : memref<128xi32, #tpu.memory_space<vmem>>) semaphore(%arg15 : memref<!tpu.dma_semaphore, #tpu.memory_space<semaphore_mem>>) {add = true}
        %lt3A = arith.constant 3 : i32
        %lt3A_90 = arith.cmpi slt, %scan3A_61, %lt3A : i32
        %convert_element_type3A = arith.extui %lt3A_90 : i1 to i32
        %cond3A = arith.constant 0 : i32
        %cond3A_91 = arith.cmpi ne, %convert_element_type3A, %cond3A : i32
        scf.if %cond3A_91 {
          %dma_wait3A_92 = arith.constant 0 : i32
          %dma_wait3A_93 = tpu.memref_slice %arg8[%mul3A_63, %dma_wait3A_92] : memref<8x128xi32, #tpu.memory_space<vmem>> -> memref<1x128xi32, #tpu.memory_space<vmem>>
          %dma_wait3A_94 = tpu.memref_squeeze %dma_wait3A_93 : memref<1x128xi32, #tpu.memory_space<vmem>> -> memref<128xi32, #tpu.memory_space<vmem>>
          %dma_wait3A_95 = arith.constant 0 : i32
          %dma_wait3A_96 = arith.constant 0 : i32
          %dma_wait3A_97 = tpu.memref_slice %arg11[%dma_wait3A_95, %dma_wait3A_96] : memref<10240x128xf32, #tpu.memory_space<vmem_shared>> -> memref<10240x128xf32, #tpu.memory_space<vmem_shared>>
          tpu.wait_indirect_dma semaphore(%arg14 : memref<!tpu.dma_semaphore, #tpu.memory_space<semaphore_mem>>) src(%arg9 : memref<128x128xf32, #tpu.memory_space<vmem>>) dst(%dma_wait3A_97 : memref<10240x128xf32, #tpu.memory_space<vmem_shared>>)
          %add3A_98 = arith.constant 2 : i32
          %add3A_99 = arith.addi %mul3A_63, %add3A_98 : i32
          %dma_start3A_100 = arith.constant 0 : i32
          %dma_start3A_101 = tpu.memref_slice %arg7[%add3A_99, %dma_start3A_100] : memref<8x128xi32, #tpu.memory_space<vmem>> -> memref<1x128xi32, #tpu.memory_space<vmem>>
          %dma_start3A_102 = tpu.memref_squeeze %dma_start3A_101 : memref<1x128xi32, #tpu.memory_space<vmem>> -> memref<128xi32, #tpu.memory_space<vmem>>
          %dma_start3A_103 = arith.constant 0 : i32
          %dma_start3A_104 = arith.constant 0 : i32
          %dma_start3A_105 = tpu.memref_slice %arg2[%dma_start3A_103, %dma_start3A_104] : memref<10240x128xf32, #tpu.memory_space<hbm>> -> memref<10240x128xf32, #tpu.memory_space<hbm>>
          tpu.enqueue_indirect_dma source(%dma_start3A_105 : memref<10240x128xf32, #tpu.memory_space<hbm>>) target(%arg9 : memref<128x128xf32, #tpu.memory_space<vmem>>) offsets(%dma_start3A_102 : memref<128xi32, #tpu.memory_space<vmem>>) semaphore(%arg12 : memref<!tpu.dma_semaphore, #tpu.memory_space<semaphore_mem>>)
          %dma_wait3A_106 = arith.constant 0 : i32
          %dma_wait3A_107 = tpu.memref_slice %arg8[%mul3A_63, %dma_wait3A_106] : memref<8x128xi32, #tpu.memory_space<vmem>> -> memref<1x128xi32, #tpu.memory_space<vmem>>
          %dma_wait3A_108 = tpu.memref_squeeze %dma_wait3A_107 : memref<1x128xi32, #tpu.memory_space<vmem>> -> memref<128xi32, #tpu.memory_space<vmem>>
          %dma_wait3A_109 = arith.constant 0 : i32
          %dma_wait3A_110 = arith.constant 0 : i32
          %dma_wait3A_111 = tpu.memref_slice %arg11[%dma_wait3A_109, %dma_wait3A_110] : memref<10240x128xf32, #tpu.memory_space<vmem_shared>> -> memref<10240x128xf32, #tpu.memory_space<vmem_shared>>
          tpu.wait_indirect_dma semaphore(%arg15 : memref<!tpu.dma_semaphore, #tpu.memory_space<semaphore_mem>>) src(%arg10 : memref<128x128xf32, #tpu.memory_space<vmem>>) dst(%dma_wait3A_111 : memref<10240x128xf32, #tpu.memory_space<vmem_shared>>)
          %add3A_112 = arith.constant 3 : i32
          %add3A_113 = arith.addi %mul3A_63, %add3A_112 : i32
          %dma_start3A_114 = arith.constant 0 : i32
          %dma_start3A_115 = tpu.memref_slice %arg7[%add3A_113, %dma_start3A_114] : memref<8x128xi32, #tpu.memory_space<vmem>> -> memref<1x128xi32, #tpu.memory_space<vmem>>
          %dma_start3A_116 = tpu.memref_squeeze %dma_start3A_115 : memref<1x128xi32, #tpu.memory_space<vmem>> -> memref<128xi32, #tpu.memory_space<vmem>>
          %dma_start3A_117 = arith.constant 0 : i32
          %dma_start3A_118 = arith.constant 0 : i32
          %dma_start3A_119 = tpu.memref_slice %arg2[%dma_start3A_117, %dma_start3A_118] : memref<10240x128xf32, #tpu.memory_space<hbm>> -> memref<10240x128xf32, #tpu.memory_space<hbm>>
          tpu.enqueue_indirect_dma source(%dma_start3A_119 : memref<10240x128xf32, #tpu.memory_space<hbm>>) target(%arg10 : memref<128x128xf32, #tpu.memory_space<vmem>>) offsets(%dma_start3A_116 : memref<128xi32, #tpu.memory_space<vmem>>) semaphore(%arg13 : memref<!tpu.dma_semaphore, #tpu.memory_space<semaphore_mem>>)
        } else {
        }
      }
      %scan3A_47 = arith.constant 4 : i32
      %dma_wait3A = arith.constant 0 : i32
      %dma_wait3A_48 = arith.constant 0 : i32
      %dma_wait3A_49 = tpu.memref_slice %arg8[%dma_wait3A, %dma_wait3A_48] : memref<8x128xi32, #tpu.memory_space<vmem>> -> memref<1x128xi32, #tpu.memory_space<vmem>>
      %dma_wait3A_50 = tpu.memref_squeeze %dma_wait3A_49 : memref<1x128xi32, #tpu.memory_space<vmem>> -> memref<128xi32, #tpu.memory_space<vmem>>
      %dma_wait3A_51 = arith.constant 0 : i32
      %dma_wait3A_52 = arith.constant 0 : i32
      %dma_wait3A_53 = tpu.memref_slice %arg11[%dma_wait3A_51, %dma_wait3A_52] : memref<10240x128xf32, #tpu.memory_space<vmem_shared>> -> memref<10240x128xf32, #tpu.memory_space<vmem_shared>>
      tpu.wait_indirect_dma semaphore(%arg14 : memref<!tpu.dma_semaphore, #tpu.memory_space<semaphore_mem>>) src(%arg9 : memref<128x128xf32, #tpu.memory_space<vmem>>) dst(%dma_wait3A_53 : memref<10240x128xf32, #tpu.memory_space<vmem_shared>>)
      %dma_wait3A_54 = arith.constant 0 : i32
      %dma_wait3A_55 = arith.constant 0 : i32
      %dma_wait3A_56 = tpu.memref_slice %arg8[%dma_wait3A_54, %dma_wait3A_55] : memref<8x128xi32, #tpu.memory_space<vmem>> -> memref<1x128xi32, #tpu.memory_space<vmem>>
      %dma_wait3A_57 = tpu.memref_squeeze %dma_wait3A_56 : memref<1x128xi32, #tpu.memory_space<vmem>> -> memref<128xi32, #tpu.memory_space<vmem>>
      %dma_wait3A_58 = arith.constant 0 : i32
      %dma_wait3A_59 = arith.constant 0 : i32
      %dma_wait3A_60 = tpu.memref_slice %arg11[%dma_wait3A_58, %dma_wait3A_59] : memref<10240x128xf32, #tpu.memory_space<vmem_shared>> -> memref<10240x128xf32, #tpu.memory_space<vmem_shared>>
      tpu.wait_indirect_dma semaphore(%arg15 : memref<!tpu.dma_semaphore, #tpu.memory_space<semaphore_mem>>) src(%arg10 : memref<128x128xf32, #tpu.memory_space<vmem>>) dst(%dma_wait3A_60 : memref<10240x128xf32, #tpu.memory_space<vmem_shared>>)
    }
    %barrier3A_21 = arith.constant 0 : index
    tpu.barrier barrier_id(%barrier3A_21)
    %mul3A_22 = arith.constant 640 : i32
    %mul3A_23 = arith.muli %arg1, %mul3A_22 : i32
    %mul3A_24 = arith.constant 640 : i32
    %mul3A_25 = arith.muli %arg1, %mul3A_24 : i32
    "tpu.region"() ({
      %run_scoped3A = tpu.sem_alloc : memref<!tpu.dma_semaphore, #tpu.memory_space<semaphore_mem>>
      %dma_start3A = arith.constant 0 : i32
      %dma_start3A_26 = tpu.memref_slice %arg6[%arg0, %mul3A_25, %dma_start3A] : memref<2x10240x128xf32, #tpu.memory_space<hbm>> -> memref<1x640x128xf32, #tpu.memory_space<hbm>>
      %dma_start3A_27 = tpu.memref_squeeze %dma_start3A_26 : memref<1x640x128xf32, #tpu.memory_space<hbm>> -> memref<640x128xf32, #tpu.memory_space<hbm>>
      %dma_start3A_28 = arith.constant 0 : i32
      %dma_start3A_29 = tpu.memref_slice %arg11[%mul3A_23, %dma_start3A_28] : memref<10240x128xf32, #tpu.memory_space<vmem_shared>> -> memref<640x128xf32, #tpu.memory_space<vmem_shared>>
      tpu.enqueue_dma source(%dma_start3A_29 : memref<640x128xf32, #tpu.memory_space<vmem_shared>>) target(%dma_start3A_27 : memref<640x128xf32, #tpu.memory_space<hbm>>) target_semaphore(%run_scoped3A : memref<!tpu.dma_semaphore, #tpu.memory_space<semaphore_mem>>)
      %dma_wait3A = arith.constant 0 : i32
      %dma_wait3A_30 = tpu.memref_slice %arg6[%arg0, %mul3A_25, %dma_wait3A] : memref<2x10240x128xf32, #tpu.memory_space<hbm>> -> memref<1x640x128xf32, #tpu.memory_space<hbm>>
      %dma_wait3A_31 = tpu.memref_squeeze %dma_wait3A_30 : memref<1x640x128xf32, #tpu.memory_space<hbm>> -> memref<640x128xf32, #tpu.memory_space<hbm>>
      %dma_wait3A_32 = arith.constant 0 : i32
      %dma_wait3A_33 = tpu.memref_slice %arg11[%mul3A_23, %dma_wait3A_32] : memref<10240x128xf32, #tpu.memory_space<vmem_shared>> -> memref<640x128xf32, #tpu.memory_space<vmem_shared>>
      tpu.wait_dma2 semaphore(%run_scoped3A : memref<!tpu.dma_semaphore, #tpu.memory_space<semaphore_mem>>) src(%dma_wait3A_33 : memref<640x128xf32, #tpu.memory_space<vmem_shared>>) dst(%dma_wait3A_31 : memref<640x128xf32, #tpu.memory_space<hbm>>)
      tpu.yield
    }) : () -> ()
    return
  }
}

#map = affine_map<(d0, d1) -> (0, 0)>
#map1 = affine_map<(d0, d1) -> (0, 0, 0)>
module attributes {stable_mosaic.version = 14 : i64} {
  func.func @agg(%arg0: i32, %arg1: i32, %arg2: memref<10240x128xf32, #tpu.memory_space<hbm>>, %arg3: memref<2560x128xi32, #tpu.memory_space<hbm>>, %arg4: memref<2560x128xi32, #tpu.memory_space<hbm>>, %arg5: memref<640x128xf32, #tpu.memory_space<hbm>>, %arg6: memref<2x10240x128xf32, #tpu.memory_space<hbm>>, %arg7: memref<8x128xi32, #tpu.memory_space<vmem>>, %arg8: memref<8x128xi32, #tpu.memory_space<vmem>>, %arg9: memref<128x128xf32, #tpu.memory_space<vmem>>, %arg10: memref<128x128xf32, #tpu.memory_space<vmem>>, %arg11: memref<10240x128xf32, #tpu.memory_space<vmem_shared>>, %arg12: memref<!tpu.dma_semaphore, #tpu.memory_space<semaphore_mem>>, %arg13: memref<!tpu.dma_semaphore, #tpu.memory_space<semaphore_mem>>, %arg14: memref<!tpu.dma_semaphore, #tpu.memory_space<semaphore_mem>>, %arg15: memref<!tpu.dma_semaphore, #tpu.memory_space<semaphore_mem>>) attributes {dimension_semantics = [#tpu.dimension_semantics<core_parallel>, #tpu.dimension_semantics<subcore_parallel>], iteration_bounds = array<i64: 2, 16>, scalar_prefetch = 0 : i64, scratch_operands = 9 : i64, tpu.core_type = #tpu.core_type<sc_vector_subcore>, window_params = [{transform_indices = #map}, {transform_indices = #map}, {transform_indices = #map}, {transform_indices = #map}, {transform_indices = #map1}]} {
    %mul3A = arith.constant 640 : i32
    %mul3A_0 = arith.muli %arg1, %mul3A : i32
    "tpu.region"() ({
      %run_scoped3A = tpu.sem_alloc : memref<!tpu.dma_semaphore, #tpu.memory_space<semaphore_mem>>
      %dma_start3A = arith.constant 0 : i32
      %dma_start3A_26 = tpu.memref_slice %arg11[%mul3A_0, %dma_start3A] : memref<10240x128xf32, #tpu.memory_space<vmem_shared>> -> memref<640x128xf32, #tpu.memory_space<vmem_shared>>
      tpu.enqueue_dma source(%arg5 : memref<640x128xf32, #tpu.memory_space<hbm>>) target(%dma_start3A_26 : memref<640x128xf32, #tpu.memory_space<vmem_shared>>) target_semaphore(%run_scoped3A : memref<!tpu.dma_semaphore, #tpu.memory_space<semaphore_mem>>)
      %dma_wait3A = arith.constant 0 : i32
      %dma_wait3A_27 = tpu.memref_slice %arg11[%mul3A_0, %dma_wait3A] : memref<10240x128xf32, #tpu.memory_space<vmem_shared>> -> memref<640x128xf32, #tpu.memory_space<vmem_shared>>
      tpu.wait_dma2 semaphore(%run_scoped3A : memref<!tpu.dma_semaphore, #tpu.memory_space<semaphore_mem>>) src(%arg5 : memref<640x128xf32, #tpu.memory_space<hbm>>) dst(%dma_wait3A_27 : memref<640x128xf32, #tpu.memory_space<vmem_shared>>)
      tpu.yield
    }) : () -> ()
    %barrier3A = arith.constant 0 : index
    tpu.barrier barrier_id(%barrier3A)
    %eq3A = arith.constant 0 : i32
    %eq3A_1 = arith.cmpi eq, %arg0, %eq3A : i32
    %mul3A_2 = arith.constant 136 : i32
    %mul3A_3 = arith.muli %arg1, %mul3A_2 : i32
    %mul3A_4 = arith.constant 24 : i32
    %mul3A_5 = arith.muli %arg1, %mul3A_4 : i32
    %add3A = arith.constant 2176 : i32
    %add3A_6 = arith.addi %add3A, %mul3A_5 : i32
    %select_n3A = arith.select %eq3A_1, %mul3A_3, %add3A_6 : i32
    %eq3A_7 = arith.constant 0 : i32
    %eq3A_8 = arith.cmpi eq, %arg0, %eq3A_7 : i32
    %select_n3A_9 = arith.constant 3 : i32
    %select_n3A_10 = arith.constant 17 : i32
    %select_n3A_11 = arith.select %eq3A_8, %select_n3A_10, %select_n3A_9 : i32
    %while3A = arith.constant 0 : i32
    %while3A_12 = arith.constant 0 : i32
    %while3A_13 = arith.subi %select_n3A_11, %while3A_12 : i32
    %while3A_14 = arith.addi %while3A_12, %while3A_13 : i32
    %while3A_15 = arith.constant 1 : i32
    %while3A_16 = arith.divsi %while3A_13, %while3A_15 : i32
    %while3A_17 = arith.muli %while3A_16, %while3A_15 : i32
    %while3A_18 = arith.addi %while3A_12, %while3A_17 : i32
    %while3A_19 = arith.constant 1 : i32
    scf.for %while3A_26 = %while3A_12 to %while3A_18 step %while3A_19  : i32 {
      %mul3A_27 = arith.constant 8 : i32
      %mul3A_28 = arith.muli %while3A_26, %mul3A_27 : i32
      %add3A_29 = arith.addi %select_n3A, %mul3A_28 : i32
      "tpu.region"() ({
        %run_scoped3A = tpu.sem_alloc : memref<!tpu.dma_semaphore, #tpu.memory_space<semaphore_mem>>
        %dma_start3A_61 = arith.constant 0 : i32
        %dma_start3A_62 = tpu.memref_slice %arg3[%add3A_29, %dma_start3A_61] : memref<2560x128xi32, #tpu.memory_space<hbm>> -> memref<8x128xi32, #tpu.memory_space<hbm>>
        %dma_start3A_63 = arith.constant 0 : i32
        %dma_start3A_64 = tpu.memref_slice %arg3[%add3A_29, %dma_start3A_63] : memref<2560x128xi32, #tpu.memory_space<hbm>> -> memref<8x128xi32, #tpu.memory_space<hbm>>
        tpu.enqueue_dma source(%dma_start3A_64 : memref<8x128xi32, #tpu.memory_space<hbm>>) target(%arg7 : memref<8x128xi32, #tpu.memory_space<vmem>>) target_semaphore(%run_scoped3A : memref<!tpu.dma_semaphore, #tpu.memory_space<semaphore_mem>>)
        %dma_wait3A_65 = arith.constant 0 : i32
        %dma_wait3A_66 = tpu.memref_slice %arg3[%add3A_29, %dma_wait3A_65] : memref<2560x128xi32, #tpu.memory_space<hbm>> -> memref<8x128xi32, #tpu.memory_space<hbm>>
        %dma_wait3A_67 = arith.constant 0 : i32
        %dma_wait3A_68 = tpu.memref_slice %arg3[%add3A_29, %dma_wait3A_67] : memref<2560x128xi32, #tpu.memory_space<hbm>> -> memref<8x128xi32, #tpu.memory_space<hbm>>
        tpu.wait_dma2 semaphore(%run_scoped3A : memref<!tpu.dma_semaphore, #tpu.memory_space<semaphore_mem>>) src(%dma_wait3A_68 : memref<8x128xi32, #tpu.memory_space<hbm>>) dst(%arg7 : memref<8x128xi32, #tpu.memory_space<vmem>>)
        tpu.yield
      }) : () -> ()
      "tpu.region"() ({
        %run_scoped3A = tpu.sem_alloc : memref<!tpu.dma_semaphore, #tpu.memory_space<semaphore_mem>>
        %dma_start3A_61 = arith.constant 0 : i32
        %dma_start3A_62 = tpu.memref_slice %arg4[%add3A_29, %dma_start3A_61] : memref<2560x128xi32, #tpu.memory_space<hbm>> -> memref<8x128xi32, #tpu.memory_space<hbm>>
        %dma_start3A_63 = arith.constant 0 : i32
        %dma_start3A_64 = tpu.memref_slice %arg4[%add3A_29, %dma_start3A_63] : memref<2560x128xi32, #tpu.memory_space<hbm>> -> memref<8x128xi32, #tpu.memory_space<hbm>>
        tpu.enqueue_dma source(%dma_start3A_64 : memref<8x128xi32, #tpu.memory_space<hbm>>) target(%arg8 : memref<8x128xi32, #tpu.memory_space<vmem>>) target_semaphore(%run_scoped3A : memref<!tpu.dma_semaphore, #tpu.memory_space<semaphore_mem>>)
        %dma_wait3A_65 = arith.constant 0 : i32
        %dma_wait3A_66 = tpu.memref_slice %arg4[%add3A_29, %dma_wait3A_65] : memref<2560x128xi32, #tpu.memory_space<hbm>> -> memref<8x128xi32, #tpu.memory_space<hbm>>
        %dma_wait3A_67 = arith.constant 0 : i32
        %dma_wait3A_68 = tpu.memref_slice %arg4[%add3A_29, %dma_wait3A_67] : memref<2560x128xi32, #tpu.memory_space<hbm>> -> memref<8x128xi32, #tpu.memory_space<hbm>>
        tpu.wait_dma2 semaphore(%run_scoped3A : memref<!tpu.dma_semaphore, #tpu.memory_space<semaphore_mem>>) src(%dma_wait3A_68 : memref<8x128xi32, #tpu.memory_space<hbm>>) dst(%arg8 : memref<8x128xi32, #tpu.memory_space<vmem>>)
        tpu.yield
      }) : () -> ()
      %dma_start3A = arith.constant 0 : i32
      %dma_start3A_30 = arith.constant 0 : i32
      %dma_start3A_31 = tpu.memref_slice %arg7[%dma_start3A, %dma_start3A_30] : memref<8x128xi32, #tpu.memory_space<vmem>> -> memref<1x128xi32, #tpu.memory_space<vmem>>
      %dma_start3A_32 = tpu.memref_squeeze %dma_start3A_31 : memref<1x128xi32, #tpu.memory_space<vmem>> -> memref<128xi32, #tpu.memory_space<vmem>>
      %dma_start3A_33 = arith.constant 0 : i32
      %dma_start3A_34 = arith.constant 0 : i32
      %dma_start3A_35 = tpu.memref_slice %arg2[%dma_start3A_33, %dma_start3A_34] : memref<10240x128xf32, #tpu.memory_space<hbm>> -> memref<10240x128xf32, #tpu.memory_space<hbm>>
      tpu.enqueue_indirect_dma source(%dma_start3A_35 : memref<10240x128xf32, #tpu.memory_space<hbm>>) target(%arg9 : memref<128x128xf32, #tpu.memory_space<vmem>>) offsets(%dma_start3A_32 : memref<128xi32, #tpu.memory_space<vmem>>) semaphore(%arg12 : memref<!tpu.dma_semaphore, #tpu.memory_space<semaphore_mem>>)
      %dma_start3A_36 = arith.constant 1 : i32
      %dma_start3A_37 = arith.constant 0 : i32
      %dma_start3A_38 = tpu.memref_slice %arg7[%dma_start3A_36, %dma_start3A_37] : memref<8x128xi32, #tpu.memory_space<vmem>> -> memref<1x128xi32, #tpu.memory_space<vmem>>
      %dma_start3A_39 = tpu.memref_squeeze %dma_start3A_38 : memref<1x128xi32, #tpu.memory_space<vmem>> -> memref<128xi32, #tpu.memory_space<vmem>>
      %dma_start3A_40 = arith.constant 0 : i32
      %dma_start3A_41 = arith.constant 0 : i32
      %dma_start3A_42 = tpu.memref_slice %arg2[%dma_start3A_40, %dma_start3A_41] : memref<10240x128xf32, #tpu.memory_space<hbm>> -> memref<10240x128xf32, #tpu.memory_space<hbm>>
      tpu.enqueue_indirect_dma source(%dma_start3A_42 : memref<10240x128xf32, #tpu.memory_space<hbm>>) target(%arg10 : memref<128x128xf32, #tpu.memory_space<vmem>>) offsets(%dma_start3A_39 : memref<128xi32, #tpu.memory_space<vmem>>) semaphore(%arg13 : memref<!tpu.dma_semaphore, #tpu.memory_space<semaphore_mem>>)
      %scan3A = arith.constant 0 : i32
      %scan3A_43 = arith.constant 0 : i32
      %scan3A_44 = arith.constant 4 : i32
      %scan3A_45 = arith.addi %scan3A_43, %scan3A_44 : i32
      %scan3A_46 = arith.constant 1 : i32
      scf.for %scan3A_61 = %scan3A_43 to %scan3A_45 step %scan3A_46  : i32 {
        %mul3A_62 = arith.constant 2 : i32
        %mul3A_63 = arith.muli %mul3A_62, %scan3A_61 : i32
        %dma_wait3A_64 = arith.constant 0 : i32
        %dma_wait3A_65 = tpu.memref_slice %arg7[%mul3A_63, %dma_wait3A_64] : memref<8x128xi32, #tpu.memory_space<vmem>> -> memref<1x128xi32, #tpu.memory_space<vmem>>
        %dma_wait3A_66 = tpu.memref_squeeze %dma_wait3A_65 : memref<1x128xi32, #tpu.memory_space<vmem>> -> memref<128xi32, #tpu.memory_space<vmem>>
        %dma_wait3A_67 = arith.constant 0 : i32
        %dma_wait3A_68 = arith.constant 0 : i32
        %dma_wait3A_69 = tpu.memref_slice %arg2[%dma_wait3A_67, %dma_wait3A_68] : memref<10240x128xf32, #tpu.memory_space<hbm>> -> memref<10240x128xf32, #tpu.memory_space<hbm>>
        tpu.wait_indirect_dma semaphore(%arg12 : memref<!tpu.dma_semaphore, #tpu.memory_space<semaphore_mem>>) src(%dma_wait3A_69 : memref<10240x128xf32, #tpu.memory_space<hbm>>) dst(%arg9 : memref<128x128xf32, #tpu.memory_space<vmem>>)
        %dma_start3A_70 = arith.constant 0 : i32
        %dma_start3A_71 = tpu.memref_slice %arg8[%mul3A_63, %dma_start3A_70] : memref<8x128xi32, #tpu.memory_space<vmem>> -> memref<1x128xi32, #tpu.memory_space<vmem>>
        %dma_start3A_72 = tpu.memref_squeeze %dma_start3A_71 : memref<1x128xi32, #tpu.memory_space<vmem>> -> memref<128xi32, #tpu.memory_space<vmem>>
        %dma_start3A_73 = arith.constant 0 : i32
        %dma_start3A_74 = arith.constant 0 : i32
        %dma_start3A_75 = tpu.memref_slice %arg11[%dma_start3A_73, %dma_start3A_74] : memref<10240x128xf32, #tpu.memory_space<vmem_shared>> -> memref<10240x128xf32, #tpu.memory_space<vmem_shared>>
        tpu.enqueue_indirect_dma source(%arg9 : memref<128x128xf32, #tpu.memory_space<vmem>>) target(%dma_start3A_75 : memref<10240x128xf32, #tpu.memory_space<vmem_shared>>) offsets(%dma_start3A_72 : memref<128xi32, #tpu.memory_space<vmem>>) semaphore(%arg14 : memref<!tpu.dma_semaphore, #tpu.memory_space<semaphore_mem>>) {add = true}
        %dma_wait3A_76 = arith.constant 0 : i32
        %dma_wait3A_77 = tpu.memref_slice %arg7[%mul3A_63, %dma_wait3A_76] : memref<8x128xi32, #tpu.memory_space<vmem>> -> memref<1x128xi32, #tpu.memory_space<vmem>>
        %dma_wait3A_78 = tpu.memref_squeeze %dma_wait3A_77 : memref<1x128xi32, #tpu.memory_space<vmem>> -> memref<128xi32, #tpu.memory_space<vmem>>
        %dma_wait3A_79 = arith.constant 0 : i32
        %dma_wait3A_80 = arith.constant 0 : i32
        %dma_wait3A_81 = tpu.memref_slice %arg2[%dma_wait3A_79, %dma_wait3A_80] : memref<10240x128xf32, #tpu.memory_space<hbm>> -> memref<10240x128xf32, #tpu.memory_space<hbm>>
        tpu.wait_indirect_dma semaphore(%arg13 : memref<!tpu.dma_semaphore, #tpu.memory_space<semaphore_mem>>) src(%dma_wait3A_81 : memref<10240x128xf32, #tpu.memory_space<hbm>>) dst(%arg10 : memref<128x128xf32, #tpu.memory_space<vmem>>)
        %add3A_82 = arith.constant 1 : i32
        %add3A_83 = arith.addi %mul3A_63, %add3A_82 : i32
        %dma_start3A_84 = arith.constant 0 : i32
        %dma_start3A_85 = tpu.memref_slice %arg8[%add3A_83, %dma_start3A_84] : memref<8x128xi32, #tpu.memory_space<vmem>> -> memref<1x128xi32, #tpu.memory_space<vmem>>
        %dma_start3A_86 = tpu.memref_squeeze %dma_start3A_85 : memref<1x128xi32, #tpu.memory_space<vmem>> -> memref<128xi32, #tpu.memory_space<vmem>>
        %dma_start3A_87 = arith.constant 0 : i32
        %dma_start3A_88 = arith.constant 0 : i32
        %dma_start3A_89 = tpu.memref_slice %arg11[%dma_start3A_87, %dma_start3A_88] : memref<10240x128xf32, #tpu.memory_space<vmem_shared>> -> memref<10240x128xf32, #tpu.memory_space<vmem_shared>>
        tpu.enqueue_indirect_dma source(%arg10 : memref<128x128xf32, #tpu.memory_space<vmem>>) target(%dma_start3A_89 : memref<10240x128xf32, #tpu.memory_space<vmem_shared>>) offsets(%dma_start3A_86 : memref<128xi32, #tpu.memory_space<vmem>>) semaphore(%arg15 : memref<!tpu.dma_semaphore, #tpu.memory_space<semaphore_mem>>) {add = true}
        %lt3A = arith.constant 3 : i32
        %lt3A_90 = arith.cmpi slt, %scan3A_61, %lt3A : i32
        %convert_element_type3A = arith.extui %lt3A_90 : i1 to i32
        %cond3A = arith.constant 0 : i32
        %cond3A_91 = arith.cmpi ne, %convert_element_type3A, %cond3A : i32
        scf.if %cond3A_91 {
          %dma_wait3A_92 = arith.constant 0 : i32
          %dma_wait3A_93 = tpu.memref_slice %arg8[%mul3A_63, %dma_wait3A_92] : memref<8x128xi32, #tpu.memory_space<vmem>> -> memref<1x128xi32, #tpu.memory_space<vmem>>
          %dma_wait3A_94 = tpu.memref_squeeze %dma_wait3A_93 : memref<1x128xi32, #tpu.memory_space<vmem>> -> memref<128xi32, #tpu.memory_space<vmem>>
          %dma_wait3A_95 = arith.constant 0 : i32
          %dma_wait3A_96 = arith.constant 0 : i32
          %dma_wait3A_97 = tpu.memref_slice %arg11[%dma_wait3A_95, %dma_wait3A_96] : memref<10240x128xf32, #tpu.memory_space<vmem_shared>> -> memref<10240x128xf32, #tpu.memory_space<vmem_shared>>
          tpu.wait_indirect_dma semaphore(%arg14 : memref<!tpu.dma_semaphore, #tpu.memory_space<semaphore_mem>>) src(%arg9 : memref<128x128xf32, #tpu.memory_space<vmem>>) dst(%dma_wait3A_97 : memref<10240x128xf32, #tpu.memory_space<vmem_shared>>)
          %add3A_98 = arith.constant 2 : i32
          %add3A_99 = arith.addi %mul3A_63, %add3A_98 : i32
          %dma_start3A_100 = arith.constant 0 : i32
          %dma_start3A_101 = tpu.memref_slice %arg7[%add3A_99, %dma_start3A_100] : memref<8x128xi32, #tpu.memory_space<vmem>> -> memref<1x128xi32, #tpu.memory_space<vmem>>
          %dma_start3A_102 = tpu.memref_squeeze %dma_start3A_101 : memref<1x128xi32, #tpu.memory_space<vmem>> -> memref<128xi32, #tpu.memory_space<vmem>>
          %dma_start3A_103 = arith.constant 0 : i32
          %dma_start3A_104 = arith.constant 0 : i32
          %dma_start3A_105 = tpu.memref_slice %arg2[%dma_start3A_103, %dma_start3A_104] : memref<10240x128xf32, #tpu.memory_space<hbm>> -> memref<10240x128xf32, #tpu.memory_space<hbm>>
          tpu.enqueue_indirect_dma source(%dma_start3A_105 : memref<10240x128xf32, #tpu.memory_space<hbm>>) target(%arg9 : memref<128x128xf32, #tpu.memory_space<vmem>>) offsets(%dma_start3A_102 : memref<128xi32, #tpu.memory_space<vmem>>) semaphore(%arg12 : memref<!tpu.dma_semaphore, #tpu.memory_space<semaphore_mem>>)
          %dma_wait3A_106 = arith.constant 0 : i32
          %dma_wait3A_107 = tpu.memref_slice %arg8[%mul3A_63, %dma_wait3A_106] : memref<8x128xi32, #tpu.memory_space<vmem>> -> memref<1x128xi32, #tpu.memory_space<vmem>>
          %dma_wait3A_108 = tpu.memref_squeeze %dma_wait3A_107 : memref<1x128xi32, #tpu.memory_space<vmem>> -> memref<128xi32, #tpu.memory_space<vmem>>
          %dma_wait3A_109 = arith.constant 0 : i32
          %dma_wait3A_110 = arith.constant 0 : i32
          %dma_wait3A_111 = tpu.memref_slice %arg11[%dma_wait3A_109, %dma_wait3A_110] : memref<10240x128xf32, #tpu.memory_space<vmem_shared>> -> memref<10240x128xf32, #tpu.memory_space<vmem_shared>>
          tpu.wait_indirect_dma semaphore(%arg15 : memref<!tpu.dma_semaphore, #tpu.memory_space<semaphore_mem>>) src(%arg10 : memref<128x128xf32, #tpu.memory_space<vmem>>) dst(%dma_wait3A_111 : memref<10240x128xf32, #tpu.memory_space<vmem_shared>>)
          %add3A_112 = arith.constant 3 : i32
          %add3A_113 = arith.addi %mul3A_63, %add3A_112 : i32
          %dma_start3A_114 = arith.constant 0 : i32
          %dma_start3A_115 = tpu.memref_slice %arg7[%add3A_113, %dma_start3A_114] : memref<8x128xi32, #tpu.memory_space<vmem>> -> memref<1x128xi32, #tpu.memory_space<vmem>>
          %dma_start3A_116 = tpu.memref_squeeze %dma_start3A_115 : memref<1x128xi32, #tpu.memory_space<vmem>> -> memref<128xi32, #tpu.memory_space<vmem>>
          %dma_start3A_117 = arith.constant 0 : i32
          %dma_start3A_118 = arith.constant 0 : i32
          %dma_start3A_119 = tpu.memref_slice %arg2[%dma_start3A_117, %dma_start3A_118] : memref<10240x128xf32, #tpu.memory_space<hbm>> -> memref<10240x128xf32, #tpu.memory_space<hbm>>
          tpu.enqueue_indirect_dma source(%dma_start3A_119 : memref<10240x128xf32, #tpu.memory_space<hbm>>) target(%arg10 : memref<128x128xf32, #tpu.memory_space<vmem>>) offsets(%dma_start3A_116 : memref<128xi32, #tpu.memory_space<vmem>>) semaphore(%arg13 : memref<!tpu.dma_semaphore, #tpu.memory_space<semaphore_mem>>)
        } else {
        }
      }
      %scan3A_47 = arith.constant 4 : i32
      %dma_wait3A = arith.constant 0 : i32
      %dma_wait3A_48 = arith.constant 0 : i32
      %dma_wait3A_49 = tpu.memref_slice %arg8[%dma_wait3A, %dma_wait3A_48] : memref<8x128xi32, #tpu.memory_space<vmem>> -> memref<1x128xi32, #tpu.memory_space<vmem>>
      %dma_wait3A_50 = tpu.memref_squeeze %dma_wait3A_49 : memref<1x128xi32, #tpu.memory_space<vmem>> -> memref<128xi32, #tpu.memory_space<vmem>>
      %dma_wait3A_51 = arith.constant 0 : i32
      %dma_wait3A_52 = arith.constant 0 : i32
      %dma_wait3A_53 = tpu.memref_slice %arg11[%dma_wait3A_51, %dma_wait3A_52] : memref<10240x128xf32, #tpu.memory_space<vmem_shared>> -> memref<10240x128xf32, #tpu.memory_space<vmem_shared>>
      tpu.wait_indirect_dma semaphore(%arg14 : memref<!tpu.dma_semaphore, #tpu.memory_space<semaphore_mem>>) src(%arg9 : memref<128x128xf32, #tpu.memory_space<vmem>>) dst(%dma_wait3A_53 : memref<10240x128xf32, #tpu.memory_space<vmem_shared>>)
      %dma_wait3A_54 = arith.constant 0 : i32
      %dma_wait3A_55 = arith.constant 0 : i32
      %dma_wait3A_56 = tpu.memref_slice %arg8[%dma_wait3A_54, %dma_wait3A_55] : memref<8x128xi32, #tpu.memory_space<vmem>> -> memref<1x128xi32, #tpu.memory_space<vmem>>
      %dma_wait3A_57 = tpu.memref_squeeze %dma_wait3A_56 : memref<1x128xi32, #tpu.memory_space<vmem>> -> memref<128xi32, #tpu.memory_space<vmem>>
      %dma_wait3A_58 = arith.constant 0 : i32
      %dma_wait3A_59 = arith.constant 0 : i32
      %dma_wait3A_60 = tpu.memref_slice %arg11[%dma_wait3A_58, %dma_wait3A_59] : memref<10240x128xf32, #tpu.memory_space<vmem_shared>> -> memref<10240x128xf32, #tpu.memory_space<vmem_shared>>
      tpu.wait_indirect_dma semaphore(%arg15 : memref<!tpu.dma_semaphore, #tpu.memory_space<semaphore_mem>>) src(%arg10 : memref<128x128xf32, #tpu.memory_space<vmem>>) dst(%dma_wait3A_60 : memref<10240x128xf32, #tpu.memory_space<vmem_shared>>)
    }
    %while3A_20 = arith.constant 1 : i32
    scf.for %while3A_26 = %while3A_18 to %while3A_14 step %while3A_20  : i32 {
      %mul3A_27 = arith.constant 8 : i32
      %mul3A_28 = arith.muli %while3A_26, %mul3A_27 : i32
      %add3A_29 = arith.addi %select_n3A, %mul3A_28 : i32
      "tpu.region"() ({
        %run_scoped3A = tpu.sem_alloc : memref<!tpu.dma_semaphore, #tpu.memory_space<semaphore_mem>>
        %dma_start3A_61 = arith.constant 0 : i32
        %dma_start3A_62 = tpu.memref_slice %arg3[%add3A_29, %dma_start3A_61] : memref<2560x128xi32, #tpu.memory_space<hbm>> -> memref<8x128xi32, #tpu.memory_space<hbm>>
        %dma_start3A_63 = arith.constant 0 : i32
        %dma_start3A_64 = tpu.memref_slice %arg3[%add3A_29, %dma_start3A_63] : memref<2560x128xi32, #tpu.memory_space<hbm>> -> memref<8x128xi32, #tpu.memory_space<hbm>>
        tpu.enqueue_dma source(%dma_start3A_64 : memref<8x128xi32, #tpu.memory_space<hbm>>) target(%arg7 : memref<8x128xi32, #tpu.memory_space<vmem>>) target_semaphore(%run_scoped3A : memref<!tpu.dma_semaphore, #tpu.memory_space<semaphore_mem>>)
        %dma_wait3A_65 = arith.constant 0 : i32
        %dma_wait3A_66 = tpu.memref_slice %arg3[%add3A_29, %dma_wait3A_65] : memref<2560x128xi32, #tpu.memory_space<hbm>> -> memref<8x128xi32, #tpu.memory_space<hbm>>
        %dma_wait3A_67 = arith.constant 0 : i32
        %dma_wait3A_68 = tpu.memref_slice %arg3[%add3A_29, %dma_wait3A_67] : memref<2560x128xi32, #tpu.memory_space<hbm>> -> memref<8x128xi32, #tpu.memory_space<hbm>>
        tpu.wait_dma2 semaphore(%run_scoped3A : memref<!tpu.dma_semaphore, #tpu.memory_space<semaphore_mem>>) src(%dma_wait3A_68 : memref<8x128xi32, #tpu.memory_space<hbm>>) dst(%arg7 : memref<8x128xi32, #tpu.memory_space<vmem>>)
        tpu.yield
      }) : () -> ()
      "tpu.region"() ({
        %run_scoped3A = tpu.sem_alloc : memref<!tpu.dma_semaphore, #tpu.memory_space<semaphore_mem>>
        %dma_start3A_61 = arith.constant 0 : i32
        %dma_start3A_62 = tpu.memref_slice %arg4[%add3A_29, %dma_start3A_61] : memref<2560x128xi32, #tpu.memory_space<hbm>> -> memref<8x128xi32, #tpu.memory_space<hbm>>
        %dma_start3A_63 = arith.constant 0 : i32
        %dma_start3A_64 = tpu.memref_slice %arg4[%add3A_29, %dma_start3A_63] : memref<2560x128xi32, #tpu.memory_space<hbm>> -> memref<8x128xi32, #tpu.memory_space<hbm>>
        tpu.enqueue_dma source(%dma_start3A_64 : memref<8x128xi32, #tpu.memory_space<hbm>>) target(%arg8 : memref<8x128xi32, #tpu.memory_space<vmem>>) target_semaphore(%run_scoped3A : memref<!tpu.dma_semaphore, #tpu.memory_space<semaphore_mem>>)
        %dma_wait3A_65 = arith.constant 0 : i32
        %dma_wait3A_66 = tpu.memref_slice %arg4[%add3A_29, %dma_wait3A_65] : memref<2560x128xi32, #tpu.memory_space<hbm>> -> memref<8x128xi32, #tpu.memory_space<hbm>>
        %dma_wait3A_67 = arith.constant 0 : i32
        %dma_wait3A_68 = tpu.memref_slice %arg4[%add3A_29, %dma_wait3A_67] : memref<2560x128xi32, #tpu.memory_space<hbm>> -> memref<8x128xi32, #tpu.memory_space<hbm>>
        tpu.wait_dma2 semaphore(%run_scoped3A : memref<!tpu.dma_semaphore, #tpu.memory_space<semaphore_mem>>) src(%dma_wait3A_68 : memref<8x128xi32, #tpu.memory_space<hbm>>) dst(%arg8 : memref<8x128xi32, #tpu.memory_space<vmem>>)
        tpu.yield
      }) : () -> ()
      %dma_start3A = arith.constant 0 : i32
      %dma_start3A_30 = arith.constant 0 : i32
      %dma_start3A_31 = tpu.memref_slice %arg7[%dma_start3A, %dma_start3A_30] : memref<8x128xi32, #tpu.memory_space<vmem>> -> memref<1x128xi32, #tpu.memory_space<vmem>>
      %dma_start3A_32 = tpu.memref_squeeze %dma_start3A_31 : memref<1x128xi32, #tpu.memory_space<vmem>> -> memref<128xi32, #tpu.memory_space<vmem>>
      %dma_start3A_33 = arith.constant 0 : i32
      %dma_start3A_34 = arith.constant 0 : i32
      %dma_start3A_35 = tpu.memref_slice %arg2[%dma_start3A_33, %dma_start3A_34] : memref<10240x128xf32, #tpu.memory_space<hbm>> -> memref<10240x128xf32, #tpu.memory_space<hbm>>
      tpu.enqueue_indirect_dma source(%dma_start3A_35 : memref<10240x128xf32, #tpu.memory_space<hbm>>) target(%arg9 : memref<128x128xf32, #tpu.memory_space<vmem>>) offsets(%dma_start3A_32 : memref<128xi32, #tpu.memory_space<vmem>>) semaphore(%arg12 : memref<!tpu.dma_semaphore, #tpu.memory_space<semaphore_mem>>)
      %dma_start3A_36 = arith.constant 1 : i32
      %dma_start3A_37 = arith.constant 0 : i32
      %dma_start3A_38 = tpu.memref_slice %arg7[%dma_start3A_36, %dma_start3A_37] : memref<8x128xi32, #tpu.memory_space<vmem>> -> memref<1x128xi32, #tpu.memory_space<vmem>>
      %dma_start3A_39 = tpu.memref_squeeze %dma_start3A_38 : memref<1x128xi32, #tpu.memory_space<vmem>> -> memref<128xi32, #tpu.memory_space<vmem>>
      %dma_start3A_40 = arith.constant 0 : i32
      %dma_start3A_41 = arith.constant 0 : i32
      %dma_start3A_42 = tpu.memref_slice %arg2[%dma_start3A_40, %dma_start3A_41] : memref<10240x128xf32, #tpu.memory_space<hbm>> -> memref<10240x128xf32, #tpu.memory_space<hbm>>
      tpu.enqueue_indirect_dma source(%dma_start3A_42 : memref<10240x128xf32, #tpu.memory_space<hbm>>) target(%arg10 : memref<128x128xf32, #tpu.memory_space<vmem>>) offsets(%dma_start3A_39 : memref<128xi32, #tpu.memory_space<vmem>>) semaphore(%arg13 : memref<!tpu.dma_semaphore, #tpu.memory_space<semaphore_mem>>)
      %scan3A = arith.constant 0 : i32
      %scan3A_43 = arith.constant 0 : i32
      %scan3A_44 = arith.constant 4 : i32
      %scan3A_45 = arith.addi %scan3A_43, %scan3A_44 : i32
      %scan3A_46 = arith.constant 1 : i32
      scf.for %scan3A_61 = %scan3A_43 to %scan3A_45 step %scan3A_46  : i32 {
        %mul3A_62 = arith.constant 2 : i32
        %mul3A_63 = arith.muli %mul3A_62, %scan3A_61 : i32
        %dma_wait3A_64 = arith.constant 0 : i32
        %dma_wait3A_65 = tpu.memref_slice %arg7[%mul3A_63, %dma_wait3A_64] : memref<8x128xi32, #tpu.memory_space<vmem>> -> memref<1x128xi32, #tpu.memory_space<vmem>>
        %dma_wait3A_66 = tpu.memref_squeeze %dma_wait3A_65 : memref<1x128xi32, #tpu.memory_space<vmem>> -> memref<128xi32, #tpu.memory_space<vmem>>
        %dma_wait3A_67 = arith.constant 0 : i32
        %dma_wait3A_68 = arith.constant 0 : i32
        %dma_wait3A_69 = tpu.memref_slice %arg2[%dma_wait3A_67, %dma_wait3A_68] : memref<10240x128xf32, #tpu.memory_space<hbm>> -> memref<10240x128xf32, #tpu.memory_space<hbm>>
        tpu.wait_indirect_dma semaphore(%arg12 : memref<!tpu.dma_semaphore, #tpu.memory_space<semaphore_mem>>) src(%dma_wait3A_69 : memref<10240x128xf32, #tpu.memory_space<hbm>>) dst(%arg9 : memref<128x128xf32, #tpu.memory_space<vmem>>)
        %dma_start3A_70 = arith.constant 0 : i32
        %dma_start3A_71 = tpu.memref_slice %arg8[%mul3A_63, %dma_start3A_70] : memref<8x128xi32, #tpu.memory_space<vmem>> -> memref<1x128xi32, #tpu.memory_space<vmem>>
        %dma_start3A_72 = tpu.memref_squeeze %dma_start3A_71 : memref<1x128xi32, #tpu.memory_space<vmem>> -> memref<128xi32, #tpu.memory_space<vmem>>
        %dma_start3A_73 = arith.constant 0 : i32
        %dma_start3A_74 = arith.constant 0 : i32
        %dma_start3A_75 = tpu.memref_slice %arg11[%dma_start3A_73, %dma_start3A_74] : memref<10240x128xf32, #tpu.memory_space<vmem_shared>> -> memref<10240x128xf32, #tpu.memory_space<vmem_shared>>
        tpu.enqueue_indirect_dma source(%arg9 : memref<128x128xf32, #tpu.memory_space<vmem>>) target(%dma_start3A_75 : memref<10240x128xf32, #tpu.memory_space<vmem_shared>>) offsets(%dma_start3A_72 : memref<128xi32, #tpu.memory_space<vmem>>) semaphore(%arg14 : memref<!tpu.dma_semaphore, #tpu.memory_space<semaphore_mem>>) {add = true}
        %dma_wait3A_76 = arith.constant 0 : i32
        %dma_wait3A_77 = tpu.memref_slice %arg7[%mul3A_63, %dma_wait3A_76] : memref<8x128xi32, #tpu.memory_space<vmem>> -> memref<1x128xi32, #tpu.memory_space<vmem>>
        %dma_wait3A_78 = tpu.memref_squeeze %dma_wait3A_77 : memref<1x128xi32, #tpu.memory_space<vmem>> -> memref<128xi32, #tpu.memory_space<vmem>>
        %dma_wait3A_79 = arith.constant 0 : i32
        %dma_wait3A_80 = arith.constant 0 : i32
        %dma_wait3A_81 = tpu.memref_slice %arg2[%dma_wait3A_79, %dma_wait3A_80] : memref<10240x128xf32, #tpu.memory_space<hbm>> -> memref<10240x128xf32, #tpu.memory_space<hbm>>
        tpu.wait_indirect_dma semaphore(%arg13 : memref<!tpu.dma_semaphore, #tpu.memory_space<semaphore_mem>>) src(%dma_wait3A_81 : memref<10240x128xf32, #tpu.memory_space<hbm>>) dst(%arg10 : memref<128x128xf32, #tpu.memory_space<vmem>>)
        %add3A_82 = arith.constant 1 : i32
        %add3A_83 = arith.addi %mul3A_63, %add3A_82 : i32
        %dma_start3A_84 = arith.constant 0 : i32
        %dma_start3A_85 = tpu.memref_slice %arg8[%add3A_83, %dma_start3A_84] : memref<8x128xi32, #tpu.memory_space<vmem>> -> memref<1x128xi32, #tpu.memory_space<vmem>>
        %dma_start3A_86 = tpu.memref_squeeze %dma_start3A_85 : memref<1x128xi32, #tpu.memory_space<vmem>> -> memref<128xi32, #tpu.memory_space<vmem>>
        %dma_start3A_87 = arith.constant 0 : i32
        %dma_start3A_88 = arith.constant 0 : i32
        %dma_start3A_89 = tpu.memref_slice %arg11[%dma_start3A_87, %dma_start3A_88] : memref<10240x128xf32, #tpu.memory_space<vmem_shared>> -> memref<10240x128xf32, #tpu.memory_space<vmem_shared>>
        tpu.enqueue_indirect_dma source(%arg10 : memref<128x128xf32, #tpu.memory_space<vmem>>) target(%dma_start3A_89 : memref<10240x128xf32, #tpu.memory_space<vmem_shared>>) offsets(%dma_start3A_86 : memref<128xi32, #tpu.memory_space<vmem>>) semaphore(%arg15 : memref<!tpu.dma_semaphore, #tpu.memory_space<semaphore_mem>>) {add = true}
        %lt3A = arith.constant 3 : i32
        %lt3A_90 = arith.cmpi slt, %scan3A_61, %lt3A : i32
        %convert_element_type3A = arith.extui %lt3A_90 : i1 to i32
        %cond3A = arith.constant 0 : i32
        %cond3A_91 = arith.cmpi ne, %convert_element_type3A, %cond3A : i32
        scf.if %cond3A_91 {
          %dma_wait3A_92 = arith.constant 0 : i32
          %dma_wait3A_93 = tpu.memref_slice %arg8[%mul3A_63, %dma_wait3A_92] : memref<8x128xi32, #tpu.memory_space<vmem>> -> memref<1x128xi32, #tpu.memory_space<vmem>>
          %dma_wait3A_94 = tpu.memref_squeeze %dma_wait3A_93 : memref<1x128xi32, #tpu.memory_space<vmem>> -> memref<128xi32, #tpu.memory_space<vmem>>
          %dma_wait3A_95 = arith.constant 0 : i32
          %dma_wait3A_96 = arith.constant 0 : i32
          %dma_wait3A_97 = tpu.memref_slice %arg11[%dma_wait3A_95, %dma_wait3A_96] : memref<10240x128xf32, #tpu.memory_space<vmem_shared>> -> memref<10240x128xf32, #tpu.memory_space<vmem_shared>>
          tpu.wait_indirect_dma semaphore(%arg14 : memref<!tpu.dma_semaphore, #tpu.memory_space<semaphore_mem>>) src(%arg9 : memref<128x128xf32, #tpu.memory_space<vmem>>) dst(%dma_wait3A_97 : memref<10240x128xf32, #tpu.memory_space<vmem_shared>>)
          %add3A_98 = arith.constant 2 : i32
          %add3A_99 = arith.addi %mul3A_63, %add3A_98 : i32
          %dma_start3A_100 = arith.constant 0 : i32
          %dma_start3A_101 = tpu.memref_slice %arg7[%add3A_99, %dma_start3A_100] : memref<8x128xi32, #tpu.memory_space<vmem>> -> memref<1x128xi32, #tpu.memory_space<vmem>>
          %dma_start3A_102 = tpu.memref_squeeze %dma_start3A_101 : memref<1x128xi32, #tpu.memory_space<vmem>> -> memref<128xi32, #tpu.memory_space<vmem>>
          %dma_start3A_103 = arith.constant 0 : i32
          %dma_start3A_104 = arith.constant 0 : i32
          %dma_start3A_105 = tpu.memref_slice %arg2[%dma_start3A_103, %dma_start3A_104] : memref<10240x128xf32, #tpu.memory_space<hbm>> -> memref<10240x128xf32, #tpu.memory_space<hbm>>
          tpu.enqueue_indirect_dma source(%dma_start3A_105 : memref<10240x128xf32, #tpu.memory_space<hbm>>) target(%arg9 : memref<128x128xf32, #tpu.memory_space<vmem>>) offsets(%dma_start3A_102 : memref<128xi32, #tpu.memory_space<vmem>>) semaphore(%arg12 : memref<!tpu.dma_semaphore, #tpu.memory_space<semaphore_mem>>)
          %dma_wait3A_106 = arith.constant 0 : i32
          %dma_wait3A_107 = tpu.memref_slice %arg8[%mul3A_63, %dma_wait3A_106] : memref<8x128xi32, #tpu.memory_space<vmem>> -> memref<1x128xi32, #tpu.memory_space<vmem>>
          %dma_wait3A_108 = tpu.memref_squeeze %dma_wait3A_107 : memref<1x128xi32, #tpu.memory_space<vmem>> -> memref<128xi32, #tpu.memory_space<vmem>>
          %dma_wait3A_109 = arith.constant 0 : i32
          %dma_wait3A_110 = arith.constant 0 : i32
          %dma_wait3A_111 = tpu.memref_slice %arg11[%dma_wait3A_109, %dma_wait3A_110] : memref<10240x128xf32, #tpu.memory_space<vmem_shared>> -> memref<10240x128xf32, #tpu.memory_space<vmem_shared>>
          tpu.wait_indirect_dma semaphore(%arg15 : memref<!tpu.dma_semaphore, #tpu.memory_space<semaphore_mem>>) src(%arg10 : memref<128x128xf32, #tpu.memory_space<vmem>>) dst(%dma_wait3A_111 : memref<10240x128xf32, #tpu.memory_space<vmem_shared>>)
          %add3A_112 = arith.constant 3 : i32
          %add3A_113 = arith.addi %mul3A_63, %add3A_112 : i32
          %dma_start3A_114 = arith.constant 0 : i32
          %dma_start3A_115 = tpu.memref_slice %arg7[%add3A_113, %dma_start3A_114] : memref<8x128xi32, #tpu.memory_space<vmem>> -> memref<1x128xi32, #tpu.memory_space<vmem>>
          %dma_start3A_116 = tpu.memref_squeeze %dma_start3A_115 : memref<1x128xi32, #tpu.memory_space<vmem>> -> memref<128xi32, #tpu.memory_space<vmem>>
          %dma_start3A_117 = arith.constant 0 : i32
          %dma_start3A_118 = arith.constant 0 : i32
          %dma_start3A_119 = tpu.memref_slice %arg2[%dma_start3A_117, %dma_start3A_118] : memref<10240x128xf32, #tpu.memory_space<hbm>> -> memref<10240x128xf32, #tpu.memory_space<hbm>>
          tpu.enqueue_indirect_dma source(%dma_start3A_119 : memref<10240x128xf32, #tpu.memory_space<hbm>>) target(%arg10 : memref<128x128xf32, #tpu.memory_space<vmem>>) offsets(%dma_start3A_116 : memref<128xi32, #tpu.memory_space<vmem>>) semaphore(%arg13 : memref<!tpu.dma_semaphore, #tpu.memory_space<semaphore_mem>>)
        } else {
        }
      }
      %scan3A_47 = arith.constant 4 : i32
      %dma_wait3A = arith.constant 0 : i32
      %dma_wait3A_48 = arith.constant 0 : i32
      %dma_wait3A_49 = tpu.memref_slice %arg8[%dma_wait3A, %dma_wait3A_48] : memref<8x128xi32, #tpu.memory_space<vmem>> -> memref<1x128xi32, #tpu.memory_space<vmem>>
      %dma_wait3A_50 = tpu.memref_squeeze %dma_wait3A_49 : memref<1x128xi32, #tpu.memory_space<vmem>> -> memref<128xi32, #tpu.memory_space<vmem>>
      %dma_wait3A_51 = arith.constant 0 : i32
      %dma_wait3A_52 = arith.constant 0 : i32
      %dma_wait3A_53 = tpu.memref_slice %arg11[%dma_wait3A_51, %dma_wait3A_52] : memref<10240x128xf32, #tpu.memory_space<vmem_shared>> -> memref<10240x128xf32, #tpu.memory_space<vmem_shared>>
      tpu.wait_indirect_dma semaphore(%arg14 : memref<!tpu.dma_semaphore, #tpu.memory_space<semaphore_mem>>) src(%arg9 : memref<128x128xf32, #tpu.memory_space<vmem>>) dst(%dma_wait3A_53 : memref<10240x128xf32, #tpu.memory_space<vmem_shared>>)
      %dma_wait3A_54 = arith.constant 0 : i32
      %dma_wait3A_55 = arith.constant 0 : i32
      %dma_wait3A_56 = tpu.memref_slice %arg8[%dma_wait3A_54, %dma_wait3A_55] : memref<8x128xi32, #tpu.memory_space<vmem>> -> memref<1x128xi32, #tpu.memory_space<vmem>>
      %dma_wait3A_57 = tpu.memref_squeeze %dma_wait3A_56 : memref<1x128xi32, #tpu.memory_space<vmem>> -> memref<128xi32, #tpu.memory_space<vmem>>
      %dma_wait3A_58 = arith.constant 0 : i32
      %dma_wait3A_59 = arith.constant 0 : i32
      %dma_wait3A_60 = tpu.memref_slice %arg11[%dma_wait3A_58, %dma_wait3A_59] : memref<10240x128xf32, #tpu.memory_space<vmem_shared>> -> memref<10240x128xf32, #tpu.memory_space<vmem_shared>>
      tpu.wait_indirect_dma semaphore(%arg15 : memref<!tpu.dma_semaphore, #tpu.memory_space<semaphore_mem>>) src(%arg10 : memref<128x128xf32, #tpu.memory_space<vmem>>) dst(%dma_wait3A_60 : memref<10240x128xf32, #tpu.memory_space<vmem_shared>>)
    }
    %barrier3A_21 = arith.constant 0 : index
    tpu.barrier barrier_id(%barrier3A_21)
    %mul3A_22 = arith.constant 640 : i32
    %mul3A_23 = arith.muli %arg1, %mul3A_22 : i32
    %mul3A_24 = arith.constant 640 : i32
    %mul3A_25 = arith.muli %arg1, %mul3A_24 : i32
    "tpu.region"() ({
      %run_scoped3A = tpu.sem_alloc : memref<!tpu.dma_semaphore, #tpu.memory_space<semaphore_mem>>
      %dma_start3A = arith.constant 0 : i32
      %dma_start3A_26 = tpu.memref_slice %arg6[%arg0, %mul3A_25, %dma_start3A] : memref<2x10240x128xf32, #tpu.memory_space<hbm>> -> memref<1x640x128xf32, #tpu.memory_space<hbm>>
      %dma_start3A_27 = tpu.memref_squeeze %dma_start3A_26 : memref<1x640x128xf32, #tpu.memory_space<hbm>> -> memref<640x128xf32, #tpu.memory_space<hbm>>
      %dma_start3A_28 = arith.constant 0 : i32
      %dma_start3A_29 = tpu.memref_slice %arg11[%mul3A_23, %dma_start3A_28] : memref<10240x128xf32, #tpu.memory_space<vmem_shared>> -> memref<640x128xf32, #tpu.memory_space<vmem_shared>>
      tpu.enqueue_dma source(%dma_start3A_29 : memref<640x128xf32, #tpu.memory_space<vmem_shared>>) target(%dma_start3A_27 : memref<640x128xf32, #tpu.memory_space<hbm>>) target_semaphore(%run_scoped3A : memref<!tpu.dma_semaphore, #tpu.memory_space<semaphore_mem>>)
      %dma_wait3A = arith.constant 0 : i32
      %dma_wait3A_30 = tpu.memref_slice %arg6[%arg0, %mul3A_25, %dma_wait3A] : memref<2x10240x128xf32, #tpu.memory_space<hbm>> -> memref<1x640x128xf32, #tpu.memory_space<hbm>>
      %dma_wait3A_31 = tpu.memref_squeeze %dma_wait3A_30 : memref<1x640x128xf32, #tpu.memory_space<hbm>> -> memref<640x128xf32, #tpu.memory_space<hbm>>
      %dma_wait3A_32 = arith.constant 0 : i32
      %dma_wait3A_33 = tpu.memref_slice %arg11[%mul3A_23, %dma_wait3A_32] : memref<10240x128xf32, #tpu.memory_space<vmem_shared>> -> memref<640x128xf32, #tpu.memory_space<vmem_shared>>
      tpu.wait_dma2 semaphore(%run_scoped3A : memref<!tpu.dma_semaphore, #tpu.memory_space<semaphore_mem>>) src(%dma_wait3A_33 : memref<640x128xf32, #tpu.memory_space<vmem_shared>>) dst(%dma_wait3A_31 : memref<640x128xf32, #tpu.memory_space<hbm>>)
      tpu.yield
    }) : () -> ()
    return
  }
}

module attributes {stable_mosaic.version = 14 : i64} {
  func.func @_mid_body(%arg0: memref<2x10240x128xf32, #tpu.memory_space<vmem>>, %arg1: memref<10240x128xf32, #tpu.memory_space<vmem>>, %arg2: memref<2x10240x16xf32, #tpu.memory_space<vmem>>, %arg3: memref<1x128xf32, #tpu.memory_space<vmem>>, %arg4: memref<1x128xf32, #tpu.memory_space<vmem>>, %arg5: memref<1x128xf32, #tpu.memory_space<vmem>>, %arg6: memref<128x128xf32, #tpu.memory_space<vmem>>, %arg7: memref<10240x128xf32, #tpu.memory_space<vmem>>) attributes {dimension_semantics = [], scalar_prefetch = 0 : i64, scratch_operands = 0 : i64, tpu.core_type = #tpu.core_type<tc>} {
    %get3A = arith.constant 0 : index
    %get3A_0 = arith.constant 0 : index
    %get3A_1 = arith.constant 0 : index
    %get3A_2 = vector.load %arg2[%get3A, %get3A_0, %get3A_1] : memref<2x10240x16xf32, #tpu.memory_space<vmem>>, vector<1x10240x1xf32>
    %get3A_3 = vector.shape_cast %get3A_2 : vector<1x10240x1xf32> to vector<10240x1xf32>
    %add3A = arith.constant 1.000000e+00 : f32
    %add3A_4 = vector.broadcast %add3A : f32 to vector<10240x1xf32>
    %add3A_5 = arith.addf %add3A_4, %get3A_3 : vector<10240x1xf32>
    %get3A_6 = arith.constant 1 : index
    %get3A_7 = arith.constant 0 : index
    %get3A_8 = arith.constant 0 : index
    %get3A_9 = vector.load %arg2[%get3A_6, %get3A_7, %get3A_8] : memref<2x10240x16xf32, #tpu.memory_space<vmem>>, vector<1x10240x1xf32>
    %get3A_10 = vector.shape_cast %get3A_9 : vector<1x10240x1xf32> to vector<10240x1xf32>
    %add3A_11 = arith.addf %add3A_5, %get3A_10 : vector<10240x1xf32>
    %rsqrt3A = math.rsqrt %add3A_11 : vector<10240x1xf32>
    %get3A_12 = arith.constant 0 : index
    %get3A_13 = arith.constant 0 : index
    %get3A_14 = arith.constant 0 : index
    %get3A_15 = vector.load %arg0[%get3A_12, %get3A_13, %get3A_14] : memref<2x10240x128xf32, #tpu.memory_space<vmem>>, vector<1x10240x128xf32>
    %get3A_16 = vector.shape_cast %get3A_15 : vector<1x10240x128xf32> to vector<10240x128xf32>
    %get3A_17 = arith.constant 1 : index
    %get3A_18 = arith.constant 0 : index
    %get3A_19 = arith.constant 0 : index
    %get3A_20 = vector.load %arg0[%get3A_17, %get3A_18, %get3A_19] : memref<2x10240x128xf32, #tpu.memory_space<vmem>>, vector<1x10240x128xf32>
    %get3A_21 = vector.shape_cast %get3A_20 : vector<1x10240x128xf32> to vector<10240x128xf32>
    %add3A_22 = arith.addf %get3A_16, %get3A_21 : vector<10240x128xf32>
    %get3A_23 = arith.constant 0 : index
    %get3A_24 = arith.constant 0 : index
    %get3A_25 = vector.load %arg1[%get3A_23, %get3A_24] : memref<10240x128xf32, #tpu.memory_space<vmem>>, vector<10240x128xf32>
    %add3A_26 = arith.addf %add3A_22, %get3A_25 : vector<10240x128xf32>
    %mul3A = vector.broadcast %rsqrt3A : vector<10240x1xf32> to vector<10240x128xf32>
    %mul3A_27 = arith.mulf %mul3A, %add3A_26 : vector<10240x128xf32>
    %get3A_28 = arith.constant 0 : index
    %get3A_29 = arith.constant 0 : index
    %get3A_30 = vector.load %arg3[%get3A_28, %get3A_29] : memref<1x128xf32, #tpu.memory_space<vmem>>, vector<1x128xf32>
    %add3A_31 = vector.broadcast %get3A_30 : vector<1x128xf32> to vector<10240x128xf32>
    %add3A_32 = arith.addf %mul3A_27, %add3A_31 : vector<10240x128xf32>
    %iota3A = tpu.iota {dimensions = array<i32: 0>} : vector<10240x1xi32>
    %lt3A = arith.constant 10000 : i32
    %lt3A_33 = vector.broadcast %lt3A : i32 to vector<10240x1xi32>
    %lt3A_34 = arith.cmpi slt, %iota3A, %lt3A_33 : vector<10240x1xi32>
    %jit3A = arith.constant 0.000000e+00 : f32
    %broadcast_in_dim3A = vector.shape_cast %lt3A_34 : vector<10240x1xi1> to vector<10240x1xi1>
    %broadcast_in_dim3A_35 = vector.broadcast %broadcast_in_dim3A : vector<10240x1xi1> to vector<10240x128xi1>
    %broadcast_in_dim3A_36 = vector.broadcast %jit3A : f32 to vector<10240x128xf32>
    %select_n3A = arith.select %broadcast_in_dim3A_35, %add3A_32, %broadcast_in_dim3A_36 : vector<10240x128xi1>, vector<10240x128xf32>
    %reduce_sum3A = arith.constant dense<0.000000e+00> : vector<128xf32>
    %reduce_sum3A_37 = vector.multi_reduction <add>, %select_n3A, %reduce_sum3A [0] : vector<10240x128xf32> to vector<128xf32>
    %broadcast_in_dim3A_38 = vector.shape_cast %reduce_sum3A_37 : vector<128xf32> to vector<1x128xf32>
    %mul3A_39 = arith.constant 9.99999974E-5 : f32
    %mul3A_40 = vector.broadcast %mul3A_39 : f32 to vector<1x128xf32>
    %mul3A_41 = arith.mulf %broadcast_in_dim3A_38, %mul3A_40 : vector<1x128xf32>
    %sub3A = vector.broadcast %mul3A_41 : vector<1x128xf32> to vector<10240x128xf32>
    %sub3A_42 = arith.subf %select_n3A, %sub3A : vector<10240x128xf32>
    %mul3A_43 = arith.mulf %sub3A_42, %sub3A_42 : vector<10240x128xf32>
    %jit3A_44 = arith.constant 0.000000e+00 : f32
    %broadcast_in_dim3A_45 = vector.shape_cast %lt3A_34 : vector<10240x1xi1> to vector<10240x1xi1>
    %broadcast_in_dim3A_46 = vector.broadcast %broadcast_in_dim3A_45 : vector<10240x1xi1> to vector<10240x128xi1>
    %broadcast_in_dim3A_47 = vector.broadcast %jit3A_44 : f32 to vector<10240x128xf32>
    %select_n3A_48 = arith.select %broadcast_in_dim3A_46, %mul3A_43, %broadcast_in_dim3A_47 : vector<10240x128xi1>, vector<10240x128xf32>
    %reduce_sum3A_49 = arith.constant dense<0.000000e+00> : vector<128xf32>
    %reduce_sum3A_50 = vector.multi_reduction <add>, %select_n3A_48, %reduce_sum3A_49 [0] : vector<10240x128xf32> to vector<128xf32>
    %broadcast_in_dim3A_51 = vector.shape_cast %reduce_sum3A_50 : vector<128xf32> to vector<1x128xf32>
    %mul3A_52 = arith.constant 9.99999974E-5 : f32
    %mul3A_53 = vector.broadcast %mul3A_52 : f32 to vector<1x128xf32>
    %mul3A_54 = arith.mulf %broadcast_in_dim3A_51, %mul3A_53 : vector<1x128xf32>
    %add3A_55 = arith.constant 9.99999974E-6 : f32
    %add3A_56 = vector.broadcast %add3A_55 : f32 to vector<1x128xf32>
    %add3A_57 = arith.addf %mul3A_54, %add3A_56 : vector<1x128xf32>
    %rsqrt3A_58 = math.rsqrt %add3A_57 : vector<1x128xf32>
    %mul3A_59 = vector.broadcast %rsqrt3A_58 : vector<1x128xf32> to vector<10240x128xf32>
    %mul3A_60 = arith.mulf %sub3A_42, %mul3A_59 : vector<10240x128xf32>
    %get3A_61 = arith.constant 0 : index
    %get3A_62 = arith.constant 0 : index
    %get3A_63 = vector.load %arg4[%get3A_61, %get3A_62] : memref<1x128xf32, #tpu.memory_space<vmem>>, vector<1x128xf32>
    %mul3A_64 = vector.broadcast %get3A_63 : vector<1x128xf32> to vector<10240x128xf32>
    %mul3A_65 = arith.mulf %mul3A_60, %mul3A_64 : vector<10240x128xf32>
    %get3A_66 = arith.constant 0 : index
    %get3A_67 = arith.constant 0 : index
    %get3A_68 = vector.load %arg5[%get3A_66, %get3A_67] : memref<1x128xf32, #tpu.memory_space<vmem>>, vector<1x128xf32>
    %add3A_69 = vector.broadcast %get3A_68 : vector<1x128xf32> to vector<10240x128xf32>
    %add3A_70 = arith.addf %mul3A_65, %add3A_69 : vector<10240x128xf32>
    %max3A = arith.constant 0.000000e+00 : f32
    %max3A_71 = vector.broadcast %max3A : f32 to vector<10240x128xf32>
    %max3A_72 = arith.maximumf %add3A_70, %max3A_71 : vector<10240x128xf32>
    %jit3A_73 = arith.constant 0.000000e+00 : f32
    %broadcast_in_dim3A_74 = vector.shape_cast %lt3A_34 : vector<10240x1xi1> to vector<10240x1xi1>
    %broadcast_in_dim3A_75 = vector.broadcast %broadcast_in_dim3A_74 : vector<10240x1xi1> to vector<10240x128xi1>
    %broadcast_in_dim3A_76 = vector.broadcast %jit3A_73 : f32 to vector<10240x128xf32>
    %select_n3A_77 = arith.select %broadcast_in_dim3A_75, %max3A_72, %broadcast_in_dim3A_76 : vector<10240x128xi1>, vector<10240x128xf32>
    %get3A_78 = arith.constant 0 : index
    %get3A_79 = arith.constant 0 : index
    %get3A_80 = vector.load %arg6[%get3A_78, %get3A_79] : memref<128x128xf32, #tpu.memory_space<vmem>>, vector<128x128xf32>
    %dot_general3A = arith.constant dense<0.000000e+00> : vector<10240x128xf32>
    %dot_general3A_81 = tpu.matmul %select_n3A_77, %get3A_80, %dot_general3A {dimension_numbers = #tpu.dot_dimension_numbers<[1], [0], [0], [1], [0, 0, 1, 1], [], []>, transpose_lhs_hint = false} : vector<10240x128xf32>, vector<128x128xf32>, vector<10240x128xf32> -> vector<10240x128xf32>
    %mul3A_82 = vector.broadcast %rsqrt3A : vector<10240x1xf32> to vector<10240x128xf32>
    %mul3A_83 = arith.mulf %dot_general3A_81, %mul3A_82 : vector<10240x128xf32>
    %swap3A = arith.constant 0 : index
    %swap3A_84 = arith.constant 0 : index
    %swap3A_85 = vector.load %arg7[%swap3A, %swap3A_84] : memref<10240x128xf32, #tpu.memory_space<vmem>>, vector<10240x128xf32>
    tpu.vector_store %arg7[%swap3A, %swap3A_84], %mul3A_83 {strides = array<i32>} : memref<10240x128xf32, #tpu.memory_space<vmem>>, vector<10240x128xf32>,
    return
  }
}

module attributes {stable_mosaic.version = 14 : i64} {
  func.func @_first_body(%arg0: memref<10240x128xf32, #tpu.memory_space<vmem>>, %arg1: memref<128x128xf32, #tpu.memory_space<vmem>>, %arg2: memref<2x10240x16xf32, #tpu.memory_space<vmem>>, %arg3: memref<10240x128xf32, #tpu.memory_space<vmem>>) attributes {dimension_semantics = [], scalar_prefetch = 0 : i64, scratch_operands = 0 : i64, tpu.core_type = #tpu.core_type<tc>} {
    %get3A = arith.constant 0 : index
    %get3A_0 = arith.constant 0 : index
    %get3A_1 = arith.constant 0 : index
    %get3A_2 = vector.load %arg2[%get3A, %get3A_0, %get3A_1] : memref<2x10240x16xf32, #tpu.memory_space<vmem>>, vector<1x10240x1xf32>
    %get3A_3 = vector.shape_cast %get3A_2 : vector<1x10240x1xf32> to vector<10240x1xf32>
    %add3A = arith.constant 1.000000e+00 : f32
    %add3A_4 = vector.broadcast %add3A : f32 to vector<10240x1xf32>
    %add3A_5 = arith.addf %add3A_4, %get3A_3 : vector<10240x1xf32>
    %get3A_6 = arith.constant 1 : index
    %get3A_7 = arith.constant 0 : index
    %get3A_8 = arith.constant 0 : index
    %get3A_9 = vector.load %arg2[%get3A_6, %get3A_7, %get3A_8] : memref<2x10240x16xf32, #tpu.memory_space<vmem>>, vector<1x10240x1xf32>
    %get3A_10 = vector.shape_cast %get3A_9 : vector<1x10240x1xf32> to vector<10240x1xf32>
    %add3A_11 = arith.addf %add3A_5, %get3A_10 : vector<10240x1xf32>
    %rsqrt3A = math.rsqrt %add3A_11 : vector<10240x1xf32>
    %get3A_12 = arith.constant 0 : index
    %get3A_13 = arith.constant 0 : index
    %get3A_14 = vector.load %arg0[%get3A_12, %get3A_13] : memref<10240x128xf32, #tpu.memory_space<vmem>>, vector<10240x128xf32>
    %get3A_15 = arith.constant 0 : index
    %get3A_16 = arith.constant 0 : index
    %get3A_17 = vector.load %arg1[%get3A_15, %get3A_16] : memref<128x128xf32, #tpu.memory_space<vmem>>, vector<128x128xf32>
    %dot_general3A = arith.constant dense<0.000000e+00> : vector<10240x128xf32>
    %dot_general3A_18 = tpu.matmul %get3A_14, %get3A_17, %dot_general3A {dimension_numbers = #tpu.dot_dimension_numbers<[1], [0], [0], [1], [0, 0, 1, 1], [], []>, transpose_lhs_hint = false} : vector<10240x128xf32>, vector<128x128xf32>, vector<10240x128xf32> -> vector<10240x128xf32>
    %mul3A = vector.broadcast %rsqrt3A : vector<10240x1xf32> to vector<10240x128xf32>
    %mul3A_19 = arith.mulf %dot_general3A_18, %mul3A : vector<10240x128xf32>
    %swap3A = arith.constant 0 : index
    %swap3A_20 = arith.constant 0 : index
    %swap3A_21 = vector.load %arg3[%swap3A, %swap3A_20] : memref<10240x128xf32, #tpu.memory_space<vmem>>, vector<10240x128xf32>
    tpu.vector_store %arg3[%swap3A, %swap3A_20], %mul3A_19 {strides = array<i32>} : memref<10240x128xf32, #tpu.memory_space<vmem>>, vector<10240x128xf32>,
    return
  }
}

module attributes {stable_mosaic.version = 14 : i64} {
  func.func @_fin_body(%arg0: memref<2x10240x128xf32, #tpu.memory_space<vmem>>, %arg1: memref<10240x128xf32, #tpu.memory_space<vmem>>, %arg2: memref<2x10240x16xf32, #tpu.memory_space<vmem>>, %arg3: memref<1x128xf32, #tpu.memory_space<vmem>>, %arg4: memref<10000x40xf32, #tpu.memory_space<vmem>>) attributes {dimension_semantics = [], scalar_prefetch = 0 : i64, scratch_operands = 0 : i64, tpu.core_type = #tpu.core_type<tc>} {
    %get3A = arith.constant 0 : index
    %get3A_0 = arith.constant 0 : index
    %get3A_1 = arith.constant 0 : index
    %get3A_2 = vector.load %arg2[%get3A, %get3A_0, %get3A_1] : memref<2x10240x16xf32, #tpu.memory_space<vmem>>, vector<1x10240x1xf32>
    %get3A_3 = vector.shape_cast %get3A_2 : vector<1x10240x1xf32> to vector<10240x1xf32>
    %add3A = arith.constant 1.000000e+00 : f32
    %add3A_4 = vector.broadcast %add3A : f32 to vector<10240x1xf32>
    %add3A_5 = arith.addf %add3A_4, %get3A_3 : vector<10240x1xf32>
    %get3A_6 = arith.constant 1 : index
    %get3A_7 = arith.constant 0 : index
    %get3A_8 = arith.constant 0 : index
    %get3A_9 = vector.load %arg2[%get3A_6, %get3A_7, %get3A_8] : memref<2x10240x16xf32, #tpu.memory_space<vmem>>, vector<1x10240x1xf32>
    %get3A_10 = vector.shape_cast %get3A_9 : vector<1x10240x1xf32> to vector<10240x1xf32>
    %add3A_11 = arith.addf %add3A_5, %get3A_10 : vector<10240x1xf32>
    %rsqrt3A = math.rsqrt %add3A_11 : vector<10240x1xf32>
    %get3A_12 = arith.constant 0 : index
    %get3A_13 = arith.constant 0 : index
    %get3A_14 = arith.constant 0 : index
    %get3A_15 = vector.load %arg0[%get3A_12, %get3A_13, %get3A_14] : memref<2x10240x128xf32, #tpu.memory_space<vmem>>, vector<1x10240x128xf32>
    %get3A_16 = vector.shape_cast %get3A_15 : vector<1x10240x128xf32> to vector<10240x128xf32>
    %get3A_17 = arith.constant 1 : index
    %get3A_18 = arith.constant 0 : index
    %get3A_19 = arith.constant 0 : index
    %get3A_20 = vector.load %arg0[%get3A_17, %get3A_18, %get3A_19] : memref<2x10240x128xf32, #tpu.memory_space<vmem>>, vector<1x10240x128xf32>
    %get3A_21 = vector.shape_cast %get3A_20 : vector<1x10240x128xf32> to vector<10240x128xf32>
    %add3A_22 = arith.addf %get3A_16, %get3A_21 : vector<10240x128xf32>
    %get3A_23 = arith.constant 0 : index
    %get3A_24 = arith.constant 0 : index
    %get3A_25 = vector.load %arg1[%get3A_23, %get3A_24] : memref<10240x128xf32, #tpu.memory_space<vmem>>, vector<10240x128xf32>
    %add3A_26 = arith.addf %add3A_22, %get3A_25 : vector<10240x128xf32>
    %mul3A = vector.broadcast %rsqrt3A : vector<10240x1xf32> to vector<10240x128xf32>
    %mul3A_27 = arith.mulf %mul3A, %add3A_26 : vector<10240x128xf32>
    %get3A_28 = arith.constant 0 : index
    %get3A_29 = arith.constant 0 : index
    %get3A_30 = vector.load %arg3[%get3A_28, %get3A_29] : memref<1x128xf32, #tpu.memory_space<vmem>>, vector<1x128xf32>
    %add3A_31 = vector.broadcast %get3A_30 : vector<1x128xf32> to vector<10240x128xf32>
    %add3A_32 = arith.addf %mul3A_27, %add3A_31 : vector<10240x128xf32>
    %slice3A = vector.extract_strided_slice %add3A_32 {offsets = [0, 0], sizes = [10000, 40], strides = [1, 1]} : vector<10240x128xf32> to vector<10000x40xf32>
    %reduce_max3A = arith.constant dense<0xFF800000> : vector<10000xf32>
    %reduce_max3A_33 = vector.multi_reduction <maximumf>, %slice3A, %reduce_max3A [1] : vector<10000x40xf32> to vector<10000xf32>
    %broadcast_in_dim3A = vector.shape_cast %reduce_max3A_33 : vector<10000xf32> to vector<10000x1xf32>
    %sub3A = vector.broadcast %broadcast_in_dim3A : vector<10000x1xf32> to vector<10000x40xf32>
    %sub3A_34 = arith.subf %slice3A, %sub3A : vector<10000x40xf32>
    %exp3A = math.exp %sub3A_34 : vector<10000x40xf32>
    %reduce_sum3A = arith.constant dense<0.000000e+00> : vector<10000xf32>
    %reduce_sum3A_35 = vector.multi_reduction <add>, %exp3A, %reduce_sum3A [1] : vector<10000x40xf32> to vector<10000xf32>
    %broadcast_in_dim3A_36 = vector.shape_cast %reduce_sum3A_35 : vector<10000xf32> to vector<10000x1xf32>
    %log3A = math.log %broadcast_in_dim3A_36 : vector<10000x1xf32>
    %sub3A_37 = vector.broadcast %log3A : vector<10000x1xf32> to vector<10000x40xf32>
    %sub3A_38 = arith.subf %sub3A_34, %sub3A_37 : vector<10000x40xf32>
    %swap3A = arith.constant 0 : index
    %swap3A_39 = arith.constant 0 : index
    %swap3A_40 = vector.load %arg4[%swap3A, %swap3A_39] : memref<10000x40xf32, #tpu.memory_space<vmem>>, vector<10000x40xf32>
    tpu.vector_store %arg4[%swap3A, %swap3A_39], %sub3A_38 {strides = array<i32>} : memref<10000x40xf32, #tpu.memory_space<vmem>>, vector<10000x40xf32>,
    return
  }
}

</mosaic_0001>

<sc_bundles>
// kernel: kernel.10.cloned.1.call-start
scs
__scs_entry_jumppad:
0x0: {  	(pc) =	sbr.rel $0x88, $3  }
0x1: {  	(tag) =	ssettag $0x0;
	lr =	simm.s32 $0x1  }
0x2: {  	[smem:$0x3F95] =	sst lr;
	_ =	strace $0xD0000000  }
0x3: {  	_ = 	snop  }
0x4: {  	_ = 	snop  }
0x5: {  	_ = 	snop  }
0x6: {  	_ = 	snop  }
0x7: {  	_ = 	snop  }
__scs_overlays_trampoline_lowered:
0x8: {  	[smem:$0x3FA4] =	sst s0  }
0x9: {  	[smem:$0x3FA5] =	sst s1  }
0xa: {  	[smem:$0x3FA6] =	sst s2  }
0xb: {  	[smem:$0x3FA7] =	sst s3  }
0xc: {  	[smem:$0x3FA8] =	sst s4  }
0xd: {  	[smem:$0x3FA9] =	sst s5  }
0xe: {  	[smem:$0x3FAA] =	sst s6  }
0xf: {  	[smem:$0x3FAB] =	sst s7  }
0x10: {  	[smem:$0x3FAC] =	sst s8  }
0x11: {  	[smem:$0x3FAD] =	sst s9;
	s0 =	simm.s32 @!p0 $0x0  }
0x12: {  	s1 =	sld [smem:$0x3F93];
	s0 =	simm.s32 @p0 $0x1  }
0x13: {  	[smem:$0x3FAE] =	sst s0;
	s0 =	simm.s32 @!p1 $0x0  }
0x14: {  	s2 =	sld [smem:$0x3F92];
	s0 =	simm.s32 @p1 $0x1  }
0x15: {  	[smem:$0x3FAF] =	sst s0;
	s0 =	simm.s32 @!p2 $0x0  }
0x16: {  	s3 =	sld [smem:$0x3FDB];
	s0 =	simm.s32 @p2 $0x1  }
0x17: {  	s4 =	simm.s32 $0x1BF5;
	[smem:$0x3FB1] =	sst s0  }
0x18: {  	s0 =	sld [smem:$0x3F94];
	_ =	swait.ge [sflag:s4], $0x0  }
0x19: {  	s7 =	sld [smem:$0x3F95]  }
0x1a: {  	s8 =	sadd.s32 $0xFFFFE003, lr  }
0x1b: {  	s9 =	sadd.s32 $0xFFFFFEF7, lr;
	s5 =	simm.s32 $0xFFFFFFFF;
	p2 =	slt.u32 s8, $0xFFFFF086  }
0x1c: {  	p1 =	slt.u32 s9, $0xF7A;
	s5 =	simm.s32 @!p2 $0x0  }
0x1d: {  	s5 =	simm.s32 @p1 $0x1;
	p0 =	seq.s32 s7, s2  }
0x1e: {  	s7 =	smul.u32 @!p0 $0xF7A, s2;
	p2 =	seq.s32 @!p0 s5, $0x0  }
0x1f: {  	s9 =	smul.u32 $0xF7A, s1;
	s8 =	simm.s32 @!p0 $0x1BF5;
	p2 =	por !p2, p0  }
0x20: {  	[sflag:s8] =	ssyncset.s32 @!p0 $0xFFFFF086;
	s6 =	sadd.s32 @!p0 s3, s7;
	s7 =	simm.s32 @!p0 $0x108  }
0x21: {  	s3 =	sadd.s32 s3, s9;
	s6 =	sadd.s32 @!p0 $0x88, s6;
	s7 =	simm.s32 @p2 $0x1082  }
0x22: {  	[simem:s7], [sflag:s8] =	dma.local @!p0 [hbm:s6], $0xF7A  }
0x23: {  	s9 =	sor.u32 $0xD0000000, s2;
	s6 =	simm.s32 $0x108;
	_ =	swait.ge @!p0 [sflag:s8], $0x0  }
0x24: {  	s3 =	sadd.s32 $0x88, s3;
	s6 =	simm.s32 @!p1 $0x1082;
	[sflag:s4] =	ssyncset.s32 $0xFFFFF086  }
0x25: {  	[simem:s6], [sflag:s4] =	dma.local [hbm:s3], $0xF7A  }
0x26: {  	[smem:$0x3F95] =	sst s1;
	(tag) =	ssettag s2;
	_ =	strace s9  }
0x27: {  	s1 =	sld [smem:$0x3FA5]  }
0x28: {  	s2 =	sld [smem:$0x3FA6]  }
0x29: {  	s4 =	sld [smem:$0x3FA8]  }
0x2a: {  	p0 =	seq.s32 s5, $0x0;
	s5 =	sld [smem:$0x3FA9]  }
0x2b: {  	s6 =	sld [smem:$0x3FAA]  }
0x2c: {  	s7 =	sld [smem:$0x3FAB]  }
0x2d: {  	s3 =	simm.s32 $0x108;
	s8 =	sld [smem:$0x3FAC]  }
0x2e: {  	s3 =	simm.s32 @!p0 $0x1082;
	s9 =	sld [smem:$0x3FAD]  }
0x2f: {  	lr =	sadd.s32 s0, s3;
	s0 =	sld [smem:$0x3FA4]  }
0x30: {  	s3 =	sld [smem:$0x3FA7]  }
0x31: {  	[smem:$0x3FB0] =	sst s10  }
0x32: {  	s10 =	sld [smem:$0x3FAE];
	_ =	sdelay $0x3  }
0x33: {  	p0 =	seq.s32 s10, $0x1;
	s10 =	sld [smem:$0x3FB0];
	_ =	sdelay $0x3  }
0x34: {  	[smem:$0x3FB0] =	sst s10  }
0x35: {  	s10 =	sld [smem:$0x3FAF];
	_ =	sdelay $0x3  }
0x36: {  	p1 =	seq.s32 s10, $0x1;
	s10 =	sld [smem:$0x3FB0];
	_ =	sdelay $0x3  }
0x37: {  	[smem:$0x3FB0] =	sst s10  }
0x38: {  	s10 =	sld [smem:$0x3FB1]  }
0x39: {  	_ = 	snop;
	(pc) =	sbr.ind lr, $3  }
0x3a: {  	_ = 	snop  }
0x3b: {  	_ = 	snop  }
0x3c: {  	p2 =	seq.s32 s10, $0x1;
	s10 =	sld [smem:$0x3FB0]  }
0x3d: {  	_ =	shalt  }
0x3e: {  	_ =	shalt  }
0x3f: {  	_ =	shalt  }
0x40: {  	_ =	shalt  }
0x41: {  	_ =	shalt  }
0x42: {  	_ =	shalt  }
0x43: {  	_ =	shalt  }
0x44: {  	_ =	shalt  }
0x45: {  	_ =	shalt  }
0x46: {  	_ =	shalt  }
0x47: {  	_ =	shalt  }
0x48: {  	_ =	shalt  }
0x49: {  	_ =	shalt  }
0x4a: {  	_ =	shalt  }
0x4b: {  	_ =	shalt  }
0x4c: {  	_ =	shalt  }
0x4d: {  	_ =	shalt  }
0x4e: {  	_ =	shalt  }
0x4f: {  	_ =	shalt  }
0x50: {  	_ =	shalt  }
0x51: {  	_ =	shalt  }
0x52: {  	_ =	shalt  }
0x53: {  	_ =	shalt  }
0x54: {  	_ =	shalt  }
0x55: {  	_ =	shalt  }
0x56: {  	_ =	shalt  }
0x57: {  	_ =	shalt  }
0x58: {  	_ =	shalt  }
0x59: {  	_ =	shalt  }
0x5a: {  	_ =	shalt  }
0x5b: {  	_ =	shalt  }
0x5c: {  	_ =	shalt  }
0x5d: {  	_ =	shalt  }
0x5e: {  	_ =	shalt  }
0x5f: {  	_ =	shalt  }
0x60: {  	_ =	shalt  }
0x61: {  	_ =	shalt  }
0x62: {  	_ =	shalt  }
0x63: {  	_ =	shalt  }
0x64: {  	_ =	shalt  }
0x65: {  	_ =	shalt  }
0x66: {  	_ =	shalt  }
0x67: {  	_ =	shalt  }
0x68: {  	_ =	shalt  }
0x69: {  	_ =	shalt  }
0x6a: {  	_ =	shalt  }
0x6b: {  	_ =	shalt  }
0x6c: {  	_ =	shalt  }
0x6d: {  	_ =	shalt  }
0x6e: {  	_ =	shalt  }
0x6f: {  	_ =	shalt  }
0x70: {  	_ =	shalt  }
0x71: {  	_ =	shalt  }
0x72: {  	_ =	shalt  }
0x73: {  	_ =	shalt  }
0x74: {  	_ =	shalt  }
0x75: {  	_ =	shalt  }
0x76: {  	_ =	shalt  }
0x77: {  	_ =	shalt  }
0x78: {  	_ =	shalt  }
0x79: {  	_ =	shalt  }
0x7a: {  	_ =	shalt  }
0x7b: {  	_ =	shalt  }
0x7c: {  	_ =	shalt  }
0x7d: {  	_ =	shalt  }
0x7e: {  	_ =	shalt  }
0x7f: {  	_ =	shalt  }
0x80: {  	_ =	shalt  }
0x81: {  	_ =	shalt  }
0x82: {  	_ =	shalt  }
0x83: {  	_ =	shalt  }
0x84: {  	_ =	shalt  }
0x85: {  	_ =	shalt  }
0x86: {  	_ =	shalt  }
0x87: {  	_ =	shalt  }
.Lfunc_end0:
.L_simem_size_0:
called_computation_lowered:
.L_overlay_start_0:
0x88: {  	s2 =	sld [smem:$0x3FD9]  }
0x89: {  	s3 =	sld [smem:$0x3FFE];
	_ =	sdelay $0x1  }
0x8a: {  	s1 =	srdreg.scid  }
0x8b: {  	s0 =	sand.u32 $0x1, s1  }
0x8c: {  	s17 =	sshll.u32 s0, $0xA;
	s2 =	sadd.s32 s3, s2  }
0x8d: {  	s2 =	sadd.s32 s2, s17  }
0x8e: {  	[smem:$0x3FBC] =	sst s2  }
0x8f: {  	_ = 	snop  }
0x90: {  	s2 =	sld [smem:$0x3FD0];
	(tm) =	ssettm $0x1  }
0x91: {  	s18 =	sld [smem:$0x3FFB];
	_ =	sdelay $0x3  }
0x92: {  	_ =	strace s18  }
0x93: {  	s3 =	sld [smem:$0x3FFC];
	_ =	sdelay $0x3  }
0x94: {  	_ =	strace s3  }
0x95: {  	s3 =	sld [smem:$0x3FFD];
	_ =	sdelay $0x3  }
0x96: {  	_ =	strace s3  }
0x97: {  	_ =	strace $0x8FFFFFFF  }
0x98: {  	s19 =	sld [smem:$0x3FDB];
	_ =	sdelay $0x1  }
0x99: {  	s4 =	simm.s32 $_scs_section_size  }
0x9a: {  	s5 =	simm.s32 $_size__tile_overlayer_lowered;
	s6 =	simm.s32 $_tile_overlayer_lowered  }
0x9b: {  	s22 =	simm.s32 $0x1BFF;
	s21 =	sshll.u32 s6, $0x1;
	s3 =	sadd.s32 s4, s19  }
0x9c: {  	s7 =	simm.s32 $0x0;
	s20 =	sshll.u32 s5, $0x1;
	s5 =	sadd.s32 s21, s3  }
0x9d: {  	[timem:s7], [sflag:s22] =	dma.local [hbm:s5], s20  }
0x9e: {  	_ =	swait.ge [sflag:s22], s20  }
0x9f: {  	s4 =	ssub.s32 $0x0, s20;
	[sflag:s22] =	ssyncset.done $0x0  }
0xa0: {  	[sflag:s22] =	ssyncadd.s32 s4;
	_ =	sdelay $0x1  }
0xa1: {  	s23 =	simm.s32 $0x1B8B  }
0xa2: {  	_ =	swait.ge [sflag:s23], $0x1  }
0xa3: {  	[sflag:s23] =	ssyncset.done $0x0  }
0xa4: {  	s25 =	simm.s32 $0x1B8E;
	s24 =	sld [smem:$0x3FFE];
	[sflag:s23] =	ssyncadd.s32 $0xFFFFFFFF  }
0xa5: {  	s26 =	simm.s32 $execute0_lowered;
	[smem:$0x3FD2] =	sst s25  }
0xa6: {  	s5 =	sshll.u32 s26, $0x1;
	_ =	strace $0x80000046;
	[dreg:$0x1] =	wrdreg $0xFFFFFFFF  }
0xa7: {  	s28 =	simm.s32 $_size_execute0_lowered;
	s3 =	sadd.s32 s3, s5;
	[dreg:$0x0] =	wrdreg $0x0  }
0xa8: {  	s5 =	sshll.u32 s28, $0x1;
	[dreg:$0x2] =	wrdreg s3  }
0xa9: {  	[dreg:$0x3] =	wrdreg s5  }
0xaa: {  	[dreg:$0x4] =	wrdreg $0xC0  }
0xab: {  	_ =	task [dreg:s7], $0x5FFFF  }
0xac: {  	[dreg:$0x1] =	wrdreg $0xFFFFFFFF  }
0xad: {  	[dreg:$0x0] =	wrdreg $0x60  }
0xae: {  	[dreg:$0x2] =	wrdreg s2  }
0xaf: {  	[dreg:$0x3] =	wrdreg s24  }
0xb0: {  	[dreg:$0x4] =	wrdreg $0x30000  }
0xb1: {  	[dreg:$0x5] =	wrdreg $0x9  }
0xb2: {  	_ =	task.clear_ibuf [dreg:s7], $0x6FFFF;
	_ =	strace $0x90000046  }
0xb3: {  	s29 =	simm.s32 $0x9;
	_ =	strace $0x80000048  }
0xb4: {  	_ =	swait.ge [sflag:s29], $0x1  }
0xb5: {  	[sflag:s29] =	ssyncadd.s32 $0xFFFFFFFF  }
0xb6: {  	_ =	strace $0x90000048  }
0xb7: {  	_ =	sfence  }
0xb8: {  	s30 =	sld [smem:$0x0];
	_ =	sdelay $0x2  }
0xb9: {  	s31 =	sshll.u32 s1, $0xD;
	s1 =	sshrl.u32 s1, $0x2  }
0xba: {  	s3 =	sand.u32 $0x4000, s31;
	s1 =	sadd.s32 s1, s30  }
0xbb: {  	s0 =	sor.u32 s3, s0;
	s1 =	sshll.u32 s1, $0x11  }
0xbc: {  	s0 =	sor.u32 s1, s0  }
0xbd: {  	s0 =	sadd.s32 $0x8F2B, s0  }
0xbe: {  	[sflag:s0] =	ssyncadd.remote.s32 $0x1  }
0xbf: {  	_ =	sfence.sel $0xFFFF  }
0xc0: {  	[dreg:$0x0] =	wrdreg $0xFFFFFFFF;
	(pc) =	sbr.abs _section_cstart, $3  }
0xc1: {  	[dreg:$0x1] =	wrdreg $0xFFFFFFFF  }
0xc2: {  	_ =	task.clear_ibuf [dreg:s7], $0x2FFFF;
	_ =	strace $0x9FFFFFFF  }
0xc3: {  	(tm) =	ssettm $0x7FFFFFFF  }
tec
execute0_lowered:
.L_overlay_start_1:
0x0: {  	(tag) =	ssettag $0x1  }
0x1: {  	s6 =	rddreg [dreg:$0x0]  }
0x2: {  	s7 =	rddreg [dreg:$0x1]  }
0x3: {  	s2 =	rddreg [dreg:$0x2]  }
0x4: {  	s0 =	rddreg [dreg:$0x3]  }
0x5: {  	s4 =	srdreg.scid;
	s1 =	stileid.u32;
	s3 =	simm.s32 $0x0  }
0x6: {  	s13 =	simm.s32 $0x80;
	s14 =	simm.s32 $0x0;
	s5 =	sand.u32 $0x1, s4  }
0x7: {  	s8 =	smul.u32 $0x2800, s1;
	[smem:$0x7FF] =	sst s3;
	s10 =	sshll.u32 s1, $0x1  }
0x8: {  	s4 =	sadd.s32 $0x4400, s7;
	s31 =	sshll.u32 s1, $0x6;
	s9 =	smul.u32 $0x28000, s5  }
0x9: {  	_ =	strace $0x80000047;
	s10 =	sor.u32 s5, s10;
	s11 =	ssub.s32 $0x2, s5  }
0xa: {  	s5 =	sadd.s32 $0x4600, s7;
	s10 =	smul.u32 $0x500, s10;
	s12 =	sadd.s32 s8, s2  }
0xb: {  	s30 =	sshrl.u32 s11, $0x1;
	s9 =	sadd.s32 s8, s9;
	s12 =	sshrl.u32 s12, $0x3  }
0xc: {  	s9 =	sshrl.u32 s9, $0x3;
	s6 =	sadd.s32 s6, s10;
	s10 =	simm.s32 $0x2800  }
0xd: {  	s7 =	sadd.s32 s9, s7;
	s9 =	ssub.s32 s11, s30;
	s11 =	sor.u32 $0x1C01, s31  }
0xe: {  	s7 =	sadd.s32 $0x4C00, s7;
	s8 =	smax.u32 s9, $0x1;
	s9 =	simm.s32 $0x1  }
.LBB2_1:
0xf: {  	[tilespmem:s3], [sflag:$0x1] =	stream.linear.gather [hbm4b:s6+s3], $0x2800, $0x38;
	[tilespmem:$0x5800] =	vst v63  }
0x10: {  	_ =	swait.ge [sflag:s9], $0x2800  }
0x11: {  	[sflag:s9] =	ssyncset.done $0x0  }
0x12: {  	[sflag:s9] =	ssyncadd.s32 $0xFFFFD800  }
0x13: {  	[tilespmem:s10], [sflag:$0x1] =	stream.linear.gather [hbm4b:s4+s3], $0x800, $0x38;
	[tilespmem:$0x5800] =	vst v63  }
0x14: {  	_ =	swait.ge [sflag:s9], $0x800  }
0x15: {  	[sflag:s9] =	ssyncset.done $0x0  }
0x16: {  	[sflag:s9] =	ssyncadd.s32 $0xFFFFF800  }
0x17: {  	[spmem:s12], [sflag:s11] =	dma.local [hbm:s5], $0x500  }
0x18: {  	_ =	swait.ge [sflag:s9], $0x500  }
0x19: {  	[sflag:s9] =	ssyncset.done $0x0  }
0x1a: {  	[sflag:s9] =	ssyncadd.s32 $0xFFFFFB00  }
0x1b: {  	s15 =	simm.s32 $0x0;
	[bflag:$0x0] =	sbarrier.arrive $0xFFFF  }
0x1c: {  	[spmem:s2] =	stream.indirect.scatter.add.f32 [tilespmem:s10], [sflag:$0x1], $0x10, s15, s13, $0xb8;
	[tilespmem:$0x5800] =	vst v63  }
0x1d: {  	_ =	swait.ge [sflag:s9], $0x800  }
0x1e: {  	s15 =	simm.s32 $0x200;
	[sflag:s9] =	ssyncset.done $0x0  }
.LBB2_2:
0x1f: {  	s16 =	sshra.s32 s15, $0x2;
	[sflag:s9] =	ssyncadd.s32 $0xFFFFF800;
	p0 =	sne.s32 s15, $0x9E00  }
0x20: {  	[spmem:s2] =	stream.indirect.scatter.add.f32 [tilespmem:s10], [sflag:$0x1], $0x10, s16, s13, $0xb8;
	[tilespmem:$0x5800] =	vst v63  }
.Ltmp0:
0x21: {  	_ = 	snop;
	(pc) =	sbr.rel @p0 .LBB2_2-.Ltmp0, $4  }
0x22: {  	_ = 	snop  }
0x23: {  	s15 =	sadd.s32 $0x200, s15  }
0x24: {  	_ =	swait.ge [sflag:s9], $0x800  }
0x25: {  	[sflag:s9] =	ssyncset.done $0x0  }
0x26: {  	s14 =	sadd.s32 $0x1, s14  }
0x27: {  	[sflag:s9] =	ssyncadd.s32 $0xFFFFF800;
	p0 =	sne.s32 s14, s8  }
.Ltmp1:
0x28: {  	[bflag:$0x0] =	sbarrier.arrive $0xFFFF;
	(pc) =	sbr.rel @p0 .LBB2_1-.Ltmp1, $4  }
0x29: {  	[hbm:s7], [sflag:s11] =	dma.local [spmem:s12], $0x500  }
0x2a: {  	_ =	swait.ge [sflag:s9], $0x500  }
0x2b: {  	[sflag:s9] =	ssyncset.done $0x0  }
0x2c: {  	[sflag:s9] =	ssyncadd.s32 $0xFFFFFB00  }
0x2d: {  	_ =	sfence.sel $0x180000  }
0x2e: {  	[bflag:$0x0] =	sbarrier.arrive $0xFFFF  }
0x2f: {  	p0 =	sne.s32 s1, $0x0;
	_ =	strace $0x90000047  }
0x30: {  	s0 =	sadd.s32 @!p0 $0x100000, s0;
	[bflag:$0x2] =	sbarrier.arrive $0xFFFF  }
0x31: {  	[sflag:s0] =	ssyncadd.tile.s32 @!p0 $0x1;
	_ =	shalt  }
.Lfunc_end2:
_tile_overlayer_lowered:
.L_overlay_start_2:
0x32: {  	(tag) =	ssettag $0x2  }
0x33: {  	s0 =	rddreg [dreg:$0x0];
	s2 =	stileid.u32  }
0x34: {  	s1 =	rddreg [dreg:$0x1];
	p0 =	sne.s32 s2, $0x0  }
0x35: {  	s3 =	rddreg [dreg:$0x2];
	[bflag:$0x3] =	sbarrier.arrive $0xFFFF;
	s2 =	simm.s32 @!p0 $0x1C01  }
0x36: {  	[timem:s3], [sflag:s2] =	dma.local @!p0 [hbm:s0], s1  }
0x37: {  	s0 =	simm.s32 @!p0 $0x1  }
0x38: {  	_ =	swait.ge @!p0 [sflag:s0], s1  }
0x39: {  	s1 =	ssub.s32 @!p0 $0x0, s1;
	[sflag:s0] =	ssyncset.done @!p0 $0x0  }
0x3a: {  	[sflag:s0] =	ssyncadd.s32 @!p0 s1  }
0x3b: {  	[bflag:$0x3] =	sbarrier.arrive $0xFFFF  }
0x3c: {  	_ =	shalt  }

// kernel: kernel.13.cloned.1.call-start
scs
__scs_entry_jumppad:
0x0: {  	(pc) =	sbr.rel $0x88, $3  }
0x1: {  	(tag) =	ssettag $0x0;
	lr =	simm.s32 $0x1  }
0x2: {  	[smem:$0x3F95] =	sst lr;
	_ =	strace $0xD0000000  }
0x3: {  	_ = 	snop  }
0x4: {  	_ = 	snop  }
0x5: {  	_ = 	snop  }
0x6: {  	_ = 	snop  }
0x7: {  	_ = 	snop  }
__scs_overlays_trampoline_lowered:
0x8: {  	[smem:$0x3FA4] =	sst s0  }
0x9: {  	[smem:$0x3FA5] =	sst s1  }
0xa: {  	[smem:$0x3FA6] =	sst s2  }
0xb: {  	[smem:$0x3FA7] =	sst s3  }
0xc: {  	[smem:$0x3FA8] =	sst s4  }
0xd: {  	[smem:$0x3FA9] =	sst s5  }
0xe: {  	[smem:$0x3FAA] =	sst s6  }
0xf: {  	[smem:$0x3FAB] =	sst s7  }
0x10: {  	[smem:$0x3FAC] =	sst s8  }
0x11: {  	[smem:$0x3FAD] =	sst s9;
	s0 =	simm.s32 @!p0 $0x0  }
0x12: {  	s1 =	sld [smem:$0x3F93];
	s0 =	simm.s32 @p0 $0x1  }
0x13: {  	[smem:$0x3FAE] =	sst s0;
	s0 =	simm.s32 @!p1 $0x0  }
0x14: {  	s2 =	sld [smem:$0x3F92];
	s0 =	simm.s32 @p1 $0x1  }
0x15: {  	[smem:$0x3FAF] =	sst s0;
	s0 =	simm.s32 @!p2 $0x0  }
0x16: {  	s3 =	sld [smem:$0x3FDB];
	s0 =	simm.s32 @p2 $0x1  }
0x17: {  	s4 =	simm.s32 $0x1BF5;
	[smem:$0x3FB1] =	sst s0  }
0x18: {  	s0 =	sld [smem:$0x3F94];
	_ =	swait.ge [sflag:s4], $0x0  }
0x19: {  	s7 =	sld [smem:$0x3F95]  }
0x1a: {  	s8 =	sadd.s32 $0xFFFFE003, lr  }
0x1b: {  	s9 =	sadd.s32 $0xFFFFFEF7, lr;
	s5 =	simm.s32 $0xFFFFFFFF;
	p2 =	slt.u32 s8, $0xFFFFF086  }
0x1c: {  	p1 =	slt.u32 s9, $0xF7A;
	s5 =	simm.s32 @!p2 $0x0  }
0x1d: {  	s5 =	simm.s32 @p1 $0x1;
	p0 =	seq.s32 s7, s2  }
0x1e: {  	s7 =	smul.u32 @!p0 $0xF7A, s2;
	p2 =	seq.s32 @!p0 s5, $0x0  }
0x1f: {  	s9 =	smul.u32 $0xF7A, s1;
	s8 =	simm.s32 @!p0 $0x1BF5;
	p2 =	por !p2, p0  }
0x20: {  	[sflag:s8] =	ssyncset.s32 @!p0 $0xFFFFF086;
	s6 =	sadd.s32 @!p0 s3, s7;
	s7 =	simm.s32 @!p0 $0x108  }
0x21: {  	s3 =	sadd.s32 s3, s9;
	s6 =	sadd.s32 @!p0 $0x88, s6;
	s7 =	simm.s32 @p2 $0x1082  }
0x22: {  	[simem:s7], [sflag:s8] =	dma.local @!p0 [hbm:s6], $0xF7A  }
0x23: {  	s9 =	sor.u32 $0xD0000000, s2;
	s6 =	simm.s32 $0x108;
	_ =	swait.ge @!p0 [sflag:s8], $0x0  }
0x24: {  	s3 =	sadd.s32 $0x88, s3;
	s6 =	simm.s32 @!p1 $0x1082;
	[sflag:s4] =	ssyncset.s32 $0xFFFFF086  }
0x25: {  	[simem:s6], [sflag:s4] =	dma.local [hbm:s3], $0xF7A  }
0x26: {  	[smem:$0x3F95] =	sst s1;
	(tag) =	ssettag s2;
	_ =	strace s9  }
0x27: {  	s1 =	sld [smem:$0x3FA5]  }
0x28: {  	s2 =	sld [smem:$0x3FA6]  }
0x29: {  	s4 =	sld [smem:$0x3FA8]  }
0x2a: {  	p0 =	seq.s32 s5, $0x0;
	s5 =	sld [smem:$0x3FA9]  }
0x2b: {  	s6 =	sld [smem:$0x3FAA]  }
0x2c: {  	s7 =	sld [smem:$0x3FAB]  }
0x2d: {  	s3 =	simm.s32 $0x108;
	s8 =	sld [smem:$0x3FAC]  }
0x2e: {  	s3 =	simm.s32 @!p0 $0x1082;
	s9 =	sld [smem:$0x3FAD]  }
0x2f: {  	lr =	sadd.s32 s0, s3;
	s0 =	sld [smem:$0x3FA4]  }
0x30: {  	s3 =	sld [smem:$0x3FA7]  }
0x31: {  	[smem:$0x3FB0] =	sst s10  }
0x32: {  	s10 =	sld [smem:$0x3FAE];
	_ =	sdelay $0x3  }
0x33: {  	p0 =	seq.s32 s10, $0x1;
	s10 =	sld [smem:$0x3FB0];
	_ =	sdelay $0x3  }
0x34: {  	[smem:$0x3FB0] =	sst s10  }
0x35: {  	s10 =	sld [smem:$0x3FAF];
	_ =	sdelay $0x3  }
0x36: {  	p1 =	seq.s32 s10, $0x1;
	s10 =	sld [smem:$0x3FB0];
	_ =	sdelay $0x3  }
0x37: {  	[smem:$0x3FB0] =	sst s10  }
0x38: {  	s10 =	sld [smem:$0x3FB1]  }
0x39: {  	_ = 	snop;
	(pc) =	sbr.ind lr, $3  }
0x3a: {  	_ = 	snop  }
0x3b: {  	_ = 	snop  }
0x3c: {  	p2 =	seq.s32 s10, $0x1;
	s10 =	sld [smem:$0x3FB0]  }
0x3d: {  	_ =	shalt  }
0x3e: {  	_ =	shalt  }
0x3f: {  	_ =	shalt  }
0x40: {  	_ =	shalt  }
0x41: {  	_ =	shalt  }
0x42: {  	_ =	shalt  }
0x43: {  	_ =	shalt  }
0x44: {  	_ =	shalt  }
0x45: {  	_ =	shalt  }
0x46: {  	_ =	shalt  }
0x47: {  	_ =	shalt  }
0x48: {  	_ =	shalt  }
0x49: {  	_ =	shalt  }
0x4a: {  	_ =	shalt  }
0x4b: {  	_ =	shalt  }
0x4c: {  	_ =	shalt  }
0x4d: {  	_ =	shalt  }
0x4e: {  	_ =	shalt  }
0x4f: {  	_ =	shalt  }
0x50: {  	_ =	shalt  }
0x51: {  	_ =	shalt  }
0x52: {  	_ =	shalt  }
0x53: {  	_ =	shalt  }
0x54: {  	_ =	shalt  }
0x55: {  	_ =	shalt  }
0x56: {  	_ =	shalt  }
0x57: {  	_ =	shalt  }
0x58: {  	_ =	shalt  }
0x59: {  	_ =	shalt  }
0x5a: {  	_ =	shalt  }
0x5b: {  	_ =	shalt  }
0x5c: {  	_ =	shalt  }
0x5d: {  	_ =	shalt  }
0x5e: {  	_ =	shalt  }
0x5f: {  	_ =	shalt  }
0x60: {  	_ =	shalt  }
0x61: {  	_ =	shalt  }
0x62: {  	_ =	shalt  }
0x63: {  	_ =	shalt  }
0x64: {  	_ =	shalt  }
0x65: {  	_ =	shalt  }
0x66: {  	_ =	shalt  }
0x67: {  	_ =	shalt  }
0x68: {  	_ =	shalt  }
0x69: {  	_ =	shalt  }
0x6a: {  	_ =	shalt  }
0x6b: {  	_ =	shalt  }
0x6c: {  	_ =	shalt  }
0x6d: {  	_ =	shalt  }
0x6e: {  	_ =	shalt  }
0x6f: {  	_ =	shalt  }
0x70: {  	_ =	shalt  }
0x71: {  	_ =	shalt  }
0x72: {  	_ =	shalt  }
0x73: {  	_ =	shalt  }
0x74: {  	_ =	shalt  }
0x75: {  	_ =	shalt  }
0x76: {  	_ =	shalt  }
0x77: {  	_ =	shalt  }
0x78: {  	_ =	shalt  }
0x79: {  	_ =	shalt  }
0x7a: {  	_ =	shalt  }
0x7b: {  	_ =	shalt  }
0x7c: {  	_ =	shalt  }
0x7d: {  	_ =	shalt  }
0x7e: {  	_ =	shalt  }
0x7f: {  	_ =	shalt  }
0x80: {  	_ =	shalt  }
0x81: {  	_ =	shalt  }
0x82: {  	_ =	shalt  }
0x83: {  	_ =	shalt  }
0x84: {  	_ =	shalt  }
0x85: {  	_ =	shalt  }
0x86: {  	_ =	shalt  }
0x87: {  	_ =	shalt  }
.Lfunc_end0:
.L_simem_size_0:
called_computation.1_lowered:
.L_overlay_start_0:
0x88: {  	s2 =	sld [smem:$0x3FD9]  }
0x89: {  	s3 =	sld [smem:$0x3FFE];
	_ =	sdelay $0x1  }
0x8a: {  	s1 =	srdreg.scid  }
0x8b: {  	s0 =	sand.u32 $0x1, s1  }
0x8c: {  	s17 =	sshll.u32 s0, $0xA;
	s2 =	sadd.s32 s3, s2  }
0x8d: {  	s2 =	sadd.s32 s2, s17  }
0x8e: {  	[smem:$0x3FBC] =	sst s2  }
0x8f: {  	_ = 	snop  }
0x90: {  	s2 =	sld [smem:$0x3FD0];
	(tm) =	ssettm $0x1  }
0x91: {  	s18 =	sld [smem:$0x3FFB];
	_ =	sdelay $0x3  }
0x92: {  	_ =	strace s18  }
0x93: {  	s3 =	sld [smem:$0x3FFC];
	_ =	sdelay $0x3  }
0x94: {  	_ =	strace s3  }
0x95: {  	s3 =	sld [smem:$0x3FFD];
	_ =	sdelay $0x3  }
0x96: {  	_ =	strace s3  }
0x97: {  	_ =	strace $0x8FFFFFFF  }
0x98: {  	s19 =	sld [smem:$0x3FDB];
	_ =	sdelay $0x1  }
0x99: {  	s4 =	simm.s32 $_scs_section_size  }
0x9a: {  	s5 =	simm.s32 $_size__tile_overlayer_lowered;
	s6 =	simm.s32 $_tile_overlayer_lowered  }
0x9b: {  	s22 =	simm.s32 $0x1BFF;
	s21 =	sshll.u32 s6, $0x1;
	s3 =	sadd.s32 s4, s19  }
0x9c: {  	s7 =	simm.s32 $0x0;
	s20 =	sshll.u32 s5, $0x1;
	s5 =	sadd.s32 s21, s3  }
0x9d: {  	[timem:s7], [sflag:s22] =	dma.local [hbm:s5], s20  }
0x9e: {  	_ =	swait.ge [sflag:s22], s20  }
0x9f: {  	s4 =	ssub.s32 $0x0, s20;
	[sflag:s22] =	ssyncset.done $0x0  }
0xa0: {  	[sflag:s22] =	ssyncadd.s32 s4;
	_ =	sdelay $0x1  }
0xa1: {  	s23 =	simm.s32 $0x1B8B  }
0xa2: {  	_ =	swait.ge [sflag:s23], $0x1  }
0xa3: {  	[sflag:s23] =	ssyncset.done $0x0  }
0xa4: {  	s25 =	simm.s32 $0x1B8E;
	s24 =	sld [smem:$0x3FFE];
	[sflag:s23] =	ssyncadd.s32 $0xFFFFFFFF  }
0xa5: {  	s26 =	simm.s32 $execute0_lowered;
	[smem:$0x3FD2] =	sst s25  }
0xa6: {  	s5 =	sshll.u32 s26, $0x1;
	_ =	strace $0x80000049;
	[dreg:$0x1] =	wrdreg $0xFFFFFFFF  }
0xa7: {  	s28 =	simm.s32 $_size_execute0_lowered;
	s3 =	sadd.s32 s3, s5;
	[dreg:$0x0] =	wrdreg $0x0  }
0xa8: {  	s5 =	sshll.u32 s28, $0x1;
	[dreg:$0x2] =	wrdreg s3  }
0xa9: {  	[dreg:$0x3] =	wrdreg s5  }
0xaa: {  	[dreg:$0x4] =	wrdreg $0xC0  }
0xab: {  	_ =	task [dreg:s7], $0x5FFFF  }
0xac: {  	[dreg:$0x1] =	wrdreg $0xFFFFFFFF  }
0xad: {  	[dreg:$0x0] =	wrdreg $0x60  }
0xae: {  	[dreg:$0x2] =	wrdreg s24  }
0xaf: {  	[dreg:$0x3] =	wrdreg s2  }
0xb0: {  	[dreg:$0x4] =	wrdreg $0x88000  }
0xb1: {  	[dreg:$0x5] =	wrdreg $0x9  }
0xb2: {  	_ =	task.clear_ibuf [dreg:s7], $0x6FFFF;
	_ =	strace $0x90000049  }
0xb3: {  	s29 =	simm.s32 $0x9;
	_ =	strace $0x8000004B  }
0xb4: {  	_ =	swait.ge [sflag:s29], $0x1  }
0xb5: {  	[sflag:s29] =	ssyncadd.s32 $0xFFFFFFFF  }
0xb6: {  	_ =	strace $0x9000004B  }
0xb7: {  	_ =	sfence  }
0xb8: {  	s30 =	sld [smem:$0x0];
	_ =	sdelay $0x2  }
0xb9: {  	s31 =	sshll.u32 s1, $0xD;
	s1 =	sshrl.u32 s1, $0x2  }
0xba: {  	s3 =	sand.u32 $0x4000, s31;
	s1 =	sadd.s32 s1, s30  }
0xbb: {  	s0 =	sor.u32 s3, s0;
	s1 =	sshll.u32 s1, $0x11  }
0xbc: {  	s0 =	sor.u32 s1, s0  }
0xbd: {  	s0 =	sadd.s32 $0x8F2B, s0  }
0xbe: {  	[sflag:s0] =	ssyncadd.remote.s32 $0x1  }
0xbf: {  	_ =	sfence.sel $0xFFFF  }
0xc0: {  	[dreg:$0x0] =	wrdreg $0xFFFFFFFF;
	(pc) =	sbr.abs _section_cstart, $3  }
0xc1: {  	[dreg:$0x1] =	wrdreg $0xFFFFFFFF  }
0xc2: {  	_ =	task.clear_ibuf [dreg:s7], $0x2FFFF;
	_ =	strace $0x9FFFFFFF  }
0xc3: {  	(tm) =	ssettm $0x7FFFFFFF  }
tec
execute0_lowered:
.L_overlay_start_1:
0x0: {  	(tag) =	ssettag $0x1  }
0x1: {  	s0 =	rddreg [dreg:$0x0]  }
0x2: {  	s1 =	rddreg [dreg:$0x1]  }
0x3: {  	s2 =	rddreg [dreg:$0x2]  }
0x4: {  	s11 =	stileid.u32;
	s3 =	simm.s32 $0x0;
	s4 =	srdreg.scid  }
0x5: {  	s13 =	simm.s32 $0x5;
	s14 =	simm.s32 $0x400;
	s15 =	simm.s32 $0x80  }
0x6: {  	s16 =	simm.s32 $0x800;
	s17 =	simm.s32 $0x4800;
	s26 =	simm.s32 $0x480  }
0x7: {  	s18 =	simm.s32 $0x1;
	s19 =	simm.s32 $0x2;
	s28 =	simm.s32 $0x280  }
0x8: {  	s29 =	simm.s32 $0x600;
	s30 =	simm.s32 $0x680;
	s5 =	smul.u32 $0x18, s11  }
0x9: {  	s31 =	simm.s32 $0x300;
	s6 =	sand.u32 $0x1, s4;
	s4 =	smul.u32 $0x88, s11  }
0xa: {  	[smem:$0x7FF] =	sst s3;
	s7 =	smul.u32 $0x14000, s11;
	s10 =	sadd.s32 $0x4400, s0  }
0xb: {  	s21 =	sshll.u32 s11, $0x6;
	p0 =	seq.s32 s6, $0x0;
	s8 =	smul.u32 $0x140000, s6  }
0xc: {  	_ =	strace $0x8000004A;
	s6 =	ssub.s32 $0x2, s6;
	[dreg:$0x5] =	wrdreg s10  }
0xd: {  	s11 =	sor.u32 $0x1C05, s21;
	[dreg:$0x4] =	wrdreg s26;
	s21 =	simm.s32 $0x100  }
0xe: {  	s26 =	simm.s32 $0x200;
	s5 =	sadd.s32 $0x880, s5;
	s20 =	sshrl.u32 s6, $0x1  }
0xf: {  	s22 =	sadd.s32 s7, s2;
	s5 =	smov.u32 @p0 s4;
	s4 =	sadd.s32 $0x68C00, s0  }
0x10: {  	s8 =	sadd.s32 s7, s8;
	s6 =	ssub.s32 s6, s20;
	s7 =	simm.s32 $0x11  }
0x11: {  	s20 =	simm.s32 $0x3;
	s5 =	sshll.u32 s5, $0x4;
	s7 =	simm.s32 @!p0 $0x3  }
0x12: {  	s8 =	sshrl.u32 s8, $0x3;
	s23 =	smax.u32 s6, $0x1;
	[dreg:$0xa] =	wrdreg s7  }
0x13: {  	s9 =	sadd.s32 s5, s0;
	s0 =	sadd.s32 s8, s0;
	[dreg:$0x7] =	wrdreg s23  }
0x14: {  	s24 =	sadd.s32 s5, s1;
	s23 =	simm.s32 $0x180;
	s1 =	simm.s32 $0x700  }
0x15: {  	s5 =	simm.s32 $0x780;
	s8 =	simm.s32 $0x0;
	s0 =	sadd.s32 $0x90C00, s0  }
0x16: {  	[dreg:$0x8] =	wrdreg s24;
	s25 =	sadd.s32 $0xEC00, s9;
	s9 =	sshrl.u32 s22, $0x3  }
0x17: {  	s22 =	simm.s32 $0x4;
	s24 =	simm.s32 $0x500;
	[dreg:$0x6] =	wrdreg s0  }
0x18: {  	[dreg:$0x9] =	wrdreg s25;
	s25 =	simm.s32 $0x580;
	s0 =	simm.s32 $0x380  }
.LBB2_1:
0x19: {  	s6 =	rddreg [dreg:$0x5]  }
0x1a: {  	[spmem:s9], [sflag:s11] =	dma.local [hbm:s6], $0x2800  }
0x1b: {  	_ =	swait.ge [sflag:s13], $0x2800  }
0x1c: {  	[sflag:s13] =	ssyncset.done $0x0  }
0x1d: {  	[sflag:s13] =	ssyncadd.s32 $0xFFFFD800  }
0x1e: {  	[bflag:$0x0] =	sbarrier.arrive $0xFFFF  }
0x1f: {  	s12 =	smov.u32 s11;
	s11 =	rddreg [dreg:$0x9]  }
0x20: {  	[tilespmem:s3], [sflag:$0x5] =	stream.linear.gather [hbm4b:s11+s3], $0x400, $0x38;
	[tilespmem:$0x1C800] =	vst v63  }
0x21: {  	_ =	swait.ge [sflag:s13], $0x400  }
0x22: {  	[sflag:s13] =	ssyncset.done $0x0  }
0x23: {  	s10 =	rddreg [dreg:$0x8];
	[sflag:s13] =	ssyncadd.s32 $0xFFFFFC00  }
0x24: {  	[tilespmem:s14], [sflag:$0x5] =	stream.linear.gather [hbm4b:s10+s3], $0x400, $0x38;
	[tilespmem:$0x1C800] =	vst v63  }
0x25: {  	_ =	swait.ge [sflag:s13], $0x400  }
0x26: {  	[sflag:s13] =	ssyncset.done $0x0  }
0x27: {  	[sflag:s13] =	ssyncadd.s32 $0xFFFFFC00  }
0x28: {  	[tilespmem:s16], [sflag:$0x1] =	stream.indirect.gather [hbm4b:s4+s15], $0x80, s3, s15, $0xb8;
	[tilespmem:$0x1C800] =	vst v63  }
0x29: {  	_ = 	snop  }
0x2a: {  	[tilespmem:s17], [sflag:$0x2] =	stream.indirect.gather [hbm4b:s4+s15], $0x80, s15, s15, $0xb8;
	[tilespmem:$0x1C800] =	vst v63  }
0x2b: {  	_ =	swait.ge [sflag:s18], $0x4000  }
0x2c: {  	[sflag:s18] =	ssyncset.done $0x0  }
0x2d: {  	[sflag:s18] =	ssyncadd.s32 $0xFFFFC000  }
0x2e: {  	[spmem:s2] =	stream.indirect.scatter.add.f32 [tilespmem:s16], [sflag:$0x3], $0x80, s14, s15, $0xb8;
	[tilespmem:$0x1C800] =	vst v63  }
0x2f: {  	_ =	swait.ge [sflag:s19], $0x4000  }
0x30: {  	[sflag:s19] =	ssyncset.done $0x0  }
0x31: {  	s6 =	rddreg [dreg:$0x4];
	[sflag:s19] =	ssyncadd.s32 $0xFFFFC000  }
0x32: {  	[spmem:s2] =	stream.indirect.scatter.add.f32 [tilespmem:s17], [sflag:$0x4], $0x80, s6, s15, $0xb8;
	[tilespmem:$0x1C800] =	vst v63  }
0x33: {  	_ =	swait.ge [sflag:s20], $0x4000  }
0x34: {  	[sflag:s20] =	ssyncset.done $0x0  }
0x35: {  	[sflag:s20] =	ssyncadd.s32 $0xFFFFC000  }
0x36: {  	[tilespmem:s16], [sflag:$0x1] =	stream.indirect.gather [hbm4b:s4+s15], $0x80, s21, s15, $0xb8;
	[tilespmem:$0x1C800] =	vst v63  }
0x37: {  	_ =	swait.ge [sflag:s22], $0x4000  }
0x38: {  	[sflag:s22] =	ssyncset.done $0x0  }
0x39: {  	[sflag:s22] =	ssyncadd.s32 $0xFFFFC000  }
0x3a: {  	[tilespmem:s17], [sflag:$0x2] =	stream.indirect.gather [hbm4b:s4+s15], $0x80, s23, s15, $0xb8;
	[tilespmem:$0x1C800] =	vst v63  }
0x3b: {  	_ =	swait.ge [sflag:s18], $0x4000  }
0x3c: {  	[sflag:s18] =	ssyncset.done $0x0  }
0x3d: {  	[sflag:s18] =	ssyncadd.s32 $0xFFFFC000  }
0x3e: {  	[spmem:s2] =	stream.indirect.scatter.add.f32 [tilespmem:s16], [sflag:$0x3], $0x80, s24, s15, $0xb8;
	[tilespmem:$0x1C800] =	vst v63  }
0x3f: {  	_ =	swait.ge [sflag:s19], $0x4000  }
0x40: {  	[sflag:s19] =	ssyncset.done $0x0  }
0x41: {  	[sflag:s19] =	ssyncadd.s32 $0xFFFFC000  }
0x42: {  	[spmem:s2] =	stream.indirect.scatter.add.f32 [tilespmem:s17], [sflag:$0x4], $0x80, s25, s15, $0xb8;
	[tilespmem:$0x1C800] =	vst v63  }
0x43: {  	_ =	swait.ge [sflag:s20], $0x4000  }
0x44: {  	[sflag:s20] =	ssyncset.done $0x0  }
0x45: {  	[sflag:s20] =	ssyncadd.s32 $0xFFFFC000  }
0x46: {  	[tilespmem:s16], [sflag:$0x1] =	stream.indirect.gather [hbm4b:s4+s15], $0x80, s26, s15, $0xb8;
	[tilespmem:$0x1C800] =	vst v63  }
0x47: {  	_ =	swait.ge [sflag:s22], $0x4000  }
0x48: {  	[sflag:s22] =	ssyncset.done $0x0  }
0x49: {  	[sflag:s22] =	ssyncadd.s32 $0xFFFFC000  }
0x4a: {  	[tilespmem:s17], [sflag:$0x2] =	stream.indirect.gather [hbm4b:s4+s15], $0x80, s28, s15, $0xb8;
	[tilespmem:$0x1C800] =	vst v63  }
0x4b: {  	_ =	swait.ge [sflag:s18], $0x4000  }
0x4c: {  	[sflag:s18] =	ssyncset.done $0x0  }
0x4d: {  	[sflag:s18] =	ssyncadd.s32 $0xFFFFC000  }
0x4e: {  	[spmem:s2] =	stream.indirect.scatter.add.f32 [tilespmem:s16], [sflag:$0x3], $0x80, s29, s15, $0xb8;
	[tilespmem:$0x1C800] =	vst v63  }
0x4f: {  	_ =	swait.ge [sflag:s19], $0x4000  }
0x50: {  	[sflag:s19] =	ssyncset.done $0x0  }
0x51: {  	[sflag:s19] =	ssyncadd.s32 $0xFFFFC000  }
0x52: {  	[spmem:s2] =	stream.indirect.scatter.add.f32 [tilespmem:s17], [sflag:$0x4], $0x80, s30, s15, $0xb8;
	[tilespmem:$0x1C800] =	vst v63  }
0x53: {  	_ =	swait.ge [sflag:s20], $0x4000  }
0x54: {  	[sflag:s20] =	ssyncset.done $0x0  }
0x55: {  	[sflag:s20] =	ssyncadd.s32 $0xFFFFC000  }
0x56: {  	[tilespmem:s16], [sflag:$0x1] =	stream.indirect.gather [hbm4b:s4+s15], $0x80, s31, s15, $0xb8;
	[tilespmem:$0x1C800] =	vst v63  }
0x57: {  	_ =	swait.ge [sflag:s22], $0x4000  }
0x58: {  	[sflag:s22] =	ssyncset.done $0x0  }
0x59: {  	[sflag:s22] =	ssyncadd.s32 $0xFFFFC000  }
0x5a: {  	[tilespmem:s17], [sflag:$0x2] =	stream.indirect.gather [hbm4b:s4+s15], $0x80, s0, s15, $0xb8;
	[tilespmem:$0x1C800] =	vst v63  }
0x5b: {  	_ =	swait.ge [sflag:s18], $0x4000  }
0x5c: {  	[sflag:s18] =	ssyncset.done $0x0  }
0x5d: {  	[sflag:s18] =	ssyncadd.s32 $0xFFFFC000  }
0x5e: {  	[spmem:s2] =	stream.indirect.scatter.add.f32 [tilespmem:s16], [sflag:$0x3], $0x80, s1, s15, $0xb8;
	[tilespmem:$0x1C800] =	vst v63  }
0x5f: {  	_ =	swait.ge [sflag:s19], $0x4000  }
0x60: {  	[sflag:s19] =	ssyncset.done $0x0  }
0x61: {  	[sflag:s19] =	ssyncadd.s32 $0xFFFFC000  }
0x62: {  	[spmem:s2] =	stream.indirect.scatter.add.f32 [tilespmem:s17], [sflag:$0x4], $0x80, s5, s15, $0xb8;
	[tilespmem:$0x1C800] =	vst v63  }
0x63: {  	_ =	swait.ge [sflag:s20], $0x4000  }
0x64: {  	s7 =	smov.u32 s9;
	s9 =	rddreg [dreg:$0xa]  }
0x65: {  	p0 =	sne.s32 s9, $0x1  }
.Ltmp0:
0x66: {  	_ = 	snop;
	(pc) =	sbr.rel @!p0 .LBB2_3-.Ltmp0, $4  }
0x67: {  	[sflag:s20] =	ssyncset.done $0x0  }
0x68: {  	[sflag:s20] =	ssyncadd.s32 $0xFFFFC000  }
0x69: {  	_ =	swait.ge [sflag:s22], $0x4000  }
0x6a: {  	s9 =	sadd.s32 $0xFFFFFFFF, s9;
	[sflag:s22] =	ssyncset.done $0x0  }
.LBB2_2:
0x6b: {  	[sflag:s22] =	ssyncadd.s32 $0xFFFFC000;
	s11 =	sadd.s32 $0x80, s11  }
0x6c: {  	[tilespmem:s3], [sflag:$0x5] =	stream.linear.gather [hbm4b:s11+s3], $0x400, $0x38;
	[tilespmem:$0x1C800] =	vst v63  }
0x6d: {  	_ =	swait.ge [sflag:s13], $0x400  }
0x6e: {  	[sflag:s13] =	ssyncset.done $0x0  }
0x6f: {  	s10 =	sadd.s32 $0x80, s10;
	[sflag:s13] =	ssyncadd.s32 $0xFFFFFC00  }
0x70: {  	[tilespmem:s14], [sflag:$0x5] =	stream.linear.gather [hbm4b:s10+s3], $0x400, $0x38;
	[tilespmem:$0x1C800] =	vst v63  }
0x71: {  	_ =	swait.ge [sflag:s13], $0x400  }
0x72: {  	[sflag:s13] =	ssyncset.done $0x0  }
0x73: {  	[sflag:s13] =	ssyncadd.s32 $0xFFFFFC00  }
0x74: {  	[tilespmem:s16], [sflag:$0x1] =	stream.indirect.gather [hbm4b:s4+s15], $0x80, s3, s15, $0xb8;
	[tilespmem:$0x1C800] =	vst v63  }
0x75: {  	_ = 	snop  }
0x76: {  	[tilespmem:s17], [sflag:$0x2] =	stream.indirect.gather [hbm4b:s4+s15], $0x80, s15, s15, $0xb8;
	[tilespmem:$0x1C800] =	vst v63  }
0x77: {  	_ =	swait.ge [sflag:s18], $0x4000  }
0x78: {  	[sflag:s18] =	ssyncset.done $0x0  }
0x79: {  	[sflag:s18] =	ssyncadd.s32 $0xFFFFC000  }
0x7a: {  	[spmem:s2] =	stream.indirect.scatter.add.f32 [tilespmem:s16], [sflag:$0x3], $0x80, s14, s15, $0xb8;
	[tilespmem:$0x1C800] =	vst v63  }
0x7b: {  	_ =	swait.ge [sflag:s19], $0x4000  }
0x7c: {  	[sflag:s19] =	ssyncset.done $0x0  }
0x7d: {  	s6 =	rddreg [dreg:$0x4];
	[sflag:s19] =	ssyncadd.s32 $0xFFFFC000  }
0x7e: {  	[spmem:s2] =	stream.indirect.scatter.add.f32 [tilespmem:s17], [sflag:$0x4], $0x80, s6, s15, $0xb8;
	[tilespmem:$0x1C800] =	vst v63  }
0x7f: {  	_ =	swait.ge [sflag:s20], $0x4000  }
0x80: {  	[sflag:s20] =	ssyncset.done $0x0  }
0x81: {  	[sflag:s20] =	ssyncadd.s32 $0xFFFFC000  }
0x82: {  	[tilespmem:s16], [sflag:$0x1] =	stream.indirect.gather [hbm4b:s4+s15], $0x80, s21, s15, $0xb8;
	[tilespmem:$0x1C800] =	vst v63  }
0x83: {  	_ =	swait.ge [sflag:s22], $0x4000  }
0x84: {  	[sflag:s22] =	ssyncset.done $0x0  }
0x85: {  	[sflag:s22] =	ssyncadd.s32 $0xFFFFC000  }
0x86: {  	[tilespmem:s17], [sflag:$0x2] =	stream.indirect.gather [hbm4b:s4+s15], $0x80, s23, s15, $0xb8;
	[tilespmem:$0x1C800] =	vst v63  }
0x87: {  	_ =	swait.ge [sflag:s18], $0x4000  }
0x88: {  	[sflag:s18] =	ssyncset.done $0x0  }
0x89: {  	[sflag:s18] =	ssyncadd.s32 $0xFFFFC000  }
0x8a: {  	[spmem:s2] =	stream.indirect.scatter.add.f32 [tilespmem:s16], [sflag:$0x3], $0x80, s24, s15, $0xb8;
	[tilespmem:$0x1C800] =	vst v63  }
0x8b: {  	_ =	swait.ge [sflag:s19], $0x4000  }
0x8c: {  	[sflag:s19] =	ssyncset.done $0x0  }
0x8d: {  	[sflag:s19] =	ssyncadd.s32 $0xFFFFC000  }
0x8e: {  	[spmem:s2] =	stream.indirect.scatter.add.f32 [tilespmem:s17], [sflag:$0x4], $0x80, s25, s15, $0xb8;
	[tilespmem:$0x1C800] =	vst v63  }
0x8f: {  	_ =	swait.ge [sflag:s20], $0x4000  }
0x90: {  	[sflag:s20] =	ssyncset.done $0x0  }
0x91: {  	[sflag:s20] =	ssyncadd.s32 $0xFFFFC000  }
0x92: {  	[tilespmem:s16], [sflag:$0x1] =	stream.indirect.gather [hbm4b:s4+s15], $0x80, s26, s15, $0xb8;
	[tilespmem:$0x1C800] =	vst v63  }
0x93: {  	_ =	swait.ge [sflag:s22], $0x4000  }
0x94: {  	[sflag:s22] =	ssyncset.done $0x0  }
0x95: {  	[sflag:s22] =	ssyncadd.s32 $0xFFFFC000  }
0x96: {  	[tilespmem:s17], [sflag:$0x2] =	stream.indirect.gather [hbm4b:s4+s15], $0x80, s28, s15, $0xb8;
	[tilespmem:$0x1C800] =	vst v63  }
0x97: {  	_ =	swait.ge [sflag:s18], $0x4000  }
0x98: {  	[sflag:s18] =	ssyncset.done $0x0  }
0x99: {  	[sflag:s18] =	ssyncadd.s32 $0xFFFFC000  }
0x9a: {  	[spmem:s2] =	stream.indirect.scatter.add.f32 [tilespmem:s16], [sflag:$0x3], $0x80, s29, s15, $0xb8;
	[tilespmem:$0x1C800] =	vst v63  }
0x9b: {  	_ =	swait.ge [sflag:s19], $0x4000  }
0x9c: {  	[sflag:s19] =	ssyncset.done $0x0  }
0x9d: {  	[sflag:s19] =	ssyncadd.s32 $0xFFFFC000  }
0x9e: {  	[spmem:s2] =	stream.indirect.scatter.add.f32 [tilespmem:s17], [sflag:$0x4], $0x80, s30, s15, $0xb8;
	[tilespmem:$0x1C800] =	vst v63  }
0x9f: {  	_ =	swait.ge [sflag:s20], $0x4000  }
0xa0: {  	[sflag:s20] =	ssyncset.done $0x0  }
0xa1: {  	[sflag:s20] =	ssyncadd.s32 $0xFFFFC000  }
0xa2: {  	[tilespmem:s16], [sflag:$0x1] =	stream.indirect.gather [hbm4b:s4+s15], $0x80, s31, s15, $0xb8;
	[tilespmem:$0x1C800] =	vst v63  }
0xa3: {  	_ =	swait.ge [sflag:s22], $0x4000  }
0xa4: {  	[sflag:s22] =	ssyncset.done $0x0  }
0xa5: {  	[sflag:s22] =	ssyncadd.s32 $0xFFFFC000  }
0xa6: {  	[tilespmem:s17], [sflag:$0x2] =	stream.indirect.gather [hbm4b:s4+s15], $0x80, s0, s15, $0xb8;
	[tilespmem:$0x1C800] =	vst v63  }
0xa7: {  	_ =	swait.ge [sflag:s18], $0x4000  }
0xa8: {  	[sflag:s18] =	ssyncset.done $0x0  }
0xa9: {  	[sflag:s18] =	ssyncadd.s32 $0xFFFFC000  }
0xaa: {  	[spmem:s2] =	stream.indirect.scatter.add.f32 [tilespmem:s16], [sflag:$0x3], $0x80, s1, s15, $0xb8;
	[tilespmem:$0x1C800] =	vst v63  }
0xab: {  	_ =	swait.ge [sflag:s19], $0x4000  }
0xac: {  	[sflag:s19] =	ssyncset.done $0x0  }
0xad: {  	p0 =	sne.s32 s9, $0x1;
	[sflag:s19] =	ssyncadd.s32 $0xFFFFC000  }
0xae: {  	[spmem:s2] =	stream.indirect.scatter.add.f32 [tilespmem:s17], [sflag:$0x4], $0x80, s5, s15, $0xb8;
	[tilespmem:$0x1C800] =	vst v63  }
.Ltmp1:
0xaf: {  	_ =	swait.ge [sflag:s20], $0x4000;
	(pc) =	sbr.rel @p0 .LBB2_2-.Ltmp1, $4  }
0xb0: {  	[sflag:s20] =	ssyncset.done $0x0  }
0xb1: {  	[sflag:s20] =	ssyncadd.s32 $0xFFFFC000  }
0xb2: {  	_ =	swait.ge [sflag:s22], $0x4000  }
0xb3: {  	s9 =	sadd.s32 $0xFFFFFFFF, s9;
	[sflag:s22] =	ssyncset.done $0x0  }
.LBB2_3:
0xb4: {  	[sflag:s22] =	ssyncadd.s32 $0xFFFFC000  }
0xb5: {  	[bflag:$0x0] =	sbarrier.arrive $0xFFFF  }
0xb6: {  	s6 =	rddreg [dreg:$0x6]  }
0xb7: {  	[hbm:s6], [sflag:s12] =	dma.local [spmem:s7], $0x2800  }
0xb8: {  	_ =	swait.ge [sflag:s13], $0x2800  }
0xb9: {  	s11 =	smov.u32 s12;
	s8 =	sadd.s32 $0x1, s8;
	s12 =	rddreg [dreg:$0x7]  }
0xba: {  	p0 =	sne.s32 s8, s12  }
.Ltmp2:
0xbb: {  	_ = 	snop;
	(pc) =	sbr.rel @p0 .LBB2_1-.Ltmp2, $3  }
0xbc: {  	_ =	sdelay $0x1  }
0xbd: {  	[sflag:s13] =	ssyncset.done $0x0  }
0xbe: {  	s9 =	smov.u32 s7;
	[sflag:s13] =	ssyncadd.s32 $0xFFFFD800  }
0xbf: {  	_ =	sfence.sel $0x180000  }
0xc0: {  	[bflag:$0x0] =	sbarrier.arrive $0xFFFF  }
0xc1: {  	_ =	strace $0x9000004A  }
0xc2: {  	s0 =	stileid.u32;
	[bflag:$0x2] =	sbarrier.arrive $0xFFFF  }
0xc3: {  	p0 =	sne.s32 s0, $0x0;
	s0 =	rddreg [dreg:$0x3]  }
0xc4: {  	s0 =	sadd.s32 @!p0 $0x100000, s0  }
0xc5: {  	[sflag:s0] =	ssyncadd.tile.s32 @!p0 $0x1;
	_ =	shalt  }
.Lfunc_end2:
_tile_overlayer_lowered:
.L_overlay_start_2:
0xc6: {  	(tag) =	ssettag $0x2  }
0xc7: {  	s0 =	rddreg [dreg:$0x0];
	s2 =	stileid.u32  }
0xc8: {  	s1 =	rddreg [dreg:$0x1];
	p0 =	sne.s32 s2, $0x0  }
0xc9: {  	s3 =	rddreg [dreg:$0x2];
	[bflag:$0x3] =	sbarrier.arrive $0xFFFF;
	s2 =	simm.s32 @!p0 $0x1C05  }
0xca: {  	[timem:s3], [sflag:s2] =	dma.local @!p0 [hbm:s0], s1  }
0xcb: {  	s0 =	simm.s32 @!p0 $0x5  }
0xcc: {  	_ =	swait.ge @!p0 [sflag:s0], s1  }
0xcd: {  	s1 =	ssub.s32 @!p0 $0x0, s1;
	[sflag:s0] =	ssyncset.done @!p0 $0x0  }
0xce: {  	[sflag:s0] =	ssyncadd.s32 @!p0 s1  }
0xcf: {  	[bflag:$0x3] =	sbarrier.arrive $0xFFFF  }
0xd0: {  	_ =	shalt  }

// kernel: kernel.16.cloned.1.call-start
scs
__scs_entry_jumppad:
0x0: {  	(pc) =	sbr.rel $0x88, $3  }
0x1: {  	(tag) =	ssettag $0x0;
	lr =	simm.s32 $0x1  }
0x2: {  	[smem:$0x3F95] =	sst lr;
	_ =	strace $0xD0000000  }
0x3: {  	_ = 	snop  }
0x4: {  	_ = 	snop  }
0x5: {  	_ = 	snop  }
0x6: {  	_ = 	snop  }
0x7: {  	_ = 	snop  }
__scs_overlays_trampoline_lowered:
0x8: {  	[smem:$0x3FA4] =	sst s0  }
0x9: {  	[smem:$0x3FA5] =	sst s1  }
0xa: {  	[smem:$0x3FA6] =	sst s2  }
0xb: {  	[smem:$0x3FA7] =	sst s3  }
0xc: {  	[smem:$0x3FA8] =	sst s4  }
0xd: {  	[smem:$0x3FA9] =	sst s5  }
0xe: {  	[smem:$0x3FAA] =	sst s6  }
0xf: {  	[smem:$0x3FAB] =	sst s7  }
0x10: {  	[smem:$0x3FAC] =	sst s8  }
0x11: {  	[smem:$0x3FAD] =	sst s9;
	s0 =	simm.s32 @!p0 $0x0  }
0x12: {  	s1 =	sld [smem:$0x3F93];
	s0 =	simm.s32 @p0 $0x1  }
0x13: {  	[smem:$0x3FAE] =	sst s0;
	s0 =	simm.s32 @!p1 $0x0  }
0x14: {  	s2 =	sld [smem:$0x3F92];
	s0 =	simm.s32 @p1 $0x1  }
0x15: {  	[smem:$0x3FAF] =	sst s0;
	s0 =	simm.s32 @!p2 $0x0  }
0x16: {  	s3 =	sld [smem:$0x3FDB];
	s0 =	simm.s32 @p2 $0x1  }
0x17: {  	s4 =	simm.s32 $0x1BF5;
	[smem:$0x3FB1] =	sst s0  }
0x18: {  	s0 =	sld [smem:$0x3F94];
	_ =	swait.ge [sflag:s4], $0x0  }
0x19: {  	s7 =	sld [smem:$0x3F95]  }
0x1a: {  	s8 =	sadd.s32 $0xFFFFE003, lr  }
0x1b: {  	s9 =	sadd.s32 $0xFFFFFEF7, lr;
	s5 =	simm.s32 $0xFFFFFFFF;
	p2 =	slt.u32 s8, $0xFFFFF086  }
0x1c: {  	p1 =	slt.u32 s9, $0xF7A;
	s5 =	simm.s32 @!p2 $0x0  }
0x1d: {  	s5 =	simm.s32 @p1 $0x1;
	p0 =	seq.s32 s7, s2  }
0x1e: {  	s7 =	smul.u32 @!p0 $0xF7A, s2;
	p2 =	seq.s32 @!p0 s5, $0x0  }
0x1f: {  	s9 =	smul.u32 $0xF7A, s1;
	s8 =	simm.s32 @!p0 $0x1BF5;
	p2 =	por !p2, p0  }
0x20: {  	[sflag:s8] =	ssyncset.s32 @!p0 $0xFFFFF086;
	s6 =	sadd.s32 @!p0 s3, s7;
	s7 =	simm.s32 @!p0 $0x108  }
0x21: {  	s3 =	sadd.s32 s3, s9;
	s6 =	sadd.s32 @!p0 $0x88, s6;
	s7 =	simm.s32 @p2 $0x1082  }
0x22: {  	[simem:s7], [sflag:s8] =	dma.local @!p0 [hbm:s6], $0xF7A  }
0x23: {  	s9 =	sor.u32 $0xD0000000, s2;
	s6 =	simm.s32 $0x108;
	_ =	swait.ge @!p0 [sflag:s8], $0x0  }
0x24: {  	s3 =	sadd.s32 $0x88, s3;
	s6 =	simm.s32 @!p1 $0x1082;
	[sflag:s4] =	ssyncset.s32 $0xFFFFF086  }
0x25: {  	[simem:s6], [sflag:s4] =	dma.local [hbm:s3], $0xF7A  }
0x26: {  	[smem:$0x3F95] =	sst s1;
	(tag) =	ssettag s2;
	_ =	strace s9  }
0x27: {  	s1 =	sld [smem:$0x3FA5]  }
0x28: {  	s2 =	sld [smem:$0x3FA6]  }
0x29: {  	s4 =	sld [smem:$0x3FA8]  }
0x2a: {  	p0 =	seq.s32 s5, $0x0;
	s5 =	sld [smem:$0x3FA9]  }
0x2b: {  	s6 =	sld [smem:$0x3FAA]  }
0x2c: {  	s7 =	sld [smem:$0x3FAB]  }
0x2d: {  	s3 =	simm.s32 $0x108;
	s8 =	sld [smem:$0x3FAC]  }
0x2e: {  	s3 =	simm.s32 @!p0 $0x1082;
	s9 =	sld [smem:$0x3FAD]  }
0x2f: {  	lr =	sadd.s32 s0, s3;
	s0 =	sld [smem:$0x3FA4]  }
0x30: {  	s3 =	sld [smem:$0x3FA7]  }
0x31: {  	[smem:$0x3FB0] =	sst s10  }
0x32: {  	s10 =	sld [smem:$0x3FAE];
	_ =	sdelay $0x3  }
0x33: {  	p0 =	seq.s32 s10, $0x1;
	s10 =	sld [smem:$0x3FB0];
	_ =	sdelay $0x3  }
0x34: {  	[smem:$0x3FB0] =	sst s10  }
0x35: {  	s10 =	sld [smem:$0x3FAF];
	_ =	sdelay $0x3  }
0x36: {  	p1 =	seq.s32 s10, $0x1;
	s10 =	sld [smem:$0x3FB0];
	_ =	sdelay $0x3  }
0x37: {  	[smem:$0x3FB0] =	sst s10  }
0x38: {  	s10 =	sld [smem:$0x3FB1]  }
0x39: {  	_ = 	snop;
	(pc) =	sbr.ind lr, $3  }
0x3a: {  	_ = 	snop  }
0x3b: {  	_ = 	snop  }
0x3c: {  	p2 =	seq.s32 s10, $0x1;
	s10 =	sld [smem:$0x3FB0]  }
0x3d: {  	_ =	shalt  }
0x3e: {  	_ =	shalt  }
0x3f: {  	_ =	shalt  }
0x40: {  	_ =	shalt  }
0x41: {  	_ =	shalt  }
0x42: {  	_ =	shalt  }
0x43: {  	_ =	shalt  }
0x44: {  	_ =	shalt  }
0x45: {  	_ =	shalt  }
0x46: {  	_ =	shalt  }
0x47: {  	_ =	shalt  }
0x48: {  	_ =	shalt  }
0x49: {  	_ =	shalt  }
0x4a: {  	_ =	shalt  }
0x4b: {  	_ =	shalt  }
0x4c: {  	_ =	shalt  }
0x4d: {  	_ =	shalt  }
0x4e: {  	_ =	shalt  }
0x4f: {  	_ =	shalt  }
0x50: {  	_ =	shalt  }
0x51: {  	_ =	shalt  }
0x52: {  	_ =	shalt  }
0x53: {  	_ =	shalt  }
0x54: {  	_ =	shalt  }
0x55: {  	_ =	shalt  }
0x56: {  	_ =	shalt  }
0x57: {  	_ =	shalt  }
0x58: {  	_ =	shalt  }
0x59: {  	_ =	shalt  }
0x5a: {  	_ =	shalt  }
0x5b: {  	_ =	shalt  }
0x5c: {  	_ =	shalt  }
0x5d: {  	_ =	shalt  }
0x5e: {  	_ =	shalt  }
0x5f: {  	_ =	shalt  }
0x60: {  	_ =	shalt  }
0x61: {  	_ =	shalt  }
0x62: {  	_ =	shalt  }
0x63: {  	_ =	shalt  }
0x64: {  	_ =	shalt  }
0x65: {  	_ =	shalt  }
0x66: {  	_ =	shalt  }
0x67: {  	_ =	shalt  }
0x68: {  	_ =	shalt  }
0x69: {  	_ =	shalt  }
0x6a: {  	_ =	shalt  }
0x6b: {  	_ =	shalt  }
0x6c: {  	_ =	shalt  }
0x6d: {  	_ =	shalt  }
0x6e: {  	_ =	shalt  }
0x6f: {  	_ =	shalt  }
0x70: {  	_ =	shalt  }
0x71: {  	_ =	shalt  }
0x72: {  	_ =	shalt  }
0x73: {  	_ =	shalt  }
0x74: {  	_ =	shalt  }
0x75: {  	_ =	shalt  }
0x76: {  	_ =	shalt  }
0x77: {  	_ =	shalt  }
0x78: {  	_ =	shalt  }
0x79: {  	_ =	shalt  }
0x7a: {  	_ =	shalt  }
0x7b: {  	_ =	shalt  }
0x7c: {  	_ =	shalt  }
0x7d: {  	_ =	shalt  }
0x7e: {  	_ =	shalt  }
0x7f: {  	_ =	shalt  }
0x80: {  	_ =	shalt  }
0x81: {  	_ =	shalt  }
0x82: {  	_ =	shalt  }
0x83: {  	_ =	shalt  }
0x84: {  	_ =	shalt  }
0x85: {  	_ =	shalt  }
0x86: {  	_ =	shalt  }
0x87: {  	_ =	shalt  }
.Lfunc_end0:
.L_simem_size_0:
called_computation.2_lowered:
.L_overlay_start_0:
0x88: {  	s2 =	sld [smem:$0x3FD9]  }
0x89: {  	s3 =	sld [smem:$0x3FFE];
	_ =	sdelay $0x1  }
0x8a: {  	s1 =	srdreg.scid  }
0x8b: {  	s0 =	sand.u32 $0x1, s1  }
0x8c: {  	s17 =	sshll.u32 s0, $0xA;
	s2 =	sadd.s32 s3, s2  }
0x8d: {  	s2 =	sadd.s32 s2, s17  }
0x8e: {  	[smem:$0x3FBC] =	sst s2  }
0x8f: {  	_ = 	snop  }
0x90: {  	s2 =	sld [smem:$0x3FD0];
	(tm) =	ssettm $0x1  }
0x91: {  	s18 =	sld [smem:$0x3FFB];
	_ =	sdelay $0x3  }
0x92: {  	_ =	strace s18  }
0x93: {  	s3 =	sld [smem:$0x3FFC];
	_ =	sdelay $0x3  }
0x94: {  	_ =	strace s3  }
0x95: {  	s3 =	sld [smem:$0x3FFD];
	_ =	sdelay $0x3  }
0x96: {  	_ =	strace s3  }
0x97: {  	_ =	strace $0x8FFFFFFF  }
0x98: {  	s19 =	sld [smem:$0x3FDB];
	_ =	sdelay $0x1  }
0x99: {  	s4 =	simm.s32 $_scs_section_size  }
0x9a: {  	s5 =	simm.s32 $_size__tile_overlayer_lowered;
	s6 =	simm.s32 $_tile_overlayer_lowered  }
0x9b: {  	s22 =	simm.s32 $0x1BFF;
	s21 =	sshll.u32 s6, $0x1;
	s3 =	sadd.s32 s4, s19  }
0x9c: {  	s7 =	simm.s32 $0x0;
	s20 =	sshll.u32 s5, $0x1;
	s5 =	sadd.s32 s21, s3  }
0x9d: {  	[timem:s7], [sflag:s22] =	dma.local [hbm:s5], s20  }
0x9e: {  	_ =	swait.ge [sflag:s22], s20  }
0x9f: {  	s4 =	ssub.s32 $0x0, s20;
	[sflag:s22] =	ssyncset.done $0x0  }
0xa0: {  	[sflag:s22] =	ssyncadd.s32 s4;
	_ =	sdelay $0x1  }
0xa1: {  	s23 =	simm.s32 $0x1B8B  }
0xa2: {  	_ =	swait.ge [sflag:s23], $0x1  }
0xa3: {  	[sflag:s23] =	ssyncset.done $0x0  }
0xa4: {  	s25 =	simm.s32 $0x1B8E;
	s24 =	sld [smem:$0x3FFE];
	[sflag:s23] =	ssyncadd.s32 $0xFFFFFFFF  }
0xa5: {  	s26 =	simm.s32 $execute0_lowered;
	[smem:$0x3FD2] =	sst s25  }
0xa6: {  	s5 =	sshll.u32 s26, $0x1;
	_ =	strace $0x8000004C;
	[dreg:$0x1] =	wrdreg $0xFFFFFFFF  }
0xa7: {  	s28 =	simm.s32 $_size_execute0_lowered;
	s3 =	sadd.s32 s3, s5;
	[dreg:$0x0] =	wrdreg $0x0  }
0xa8: {  	s5 =	sshll.u32 s28, $0x1;
	[dreg:$0x2] =	wrdreg s3  }
0xa9: {  	[dreg:$0x3] =	wrdreg s5  }
0xaa: {  	[dreg:$0x4] =	wrdreg $0xC0  }
0xab: {  	_ =	task [dreg:s7], $0x5FFFF  }
0xac: {  	[dreg:$0x1] =	wrdreg $0xFFFFFFFF  }
0xad: {  	[dreg:$0x0] =	wrdreg $0x60  }
0xae: {  	[dreg:$0x2] =	wrdreg s24  }
0xaf: {  	[dreg:$0x3] =	wrdreg s2  }
0xb0: {  	[dreg:$0x4] =	wrdreg $0x88000  }
0xb1: {  	[dreg:$0x5] =	wrdreg $0x9  }
0xb2: {  	_ =	task.clear_ibuf [dreg:s7], $0x6FFFF;
	_ =	strace $0x9000004C  }
0xb3: {  	s29 =	simm.s32 $0x9;
	_ =	strace $0x8000004E  }
0xb4: {  	_ =	swait.ge [sflag:s29], $0x1  }
0xb5: {  	[sflag:s29] =	ssyncadd.s32 $0xFFFFFFFF  }
0xb6: {  	_ =	strace $0x9000004E  }
0xb7: {  	_ =	sfence  }
0xb8: {  	s30 =	sld [smem:$0x0];
	_ =	sdelay $0x2  }
0xb9: {  	s31 =	sshll.u32 s1, $0xD;
	s1 =	sshrl.u32 s1, $0x2  }
0xba: {  	s3 =	sand.u32 $0x4000, s31;
	s1 =	sadd.s32 s1, s30  }
0xbb: {  	s0 =	sor.u32 s3, s0;
	s1 =	sshll.u32 s1, $0x11  }
0xbc: {  	s0 =	sor.u32 s1, s0  }
0xbd: {  	s0 =	sadd.s32 $0x8F2B, s0  }
0xbe: {  	[sflag:s0] =	ssyncadd.remote.s32 $0x1  }
0xbf: {  	_ =	sfence.sel $0xFFFF  }
0xc0: {  	[dreg:$0x0] =	wrdreg $0xFFFFFFFF;
	(pc) =	sbr.abs _section_cstart, $3  }
0xc1: {  	[dreg:$0x1] =	wrdreg $0xFFFFFFFF  }
0xc2: {  	_ =	task.clear_ibuf [dreg:s7], $0x2FFFF;
	_ =	strace $0x9FFFFFFF  }
0xc3: {  	(tm) =	ssettm $0x7FFFFFFF  }
tec
execute0_lowered:
.L_overlay_start_1:
0x0: {  	(tag) =	ssettag $0x1  }
0x1: {  	s0 =	rddreg [dreg:$0x0]  }
0x2: {  	s1 =	rddreg [dreg:$0x1]  }
0x3: {  	s2 =	rddreg [dreg:$0x2]  }
0x4: {  	s11 =	stileid.u32;
	s3 =	simm.s32 $0x0;
	s4 =	srdreg.scid  }
0x5: {  	s13 =	simm.s32 $0x5;
	s14 =	simm.s32 $0x400;
	s15 =	simm.s32 $0x80  }
0x6: {  	s16 =	simm.s32 $0x800;
	s17 =	simm.s32 $0x4800;
	s26 =	simm.s32 $0x480  }
0x7: {  	s18 =	simm.s32 $0x1;
	s19 =	simm.s32 $0x2;
	s28 =	simm.s32 $0x280  }
0x8: {  	s29 =	simm.s32 $0x600;
	s30 =	simm.s32 $0x680;
	s5 =	smul.u32 $0x18, s11  }
0x9: {  	s31 =	simm.s32 $0x300;
	s6 =	sand.u32 $0x1, s4;
	s4 =	smul.u32 $0x88, s11  }
0xa: {  	[smem:$0x7FF] =	sst s3;
	s7 =	smul.u32 $0x14000, s11;
	s10 =	sadd.s32 $0x4400, s0  }
0xb: {  	s21 =	sshll.u32 s11, $0x6;
	p0 =	seq.s32 s6, $0x0;
	s8 =	smul.u32 $0x140000, s6  }
0xc: {  	_ =	strace $0x8000004D;
	s6 =	ssub.s32 $0x2, s6;
	[dreg:$0x5] =	wrdreg s10  }
0xd: {  	s11 =	sor.u32 $0x1C05, s21;
	[dreg:$0x4] =	wrdreg s26;
	s21 =	simm.s32 $0x100  }
0xe: {  	s26 =	simm.s32 $0x200;
	s5 =	sadd.s32 $0x880, s5;
	s20 =	sshrl.u32 s6, $0x1  }
0xf: {  	s22 =	sadd.s32 s7, s2;
	s5 =	smov.u32 @p0 s4;
	s4 =	sadd.s32 $0x68C00, s0  }
0x10: {  	s8 =	sadd.s32 s7, s8;
	s6 =	ssub.s32 s6, s20;
	s7 =	simm.s32 $0x11  }
0x11: {  	s20 =	simm.s32 $0x3;
	s5 =	sshll.u32 s5, $0x4;
	s7 =	simm.s32 @!p0 $0x3  }
0x12: {  	s8 =	sshrl.u32 s8, $0x3;
	s23 =	smax.u32 s6, $0x1;
	[dreg:$0xa] =	wrdreg s7  }
0x13: {  	s9 =	sadd.s32 s5, s0;
	s0 =	sadd.s32 s8, s0;
	[dreg:$0x7] =	wrdreg s23  }
0x14: {  	s24 =	sadd.s32 s5, s1;
	s23 =	simm.s32 $0x180;
	s1 =	simm.s32 $0x700  }
0x15: {  	s5 =	simm.s32 $0x780;
	s8 =	simm.s32 $0x0;
	s0 =	sadd.s32 $0x90C00, s0  }
0x16: {  	[dreg:$0x8] =	wrdreg s24;
	s25 =	sadd.s32 $0xEC00, s9;
	s9 =	sshrl.u32 s22, $0x3  }
0x17: {  	s22 =	simm.s32 $0x4;
	s24 =	simm.s32 $0x500;
	[dreg:$0x6] =	wrdreg s0  }
0x18: {  	[dreg:$0x9] =	wrdreg s25;
	s25 =	simm.s32 $0x580;
	s0 =	simm.s32 $0x380  }
.LBB2_1:
0x19: {  	s6 =	rddreg [dreg:$0x5]  }
0x1a: {  	[spmem:s9], [sflag:s11] =	dma.local [hbm:s6], $0x2800  }
0x1b: {  	_ =	swait.ge [sflag:s13], $0x2800  }
0x1c: {  	[sflag:s13] =	ssyncset.done $0x0  }
0x1d: {  	[sflag:s13] =	ssyncadd.s32 $0xFFFFD800  }
0x1e: {  	[bflag:$0x0] =	sbarrier.arrive $0xFFFF  }
0x1f: {  	s12 =	smov.u32 s11;
	s11 =	rddreg [dreg:$0x9]  }
0x20: {  	[tilespmem:s3], [sflag:$0x5] =	stream.linear.gather [hbm4b:s11+s3], $0x400, $0x38;
	[tilespmem:$0x1C800] =	vst v63  }
0x21: {  	_ =	swait.ge [sflag:s13], $0x400  }
0x22: {  	[sflag:s13] =	ssyncset.done $0x0  }
0x23: {  	s10 =	rddreg [dreg:$0x8];
	[sflag:s13] =	ssyncadd.s32 $0xFFFFFC00  }
0x24: {  	[tilespmem:s14], [sflag:$0x5] =	stream.linear.gather [hbm4b:s10+s3], $0x400, $0x38;
	[tilespmem:$0x1C800] =	vst v63  }
0x25: {  	_ =	swait.ge [sflag:s13], $0x400  }
0x26: {  	[sflag:s13] =	ssyncset.done $0x0  }
0x27: {  	[sflag:s13] =	ssyncadd.s32 $0xFFFFFC00  }
0x28: {  	[tilespmem:s16], [sflag:$0x1] =	stream.indirect.gather [hbm4b:s4+s15], $0x80, s3, s15, $0xb8;
	[tilespmem:$0x1C800] =	vst v63  }
0x29: {  	_ = 	snop  }
0x2a: {  	[tilespmem:s17], [sflag:$0x2] =	stream.indirect.gather [hbm4b:s4+s15], $0x80, s15, s15, $0xb8;
	[tilespmem:$0x1C800] =	vst v63  }
0x2b: {  	_ =	swait.ge [sflag:s18], $0x4000  }
0x2c: {  	[sflag:s18] =	ssyncset.done $0x0  }
0x2d: {  	[sflag:s18] =	ssyncadd.s32 $0xFFFFC000  }
0x2e: {  	[spmem:s2] =	stream.indirect.scatter.add.f32 [tilespmem:s16], [sflag:$0x3], $0x80, s14, s15, $0xb8;
	[tilespmem:$0x1C800] =	vst v63  }
0x2f: {  	_ =	swait.ge [sflag:s19], $0x4000  }
0x30: {  	[sflag:s19] =	ssyncset.done $0x0  }
0x31: {  	s6 =	rddreg [dreg:$0x4];
	[sflag:s19] =	ssyncadd.s32 $0xFFFFC000  }
0x32: {  	[spmem:s2] =	stream.indirect.scatter.add.f32 [tilespmem:s17], [sflag:$0x4], $0x80, s6, s15, $0xb8;
	[tilespmem:$0x1C800] =	vst v63  }
0x33: {  	_ =	swait.ge [sflag:s20], $0x4000  }
0x34: {  	[sflag:s20] =	ssyncset.done $0x0  }
0x35: {  	[sflag:s20] =	ssyncadd.s32 $0xFFFFC000  }
0x36: {  	[tilespmem:s16], [sflag:$0x1] =	stream.indirect.gather [hbm4b:s4+s15], $0x80, s21, s15, $0xb8;
	[tilespmem:$0x1C800] =	vst v63  }
0x37: {  	_ =	swait.ge [sflag:s22], $0x4000  }
0x38: {  	[sflag:s22] =	ssyncset.done $0x0  }
0x39: {  	[sflag:s22] =	ssyncadd.s32 $0xFFFFC000  }
0x3a: {  	[tilespmem:s17], [sflag:$0x2] =	stream.indirect.gather [hbm4b:s4+s15], $0x80, s23, s15, $0xb8;
	[tilespmem:$0x1C800] =	vst v63  }
0x3b: {  	_ =	swait.ge [sflag:s18], $0x4000  }
0x3c: {  	[sflag:s18] =	ssyncset.done $0x0  }
0x3d: {  	[sflag:s18] =	ssyncadd.s32 $0xFFFFC000  }
0x3e: {  	[spmem:s2] =	stream.indirect.scatter.add.f32 [tilespmem:s16], [sflag:$0x3], $0x80, s24, s15, $0xb8;
	[tilespmem:$0x1C800] =	vst v63  }
0x3f: {  	_ =	swait.ge [sflag:s19], $0x4000  }
0x40: {  	[sflag:s19] =	ssyncset.done $0x0  }
0x41: {  	[sflag:s19] =	ssyncadd.s32 $0xFFFFC000  }
0x42: {  	[spmem:s2] =	stream.indirect.scatter.add.f32 [tilespmem:s17], [sflag:$0x4], $0x80, s25, s15, $0xb8;
	[tilespmem:$0x1C800] =	vst v63  }
0x43: {  	_ =	swait.ge [sflag:s20], $0x4000  }
0x44: {  	[sflag:s20] =	ssyncset.done $0x0  }
0x45: {  	[sflag:s20] =	ssyncadd.s32 $0xFFFFC000  }
0x46: {  	[tilespmem:s16], [sflag:$0x1] =	stream.indirect.gather [hbm4b:s4+s15], $0x80, s26, s15, $0xb8;
	[tilespmem:$0x1C800] =	vst v63  }
0x47: {  	_ =	swait.ge [sflag:s22], $0x4000  }
0x48: {  	[sflag:s22] =	ssyncset.done $0x0  }
0x49: {  	[sflag:s22] =	ssyncadd.s32 $0xFFFFC000  }
0x4a: {  	[tilespmem:s17], [sflag:$0x2] =	stream.indirect.gather [hbm4b:s4+s15], $0x80, s28, s15, $0xb8;
	[tilespmem:$0x1C800] =	vst v63  }
0x4b: {  	_ =	swait.ge [sflag:s18], $0x4000  }
0x4c: {  	[sflag:s18] =	ssyncset.done $0x0  }
0x4d: {  	[sflag:s18] =	ssyncadd.s32 $0xFFFFC000  }
0x4e: {  	[spmem:s2] =	stream.indirect.scatter.add.f32 [tilespmem:s16], [sflag:$0x3], $0x80, s29, s15, $0xb8;
	[tilespmem:$0x1C800] =	vst v63  }
0x4f: {  	_ =	swait.ge [sflag:s19], $0x4000  }
0x50: {  	[sflag:s19] =	ssyncset.done $0x0  }
0x51: {  	[sflag:s19] =	ssyncadd.s32 $0xFFFFC000  }
0x52: {  	[spmem:s2] =	stream.indirect.scatter.add.f32 [tilespmem:s17], [sflag:$0x4], $0x80, s30, s15, $0xb8;
	[tilespmem:$0x1C800] =	vst v63  }
0x53: {  	_ =	swait.ge [sflag:s20], $0x4000  }
0x54: {  	[sflag:s20] =	ssyncset.done $0x0  }
0x55: {  	[sflag:s20] =	ssyncadd.s32 $0xFFFFC000  }
0x56: {  	[tilespmem:s16], [sflag:$0x1] =	stream.indirect.gather [hbm4b:s4+s15], $0x80, s31, s15, $0xb8;
	[tilespmem:$0x1C800] =	vst v63  }
0x57: {  	_ =	swait.ge [sflag:s22], $0x4000  }
0x58: {  	[sflag:s22] =	ssyncset.done $0x0  }
0x59: {  	[sflag:s22] =	ssyncadd.s32 $0xFFFFC000  }
0x5a: {  	[tilespmem:s17], [sflag:$0x2] =	stream.indirect.gather [hbm4b:s4+s15], $0x80, s0, s15, $0xb8;
	[tilespmem:$0x1C800] =	vst v63  }
0x5b: {  	_ =	swait.ge [sflag:s18], $0x4000  }
0x5c: {  	[sflag:s18] =	ssyncset.done $0x0  }
0x5d: {  	[sflag:s18] =	ssyncadd.s32 $0xFFFFC000  }
0x5e: {  	[spmem:s2] =	stream.indirect.scatter.add.f32 [tilespmem:s16], [sflag:$0x3], $0x80, s1, s15, $0xb8;
	[tilespmem:$0x1C800] =	vst v63  }
0x5f: {  	_ =	swait.ge [sflag:s19], $0x4000  }
0x60: {  	[sflag:s19] =	ssyncset.done $0x0  }
0x61: {  	[sflag:s19] =	ssyncadd.s32 $0xFFFFC000  }
0x62: {  	[spmem:s2] =	stream.indirect.scatter.add.f32 [tilespmem:s17], [sflag:$0x4], $0x80, s5, s15, $0xb8;
	[tilespmem:$0x1C800] =	vst v63  }
0x63: {  	_ =	swait.ge [sflag:s20], $0x4000  }
0x64: {  	s7 =	smov.u32 s9;
	s9 =	rddreg [dreg:$0xa]  }
0x65: {  	p0 =	sne.s32 s9, $0x1  }
.Ltmp0:
0x66: {  	_ = 	snop;
	(pc) =	sbr.rel @!p0 .LBB2_3-.Ltmp0, $4  }
0x67: {  	[sflag:s20] =	ssyncset.done $0x0  }
0x68: {  	[sflag:s20] =	ssyncadd.s32 $0xFFFFC000  }
0x69: {  	_ =	swait.ge [sflag:s22], $0x4000  }
0x6a: {  	s9 =	sadd.s32 $0xFFFFFFFF, s9;
	[sflag:s22] =	ssyncset.done $0x0  }
.LBB2_2:
0x6b: {  	[sflag:s22] =	ssyncadd.s32 $0xFFFFC000;
	s11 =	sadd.s32 $0x80, s11  }
0x6c: {  	[tilespmem:s3], [sflag:$0x5] =	stream.linear.gather [hbm4b:s11+s3], $0x400, $0x38;
	[tilespmem:$0x1C800] =	vst v63  }
0x6d: {  	_ =	swait.ge [sflag:s13], $0x400  }
0x6e: {  	[sflag:s13] =	ssyncset.done $0x0  }
0x6f: {  	s10 =	sadd.s32 $0x80, s10;
	[sflag:s13] =	ssyncadd.s32 $0xFFFFFC00  }
0x70: {  	[tilespmem:s14], [sflag:$0x5] =	stream.linear.gather [hbm4b:s10+s3], $0x400, $0x38;
	[tilespmem:$0x1C800] =	vst v63  }
0x71: {  	_ =	swait.ge [sflag:s13], $0x400  }
0x72: {  	[sflag:s13] =	ssyncset.done $0x0  }
0x73: {  	[sflag:s13] =	ssyncadd.s32 $0xFFFFFC00  }
0x74: {  	[tilespmem:s16], [sflag:$0x1] =	stream.indirect.gather [hbm4b:s4+s15], $0x80, s3, s15, $0xb8;
	[tilespmem:$0x1C800] =	vst v63  }
0x75: {  	_ = 	snop  }
0x76: {  	[tilespmem:s17], [sflag:$0x2] =	stream.indirect.gather [hbm4b:s4+s15], $0x80, s15, s15, $0xb8;
	[tilespmem:$0x1C800] =	vst v63  }
0x77: {  	_ =	swait.ge [sflag:s18], $0x4000  }
0x78: {  	[sflag:s18] =	ssyncset.done $0x0  }
0x79: {  	[sflag:s18] =	ssyncadd.s32 $0xFFFFC000  }
0x7a: {  	[spmem:s2] =	stream.indirect.scatter.add.f32 [tilespmem:s16], [sflag:$0x3], $0x80, s14, s15, $0xb8;
	[tilespmem:$0x1C800] =	vst v63  }
0x7b: {  	_ =	swait.ge [sflag:s19], $0x4000  }
0x7c: {  	[sflag:s19] =	ssyncset.done $0x0  }
0x7d: {  	s6 =	rddreg [dreg:$0x4];
	[sflag:s19] =	ssyncadd.s32 $0xFFFFC000  }
0x7e: {  	[spmem:s2] =	stream.indirect.scatter.add.f32 [tilespmem:s17], [sflag:$0x4], $0x80, s6, s15, $0xb8;
	[tilespmem:$0x1C800] =	vst v63  }
0x7f: {  	_ =	swait.ge [sflag:s20], $0x4000  }
0x80: {  	[sflag:s20] =	ssyncset.done $0x0  }
0x81: {  	[sflag:s20] =	ssyncadd.s32 $0xFFFFC000  }
0x82: {  	[tilespmem:s16], [sflag:$0x1] =	stream.indirect.gather [hbm4b:s4+s15], $0x80, s21, s15, $0xb8;
	[tilespmem:$0x1C800] =	vst v63  }
0x83: {  	_ =	swait.ge [sflag:s22], $0x4000  }
0x84: {  	[sflag:s22] =	ssyncset.done $0x0  }
0x85: {  	[sflag:s22] =	ssyncadd.s32 $0xFFFFC000  }
0x86: {  	[tilespmem:s17], [sflag:$0x2] =	stream.indirect.gather [hbm4b:s4+s15], $0x80, s23, s15, $0xb8;
	[tilespmem:$0x1C800] =	vst v63  }
0x87: {  	_ =	swait.ge [sflag:s18], $0x4000  }
0x88: {  	[sflag:s18] =	ssyncset.done $0x0  }
0x89: {  	[sflag:s18] =	ssyncadd.s32 $0xFFFFC000  }
0x8a: {  	[spmem:s2] =	stream.indirect.scatter.add.f32 [tilespmem:s16], [sflag:$0x3], $0x80, s24, s15, $0xb8;
	[tilespmem:$0x1C800] =	vst v63  }
0x8b: {  	_ =	swait.ge [sflag:s19], $0x4000  }
0x8c: {  	[sflag:s19] =	ssyncset.done $0x0  }
0x8d: {  	[sflag:s19] =	ssyncadd.s32 $0xFFFFC000  }
0x8e: {  	[spmem:s2] =	stream.indirect.scatter.add.f32 [tilespmem:s17], [sflag:$0x4], $0x80, s25, s15, $0xb8;
	[tilespmem:$0x1C800] =	vst v63  }
0x8f: {  	_ =	swait.ge [sflag:s20], $0x4000  }
0x90: {  	[sflag:s20] =	ssyncset.done $0x0  }
0x91: {  	[sflag:s20] =	ssyncadd.s32 $0xFFFFC000  }
0x92: {  	[tilespmem:s16], [sflag:$0x1] =	stream.indirect.gather [hbm4b:s4+s15], $0x80, s26, s15, $0xb8;
	[tilespmem:$0x1C800] =	vst v63  }
0x93: {  	_ =	swait.ge [sflag:s22], $0x4000  }
0x94: {  	[sflag:s22] =	ssyncset.done $0x0  }
0x95: {  	[sflag:s22] =	ssyncadd.s32 $0xFFFFC000  }
0x96: {  	[tilespmem:s17], [sflag:$0x2] =	stream.indirect.gather [hbm4b:s4+s15], $0x80, s28, s15, $0xb8;
	[tilespmem:$0x1C800] =	vst v63  }
0x97: {  	_ =	swait.ge [sflag:s18], $0x4000  }
0x98: {  	[sflag:s18] =	ssyncset.done $0x0  }
0x99: {  	[sflag:s18] =	ssyncadd.s32 $0xFFFFC000  }
0x9a: {  	[spmem:s2] =	stream.indirect.scatter.add.f32 [tilespmem:s16], [sflag:$0x3], $0x80, s29, s15, $0xb8;
	[tilespmem:$0x1C800] =	vst v63  }
0x9b: {  	_ =	swait.ge [sflag:s19], $0x4000  }
0x9c: {  	[sflag:s19] =	ssyncset.done $0x0  }
0x9d: {  	[sflag:s19] =	ssyncadd.s32 $0xFFFFC000  }
0x9e: {  	[spmem:s2] =	stream.indirect.scatter.add.f32 [tilespmem:s17], [sflag:$0x4], $0x80, s30, s15, $0xb8;
	[tilespmem:$0x1C800] =	vst v63  }
0x9f: {  	_ =	swait.ge [sflag:s20], $0x4000  }
0xa0: {  	[sflag:s20] =	ssyncset.done $0x0  }
0xa1: {  	[sflag:s20] =	ssyncadd.s32 $0xFFFFC000  }
0xa2: {  	[tilespmem:s16], [sflag:$0x1] =	stream.indirect.gather [hbm4b:s4+s15], $0x80, s31, s15, $0xb8;
	[tilespmem:$0x1C800] =	vst v63  }
0xa3: {  	_ =	swait.ge [sflag:s22], $0x4000  }
0xa4: {  	[sflag:s22] =	ssyncset.done $0x0  }
0xa5: {  	[sflag:s22] =	ssyncadd.s32 $0xFFFFC000  }
0xa6: {  	[tilespmem:s17], [sflag:$0x2] =	stream.indirect.gather [hbm4b:s4+s15], $0x80, s0, s15, $0xb8;
	[tilespmem:$0x1C800] =	vst v63  }
0xa7: {  	_ =	swait.ge [sflag:s18], $0x4000  }
0xa8: {  	[sflag:s18] =	ssyncset.done $0x0  }
0xa9: {  	[sflag:s18] =	ssyncadd.s32 $0xFFFFC000  }
0xaa: {  	[spmem:s2] =	stream.indirect.scatter.add.f32 [tilespmem:s16], [sflag:$0x3], $0x80, s1, s15, $0xb8;
	[tilespmem:$0x1C800] =	vst v63  }
0xab: {  	_ =	swait.ge [sflag:s19], $0x4000  }
0xac: {  	[sflag:s19] =	ssyncset.done $0x0  }
0xad: {  	p0 =	sne.s32 s9, $0x1;
	[sflag:s19] =	ssyncadd.s32 $0xFFFFC000  }
0xae: {  	[spmem:s2] =	stream.indirect.scatter.add.f32 [tilespmem:s17], [sflag:$0x4], $0x80, s5, s15, $0xb8;
	[tilespmem:$0x1C800] =	vst v63  }
.Ltmp1:
0xaf: {  	_ =	swait.ge [sflag:s20], $0x4000;
	(pc) =	sbr.rel @p0 .LBB2_2-.Ltmp1, $4  }
0xb0: {  	[sflag:s20] =	ssyncset.done $0x0  }
0xb1: {  	[sflag:s20] =	ssyncadd.s32 $0xFFFFC000  }
0xb2: {  	_ =	swait.ge [sflag:s22], $0x4000  }
0xb3: {  	s9 =	sadd.s32 $0xFFFFFFFF, s9;
	[sflag:s22] =	ssyncset.done $0x0  }
.LBB2_3:
0xb4: {  	[sflag:s22] =	ssyncadd.s32 $0xFFFFC000  }
0xb5: {  	[bflag:$0x0] =	sbarrier.arrive $0xFFFF  }
0xb6: {  	s6 =	rddreg [dreg:$0x6]  }
0xb7: {  	[hbm:s6], [sflag:s12] =	dma.local [spmem:s7], $0x2800  }
0xb8: {  	_ =	swait.ge [sflag:s13], $0x2800  }
0xb9: {  	s11 =	smov.u32 s12;
	s8 =	sadd.s32 $0x1, s8;
	s12 =	rddreg [dreg:$0x7]  }
0xba: {  	p0 =	sne.s32 s8, s12  }
.Ltmp2:
0xbb: {  	_ = 	snop;
	(pc) =	sbr.rel @p0 .LBB2_1-.Ltmp2, $3  }
0xbc: {  	_ =	sdelay $0x1  }
0xbd: {  	[sflag:s13] =	ssyncset.done $0x0  }
0xbe: {  	s9 =	smov.u32 s7;
	[sflag:s13] =	ssyncadd.s32 $0xFFFFD800  }
0xbf: {  	_ =	sfence.sel $0x180000  }
0xc0: {  	[bflag:$0x0] =	sbarrier.arrive $0xFFFF  }
0xc1: {  	_ =	strace $0x9000004D  }
0xc2: {  	s0 =	stileid.u32;
	[bflag:$0x2] =	sbarrier.arrive $0xFFFF  }
0xc3: {  	p0 =	sne.s32 s0, $0x0;
	s0 =	rddreg [dreg:$0x3]  }
0xc4: {  	s0 =	sadd.s32 @!p0 $0x100000, s0  }
0xc5: {  	[sflag:s0] =	ssyncadd.tile.s32 @!p0 $0x1;
	_ =	shalt  }
.Lfunc_end2:
_tile_overlayer_lowered:
.L_overlay_start_2:
0xc6: {  	(tag) =	ssettag $0x2  }
0xc7: {  	s0 =	rddreg [dreg:$0x0];
	s2 =	stileid.u32  }
0xc8: {  	s1 =	rddreg [dreg:$0x1];
	p0 =	sne.s32 s2, $0x0  }
0xc9: {  	s3 =	rddreg [dreg:$0x2];
	[bflag:$0x3] =	sbarrier.arrive $0xFFFF;
	s2 =	simm.s32 @!p0 $0x1C05  }
0xca: {  	[timem:s3], [sflag:s2] =	dma.local @!p0 [hbm:s0], s1  }
0xcb: {  	s0 =	simm.s32 @!p0 $0x5  }
0xcc: {  	_ =	swait.ge @!p0 [sflag:s0], s1  }
0xcd: {  	s1 =	ssub.s32 @!p0 $0x0, s1;
	[sflag:s0] =	ssyncset.done @!p0 $0x0  }
0xce: {  	[sflag:s0] =	ssyncadd.s32 @!p0 s1  }
0xcf: {  	[bflag:$0x3] =	sbarrier.arrive $0xFFFF  }
0xd0: {  	_ =	shalt  }

// kernel: kernel.19.cloned.1.call-start
scs
__scs_entry_jumppad:
0x0: {  	(pc) =	sbr.rel $0x88, $3  }
0x1: {  	(tag) =	ssettag $0x0;
	lr =	simm.s32 $0x1  }
0x2: {  	[smem:$0x3F95] =	sst lr;
	_ =	strace $0xD0000000  }
0x3: {  	_ = 	snop  }
0x4: {  	_ = 	snop  }
0x5: {  	_ = 	snop  }
0x6: {  	_ = 	snop  }
0x7: {  	_ = 	snop  }
__scs_overlays_trampoline_lowered:
0x8: {  	[smem:$0x3FA4] =	sst s0  }
0x9: {  	[smem:$0x3FA5] =	sst s1  }
0xa: {  	[smem:$0x3FA6] =	sst s2  }
0xb: {  	[smem:$0x3FA7] =	sst s3  }
0xc: {  	[smem:$0x3FA8] =	sst s4  }
0xd: {  	[smem:$0x3FA9] =	sst s5  }
0xe: {  	[smem:$0x3FAA] =	sst s6  }
0xf: {  	[smem:$0x3FAB] =	sst s7  }
0x10: {  	[smem:$0x3FAC] =	sst s8  }
0x11: {  	[smem:$0x3FAD] =	sst s9;
	s0 =	simm.s32 @!p0 $0x0  }
0x12: {  	s1 =	sld [smem:$0x3F93];
	s0 =	simm.s32 @p0 $0x1  }
0x13: {  	[smem:$0x3FAE] =	sst s0;
	s0 =	simm.s32 @!p1 $0x0  }
0x14: {  	s2 =	sld [smem:$0x3F92];
	s0 =	simm.s32 @p1 $0x1  }
0x15: {  	[smem:$0x3FAF] =	sst s0;
	s0 =	simm.s32 @!p2 $0x0  }
0x16: {  	s3 =	sld [smem:$0x3FDB];
	s0 =	simm.s32 @p2 $0x1  }
0x17: {  	s4 =	simm.s32 $0x1BF5;
	[smem:$0x3FB1] =	sst s0  }
0x18: {  	s0 =	sld [smem:$0x3F94];
	_ =	swait.ge [sflag:s4], $0x0  }
0x19: {  	s7 =	sld [smem:$0x3F95]  }
0x1a: {  	s8 =	sadd.s32 $0xFFFFE003, lr  }
0x1b: {  	s9 =	sadd.s32 $0xFFFFFEF7, lr;
	s5 =	simm.s32 $0xFFFFFFFF;
	p2 =	slt.u32 s8, $0xFFFFF086  }
0x1c: {  	p1 =	slt.u32 s9, $0xF7A;
	s5 =	simm.s32 @!p2 $0x0  }
0x1d: {  	s5 =	simm.s32 @p1 $0x1;
	p0 =	seq.s32 s7, s2  }
0x1e: {  	s7 =	smul.u32 @!p0 $0xF7A, s2;
	p2 =	seq.s32 @!p0 s5, $0x0  }
0x1f: {  	s9 =	smul.u32 $0xF7A, s1;
	s8 =	simm.s32 @!p0 $0x1BF5;
	p2 =	por !p2, p0  }
0x20: {  	[sflag:s8] =	ssyncset.s32 @!p0 $0xFFFFF086;
	s6 =	sadd.s32 @!p0 s3, s7;
	s7 =	simm.s32 @!p0 $0x108  }
0x21: {  	s3 =	sadd.s32 s3, s9;
	s6 =	sadd.s32 @!p0 $0x88, s6;
	s7 =	simm.s32 @p2 $0x1082  }
0x22: {  	[simem:s7], [sflag:s8] =	dma.local @!p0 [hbm:s6], $0xF7A  }
0x23: {  	s9 =	sor.u32 $0xD0000000, s2;
	s6 =	simm.s32 $0x108;
	_ =	swait.ge @!p0 [sflag:s8], $0x0  }
0x24: {  	s3 =	sadd.s32 $0x88, s3;
	s6 =	simm.s32 @!p1 $0x1082;
	[sflag:s4] =	ssyncset.s32 $0xFFFFF086  }
0x25: {  	[simem:s6], [sflag:s4] =	dma.local [hbm:s3], $0xF7A  }
0x26: {  	[smem:$0x3F95] =	sst s1;
	(tag) =	ssettag s2;
	_ =	strace s9  }
0x27: {  	s1 =	sld [smem:$0x3FA5]  }
0x28: {  	s2 =	sld [smem:$0x3FA6]  }
0x29: {  	s4 =	sld [smem:$0x3FA8]  }
0x2a: {  	p0 =	seq.s32 s5, $0x0;
	s5 =	sld [smem:$0x3FA9]  }
0x2b: {  	s6 =	sld [smem:$0x3FAA]  }
0x2c: {  	s7 =	sld [smem:$0x3FAB]  }
0x2d: {  	s3 =	simm.s32 $0x108;
	s8 =	sld [smem:$0x3FAC]  }
0x2e: {  	s3 =	simm.s32 @!p0 $0x1082;
	s9 =	sld [smem:$0x3FAD]  }
0x2f: {  	lr =	sadd.s32 s0, s3;
	s0 =	sld [smem:$0x3FA4]  }
0x30: {  	s3 =	sld [smem:$0x3FA7]  }
0x31: {  	[smem:$0x3FB0] =	sst s10  }
0x32: {  	s10 =	sld [smem:$0x3FAE];
	_ =	sdelay $0x3  }
0x33: {  	p0 =	seq.s32 s10, $0x1;
	s10 =	sld [smem:$0x3FB0];
	_ =	sdelay $0x3  }
0x34: {  	[smem:$0x3FB0] =	sst s10  }
0x35: {  	s10 =	sld [smem:$0x3FAF];
	_ =	sdelay $0x3  }
0x36: {  	p1 =	seq.s32 s10, $0x1;
	s10 =	sld [smem:$0x3FB0];
	_ =	sdelay $0x3  }
0x37: {  	[smem:$0x3FB0] =	sst s10  }
0x38: {  	s10 =	sld [smem:$0x3FB1]  }
0x39: {  	_ = 	snop;
	(pc) =	sbr.ind lr, $3  }
0x3a: {  	_ = 	snop  }
0x3b: {  	_ = 	snop  }
0x3c: {  	p2 =	seq.s32 s10, $0x1;
	s10 =	sld [smem:$0x3FB0]  }
0x3d: {  	_ =	shalt  }
0x3e: {  	_ =	shalt  }
0x3f: {  	_ =	shalt  }
0x40: {  	_ =	shalt  }
0x41: {  	_ =	shalt  }
0x42: {  	_ =	shalt  }
0x43: {  	_ =	shalt  }
0x44: {  	_ =	shalt  }
0x45: {  	_ =	shalt  }
0x46: {  	_ =	shalt  }
0x47: {  	_ =	shalt  }
0x48: {  	_ =	shalt  }
0x49: {  	_ =	shalt  }
0x4a: {  	_ =	shalt  }
0x4b: {  	_ =	shalt  }
0x4c: {  	_ =	shalt  }
0x4d: {  	_ =	shalt  }
0x4e: {  	_ =	shalt  }
0x4f: {  	_ =	shalt  }
0x50: {  	_ =	shalt  }
0x51: {  	_ =	shalt  }
0x52: {  	_ =	shalt  }
0x53: {  	_ =	shalt  }
0x54: {  	_ =	shalt  }
0x55: {  	_ =	shalt  }
0x56: {  	_ =	shalt  }
0x57: {  	_ =	shalt  }
0x58: {  	_ =	shalt  }
0x59: {  	_ =	shalt  }
0x5a: {  	_ =	shalt  }
0x5b: {  	_ =	shalt  }
0x5c: {  	_ =	shalt  }
0x5d: {  	_ =	shalt  }
0x5e: {  	_ =	shalt  }
0x5f: {  	_ =	shalt  }
0x60: {  	_ =	shalt  }
0x61: {  	_ =	shalt  }
0x62: {  	_ =	shalt  }
0x63: {  	_ =	shalt  }
0x64: {  	_ =	shalt  }
0x65: {  	_ =	shalt  }
0x66: {  	_ =	shalt  }
0x67: {  	_ =	shalt  }
0x68: {  	_ =	shalt  }
0x69: {  	_ =	shalt  }
0x6a: {  	_ =	shalt  }
0x6b: {  	_ =	shalt  }
0x6c: {  	_ =	shalt  }
0x6d: {  	_ =	shalt  }
0x6e: {  	_ =	shalt  }
0x6f: {  	_ =	shalt  }
0x70: {  	_ =	shalt  }
0x71: {  	_ =	shalt  }
0x72: {  	_ =	shalt  }
0x73: {  	_ =	shalt  }
0x74: {  	_ =	shalt  }
0x75: {  	_ =	shalt  }
0x76: {  	_ =	shalt  }
0x77: {  	_ =	shalt  }
0x78: {  	_ =	shalt  }
0x79: {  	_ =	shalt  }
0x7a: {  	_ =	shalt  }
0x7b: {  	_ =	shalt  }
0x7c: {  	_ =	shalt  }
0x7d: {  	_ =	shalt  }
0x7e: {  	_ =	shalt  }
0x7f: {  	_ =	shalt  }
0x80: {  	_ =	shalt  }
0x81: {  	_ =	shalt  }
0x82: {  	_ =	shalt  }
0x83: {  	_ =	shalt  }
0x84: {  	_ =	shalt  }
0x85: {  	_ =	shalt  }
0x86: {  	_ =	shalt  }
0x87: {  	_ =	shalt  }
.Lfunc_end0:
.L_simem_size_0:
called_computation.3_lowered:
.L_overlay_start_0:
0x88: {  	s2 =	sld [smem:$0x3FD9]  }
0x89: {  	s3 =	sld [smem:$0x3FFE];
	_ =	sdelay $0x1  }
0x8a: {  	s1 =	srdreg.scid  }
0x8b: {  	s0 =	sand.u32 $0x1, s1  }
0x8c: {  	s17 =	sshll.u32 s0, $0xA;
	s2 =	sadd.s32 s3, s2  }
0x8d: {  	s2 =	sadd.s32 s2, s17  }
0x8e: {  	[smem:$0x3FBC] =	sst s2  }
0x8f: {  	_ = 	snop  }
0x90: {  	s2 =	sld [smem:$0x3FD0];
	(tm) =	ssettm $0x1  }
0x91: {  	s18 =	sld [smem:$0x3FFB];
	_ =	sdelay $0x3  }
0x92: {  	_ =	strace s18  }
0x93: {  	s3 =	sld [smem:$0x3FFC];
	_ =	sdelay $0x3  }
0x94: {  	_ =	strace s3  }
0x95: {  	s3 =	sld [smem:$0x3FFD];
	_ =	sdelay $0x3  }
0x96: {  	_ =	strace s3  }
0x97: {  	_ =	strace $0x8FFFFFFF  }
0x98: {  	s19 =	sld [smem:$0x3FDB];
	_ =	sdelay $0x1  }
0x99: {  	s4 =	simm.s32 $_scs_section_size  }
0x9a: {  	s5 =	simm.s32 $_size__tile_overlayer_lowered;
	s6 =	simm.s32 $_tile_overlayer_lowered  }
0x9b: {  	s22 =	simm.s32 $0x1BFF;
	s21 =	sshll.u32 s6, $0x1;
	s3 =	sadd.s32 s4, s19  }
0x9c: {  	s7 =	simm.s32 $0x0;
	s20 =	sshll.u32 s5, $0x1;
	s5 =	sadd.s32 s21, s3  }
0x9d: {  	[timem:s7], [sflag:s22] =	dma.local [hbm:s5], s20  }
0x9e: {  	_ =	swait.ge [sflag:s22], s20  }
0x9f: {  	s4 =	ssub.s32 $0x0, s20;
	[sflag:s22] =	ssyncset.done $0x0  }
0xa0: {  	[sflag:s22] =	ssyncadd.s32 s4;
	_ =	sdelay $0x1  }
0xa1: {  	s23 =	simm.s32 $0x1B8B  }
0xa2: {  	_ =	swait.ge [sflag:s23], $0x1  }
0xa3: {  	[sflag:s23] =	ssyncset.done $0x0  }
0xa4: {  	s25 =	simm.s32 $0x1B8E;
	s24 =	sld [smem:$0x3FFE];
	[sflag:s23] =	ssyncadd.s32 $0xFFFFFFFF  }
0xa5: {  	s26 =	simm.s32 $execute0_lowered;
	[smem:$0x3FD2] =	sst s25  }
0xa6: {  	s5 =	sshll.u32 s26, $0x1;
	_ =	strace $0x8000004F;
	[dreg:$0x1] =	wrdreg $0xFFFFFFFF  }
0xa7: {  	s28 =	simm.s32 $_size_execute0_lowered;
	s3 =	sadd.s32 s3, s5;
	[dreg:$0x0] =	wrdreg $0x0  }
0xa8: {  	s5 =	sshll.u32 s28, $0x1;
	[dreg:$0x2] =	wrdreg s3  }
0xa9: {  	[dreg:$0x3] =	wrdreg s5  }
0xaa: {  	[dreg:$0x4] =	wrdreg $0xC0  }
0xab: {  	_ =	task [dreg:s7], $0x5FFFF  }
0xac: {  	[dreg:$0x1] =	wrdreg $0xFFFFFFFF  }
0xad: {  	[dreg:$0x0] =	wrdreg $0x60  }
0xae: {  	[dreg:$0x2] =	wrdreg s24  }
0xaf: {  	[dreg:$0x3] =	wrdreg s2  }
0xb0: {  	[dreg:$0x4] =	wrdreg $0x88000  }
0xb1: {  	[dreg:$0x5] =	wrdreg $0x9  }
0xb2: {  	_ =	task.clear_ibuf [dreg:s7], $0x6FFFF;
	_ =	strace $0x9000004F  }
0xb3: {  	s29 =	simm.s32 $0x9;
	_ =	strace $0x80000051  }
0xb4: {  	_ =	swait.ge [sflag:s29], $0x1  }
0xb5: {  	[sflag:s29] =	ssyncadd.s32 $0xFFFFFFFF  }
0xb6: {  	_ =	strace $0x90000051  }
0xb7: {  	_ =	sfence  }
0xb8: {  	s30 =	sld [smem:$0x0];
	_ =	sdelay $0x2  }
0xb9: {  	s31 =	sshll.u32 s1, $0xD;
	s1 =	sshrl.u32 s1, $0x2  }
0xba: {  	s3 =	sand.u32 $0x4000, s31;
	s1 =	sadd.s32 s1, s30  }
0xbb: {  	s0 =	sor.u32 s3, s0;
	s1 =	sshll.u32 s1, $0x11  }
0xbc: {  	s0 =	sor.u32 s1, s0  }
0xbd: {  	s0 =	sadd.s32 $0x8F2B, s0  }
0xbe: {  	[sflag:s0] =	ssyncadd.remote.s32 $0x1  }
0xbf: {  	_ =	sfence.sel $0xFFFF  }
0xc0: {  	[dreg:$0x0] =	wrdreg $0xFFFFFFFF;
	(pc) =	sbr.abs _section_cstart, $3  }
0xc1: {  	[dreg:$0x1] =	wrdreg $0xFFFFFFFF  }
0xc2: {  	_ =	task.clear_ibuf [dreg:s7], $0x2FFFF;
	_ =	strace $0x9FFFFFFF  }
0xc3: {  	(tm) =	ssettm $0x7FFFFFFF  }
tec
execute0_lowered:
.L_overlay_start_1:
0x0: {  	(tag) =	ssettag $0x1  }
0x1: {  	s0 =	rddreg [dreg:$0x0]  }
0x2: {  	s1 =	rddreg [dreg:$0x1]  }
0x3: {  	s2 =	rddreg [dreg:$0x2]  }
0x4: {  	s11 =	stileid.u32;
	s3 =	simm.s32 $0x0;
	s4 =	srdreg.scid  }
0x5: {  	s13 =	simm.s32 $0x5;
	s14 =	simm.s32 $0x400;
	s15 =	simm.s32 $0x80  }
0x6: {  	s16 =	simm.s32 $0x800;
	s17 =	simm.s32 $0x4800;
	s26 =	simm.s32 $0x480  }
0x7: {  	s18 =	simm.s32 $0x1;
	s19 =	simm.s32 $0x2;
	s28 =	simm.s32 $0x280  }
0x8: {  	s29 =	simm.s32 $0x600;
	s30 =	simm.s32 $0x680;
	s5 =	smul.u32 $0x18, s11  }
0x9: {  	s31 =	simm.s32 $0x300;
	s6 =	sand.u32 $0x1, s4;
	s4 =	smul.u32 $0x88, s11  }
0xa: {  	[smem:$0x7FF] =	sst s3;
	s7 =	smul.u32 $0x14000, s11;
	s10 =	sadd.s32 $0x4400, s0  }
0xb: {  	s21 =	sshll.u32 s11, $0x6;
	p0 =	seq.s32 s6, $0x0;
	s8 =	smul.u32 $0x140000, s6  }
0xc: {  	_ =	strace $0x80000050;
	s6 =	ssub.s32 $0x2, s6;
	[dreg:$0x5] =	wrdreg s10  }
0xd: {  	s11 =	sor.u32 $0x1C05, s21;
	[dreg:$0x4] =	wrdreg s26;
	s21 =	simm.s32 $0x100  }
0xe: {  	s26 =	simm.s32 $0x200;
	s5 =	sadd.s32 $0x880, s5;
	s20 =	sshrl.u32 s6, $0x1  }
0xf: {  	s22 =	sadd.s32 s7, s2;
	s5 =	smov.u32 @p0 s4;
	s4 =	sadd.s32 $0x68C00, s0  }
0x10: {  	s8 =	sadd.s32 s7, s8;
	s6 =	ssub.s32 s6, s20;
	s7 =	simm.s32 $0x11  }
0x11: {  	s20 =	simm.s32 $0x3;
	s5 =	sshll.u32 s5, $0x4;
	s7 =	simm.s32 @!p0 $0x3  }
0x12: {  	s8 =	sshrl.u32 s8, $0x3;
	s23 =	smax.u32 s6, $0x1;
	[dreg:$0xa] =	wrdreg s7  }
0x13: {  	s9 =	sadd.s32 s5, s0;
	s0 =	sadd.s32 s8, s0;
	[dreg:$0x7] =	wrdreg s23  }
0x14: {  	s24 =	sadd.s32 s5, s1;
	s23 =	simm.s32 $0x180;
	s1 =	simm.s32 $0x700  }
0x15: {  	s5 =	simm.s32 $0x780;
	s8 =	simm.s32 $0x0;
	s0 =	sadd.s32 $0x90C00, s0  }
0x16: {  	[dreg:$0x8] =	wrdreg s24;
	s25 =	sadd.s32 $0xEC00, s9;
	s9 =	sshrl.u32 s22, $0x3  }
0x17: {  	s22 =	simm.s32 $0x4;
	s24 =	simm.s32 $0x500;
	[dreg:$0x6] =	wrdreg s0  }
0x18: {  	[dreg:$0x9] =	wrdreg s25;
	s25 =	simm.s32 $0x580;
	s0 =	simm.s32 $0x380  }
.LBB2_1:
0x19: {  	s6 =	rddreg [dreg:$0x5]  }
0x1a: {  	[spmem:s9], [sflag:s11] =	dma.local [hbm:s6], $0x2800  }
0x1b: {  	_ =	swait.ge [sflag:s13], $0x2800  }
0x1c: {  	[sflag:s13] =	ssyncset.done $0x0  }
0x1d: {  	[sflag:s13] =	ssyncadd.s32 $0xFFFFD800  }
0x1e: {  	[bflag:$0x0] =	sbarrier.arrive $0xFFFF  }
0x1f: {  	s12 =	smov.u32 s11;
	s11 =	rddreg [dreg:$0x9]  }
0x20: {  	[tilespmem:s3], [sflag:$0x5] =	stream.linear.gather [hbm4b:s11+s3], $0x400, $0x38;
	[tilespmem:$0x1C800] =	vst v63  }
0x21: {  	_ =	swait.ge [sflag:s13], $0x400  }
0x22: {  	[sflag:s13] =	ssyncset.done $0x0  }
0x23: {  	s10 =	rddreg [dreg:$0x8];
	[sflag:s13] =	ssyncadd.s32 $0xFFFFFC00  }
0x24: {  	[tilespmem:s14], [sflag:$0x5] =	stream.linear.gather [hbm4b:s10+s3], $0x400, $0x38;
	[tilespmem:$0x1C800] =	vst v63  }
0x25: {  	_ =	swait.ge [sflag:s13], $0x400  }
0x26: {  	[sflag:s13] =	ssyncset.done $0x0  }
0x27: {  	[sflag:s13] =	ssyncadd.s32 $0xFFFFFC00  }
0x28: {  	[tilespmem:s16], [sflag:$0x1] =	stream.indirect.gather [hbm4b:s4+s15], $0x80, s3, s15, $0xb8;
	[tilespmem:$0x1C800] =	vst v63  }
0x29: {  	_ = 	snop  }
0x2a: {  	[tilespmem:s17], [sflag:$0x2] =	stream.indirect.gather [hbm4b:s4+s15], $0x80, s15, s15, $0xb8;
	[tilespmem:$0x1C800] =	vst v63  }
0x2b: {  	_ =	swait.ge [sflag:s18], $0x4000  }
0x2c: {  	[sflag:s18] =	ssyncset.done $0x0  }
0x2d: {  	[sflag:s18] =	ssyncadd.s32 $0xFFFFC000  }
0x2e: {  	[spmem:s2] =	stream.indirect.scatter.add.f32 [tilespmem:s16], [sflag:$0x3], $0x80, s14, s15, $0xb8;
	[tilespmem:$0x1C800] =	vst v63  }
0x2f: {  	_ =	swait.ge [sflag:s19], $0x4000  }
0x30: {  	[sflag:s19] =	ssyncset.done $0x0  }
0x31: {  	s6 =	rddreg [dreg:$0x4];
	[sflag:s19] =	ssyncadd.s32 $0xFFFFC000  }
0x32: {  	[spmem:s2] =	stream.indirect.scatter.add.f32 [tilespmem:s17], [sflag:$0x4], $0x80, s6, s15, $0xb8;
	[tilespmem:$0x1C800] =	vst v63  }
0x33: {  	_ =	swait.ge [sflag:s20], $0x4000  }
0x34: {  	[sflag:s20] =	ssyncset.done $0x0  }
0x35: {  	[sflag:s20] =	ssyncadd.s32 $0xFFFFC000  }
0x36: {  	[tilespmem:s16], [sflag:$0x1] =	stream.indirect.gather [hbm4b:s4+s15], $0x80, s21, s15, $0xb8;
	[tilespmem:$0x1C800] =	vst v63  }
0x37: {  	_ =	swait.ge [sflag:s22], $0x4000  }
0x38: {  	[sflag:s22] =	ssyncset.done $0x0  }
0x39: {  	[sflag:s22] =	ssyncadd.s32 $0xFFFFC000  }
0x3a: {  	[tilespmem:s17], [sflag:$0x2] =	stream.indirect.gather [hbm4b:s4+s15], $0x80, s23, s15, $0xb8;
	[tilespmem:$0x1C800] =	vst v63  }
0x3b: {  	_ =	swait.ge [sflag:s18], $0x4000  }
0x3c: {  	[sflag:s18] =	ssyncset.done $0x0  }
0x3d: {  	[sflag:s18] =	ssyncadd.s32 $0xFFFFC000  }
0x3e: {  	[spmem:s2] =	stream.indirect.scatter.add.f32 [tilespmem:s16], [sflag:$0x3], $0x80, s24, s15, $0xb8;
	[tilespmem:$0x1C800] =	vst v63  }
0x3f: {  	_ =	swait.ge [sflag:s19], $0x4000  }
0x40: {  	[sflag:s19] =	ssyncset.done $0x0  }
0x41: {  	[sflag:s19] =	ssyncadd.s32 $0xFFFFC000  }
0x42: {  	[spmem:s2] =	stream.indirect.scatter.add.f32 [tilespmem:s17], [sflag:$0x4], $0x80, s25, s15, $0xb8;
	[tilespmem:$0x1C800] =	vst v63  }
0x43: {  	_ =	swait.ge [sflag:s20], $0x4000  }
0x44: {  	[sflag:s20] =	ssyncset.done $0x0  }
0x45: {  	[sflag:s20] =	ssyncadd.s32 $0xFFFFC000  }
0x46: {  	[tilespmem:s16], [sflag:$0x1] =	stream.indirect.gather [hbm4b:s4+s15], $0x80, s26, s15, $0xb8;
	[tilespmem:$0x1C800] =	vst v63  }
0x47: {  	_ =	swait.ge [sflag:s22], $0x4000  }
0x48: {  	[sflag:s22] =	ssyncset.done $0x0  }
0x49: {  	[sflag:s22] =	ssyncadd.s32 $0xFFFFC000  }
0x4a: {  	[tilespmem:s17], [sflag:$0x2] =	stream.indirect.gather [hbm4b:s4+s15], $0x80, s28, s15, $0xb8;
	[tilespmem:$0x1C800] =	vst v63  }
0x4b: {  	_ =	swait.ge [sflag:s18], $0x4000  }
0x4c: {  	[sflag:s18] =	ssyncset.done $0x0  }
0x4d: {  	[sflag:s18] =	ssyncadd.s32 $0xFFFFC000  }
0x4e: {  	[spmem:s2] =	stream.indirect.scatter.add.f32 [tilespmem:s16], [sflag:$0x3], $0x80, s29, s15, $0xb8;
	[tilespmem:$0x1C800] =	vst v63  }
0x4f: {  	_ =	swait.ge [sflag:s19], $0x4000  }
0x50: {  	[sflag:s19] =	ssyncset.done $0x0  }
0x51: {  	[sflag:s19] =	ssyncadd.s32 $0xFFFFC000  }
0x52: {  	[spmem:s2] =	stream.indirect.scatter.add.f32 [tilespmem:s17], [sflag:$0x4], $0x80, s30, s15, $0xb8;
	[tilespmem:$0x1C800] =	vst v63  }
0x53: {  	_ =	swait.ge [sflag:s20], $0x4000  }
0x54: {  	[sflag:s20] =	ssyncset.done $0x0  }
0x55: {  	[sflag:s20] =	ssyncadd.s32 $0xFFFFC000  }
0x56: {  	[tilespmem:s16], [sflag:$0x1] =	stream.indirect.gather [hbm4b:s4+s15], $0x80, s31, s15, $0xb8;
	[tilespmem:$0x1C800] =	vst v63  }
0x57: {  	_ =	swait.ge [sflag:s22], $0x4000  }
0x58: {  	[sflag:s22] =	ssyncset.done $0x0  }
0x59: {  	[sflag:s22] =	ssyncadd.s32 $0xFFFFC000  }
0x5a: {  	[tilespmem:s17], [sflag:$0x2] =	stream.indirect.gather [hbm4b:s4+s15], $0x80, s0, s15, $0xb8;
	[tilespmem:$0x1C800] =	vst v63  }
0x5b: {  	_ =	swait.ge [sflag:s18], $0x4000  }
0x5c: {  	[sflag:s18] =	ssyncset.done $0x0  }
0x5d: {  	[sflag:s18] =	ssyncadd.s32 $0xFFFFC000  }
0x5e: {  	[spmem:s2] =	stream.indirect.scatter.add.f32 [tilespmem:s16], [sflag:$0x3], $0x80, s1, s15, $0xb8;
	[tilespmem:$0x1C800] =	vst v63  }
0x5f: {  	_ =	swait.ge [sflag:s19], $0x4000  }
0x60: {  	[sflag:s19] =	ssyncset.done $0x0  }
0x61: {  	[sflag:s19] =	ssyncadd.s32 $0xFFFFC000  }
0x62: {  	[spmem:s2] =	stream.indirect.scatter.add.f32 [tilespmem:s17], [sflag:$0x4], $0x80, s5, s15, $0xb8;
	[tilespmem:$0x1C800] =	vst v63  }
0x63: {  	_ =	swait.ge [sflag:s20], $0x4000  }
0x64: {  	s7 =	smov.u32 s9;
	s9 =	rddreg [dreg:$0xa]  }
0x65: {  	p0 =	sne.s32 s9, $0x1  }
.Ltmp0:
0x66: {  	_ = 	snop;
	(pc) =	sbr.rel @!p0 .LBB2_3-.Ltmp0, $4  }
0x67: {  	[sflag:s20] =	ssyncset.done $0x0  }
0x68: {  	[sflag:s20] =	ssyncadd.s32 $0xFFFFC000  }
0x69: {  	_ =	swait.ge [sflag:s22], $0x4000  }
0x6a: {  	s9 =	sadd.s32 $0xFFFFFFFF, s9;
	[sflag:s22] =	ssyncset.done $0x0  }
.LBB2_2:
0x6b: {  	[sflag:s22] =	ssyncadd.s32 $0xFFFFC000;
	s11 =	sadd.s32 $0x80, s11  }
0x6c: {  	[tilespmem:s3], [sflag:$0x5] =	stream.linear.gather [hbm4b:s11+s3], $0x400, $0x38;
	[tilespmem:$0x1C800] =	vst v63  }
0x6d: {  	_ =	swait.ge [sflag:s13], $0x400  }
0x6e: {  	[sflag:s13] =	ssyncset.done $0x0  }
0x6f: {  	s10 =	sadd.s32 $0x80, s10;
	[sflag:s13] =	ssyncadd.s32 $0xFFFFFC00  }
0x70: {  	[tilespmem:s14], [sflag:$0x5] =	stream.linear.gather [hbm4b:s10+s3], $0x400, $0x38;
	[tilespmem:$0x1C800] =	vst v63  }
0x71: {  	_ =	swait.ge [sflag:s13], $0x400  }
0x72: {  	[sflag:s13] =	ssyncset.done $0x0  }
0x73: {  	[sflag:s13] =	ssyncadd.s32 $0xFFFFFC00  }
0x74: {  	[tilespmem:s16], [sflag:$0x1] =	stream.indirect.gather [hbm4b:s4+s15], $0x80, s3, s15, $0xb8;
	[tilespmem:$0x1C800] =	vst v63  }
0x75: {  	_ = 	snop  }
0x76: {  	[tilespmem:s17], [sflag:$0x2] =	stream.indirect.gather [hbm4b:s4+s15], $0x80, s15, s15, $0xb8;
	[tilespmem:$0x1C800] =	vst v63  }
0x77: {  	_ =	swait.ge [sflag:s18], $0x4000  }
0x78: {  	[sflag:s18] =	ssyncset.done $0x0  }
0x79: {  	[sflag:s18] =	ssyncadd.s32 $0xFFFFC000  }
0x7a: {  	[spmem:s2] =	stream.indirect.scatter.add.f32 [tilespmem:s16], [sflag:$0x3], $0x80, s14, s15, $0xb8;
	[tilespmem:$0x1C800] =	vst v63  }
0x7b: {  	_ =	swait.ge [sflag:s19], $0x4000  }
0x7c: {  	[sflag:s19] =	ssyncset.done $0x0  }
0x7d: {  	s6 =	rddreg [dreg:$0x4];
	[sflag:s19] =	ssyncadd.s32 $0xFFFFC000  }
0x7e: {  	[spmem:s2] =	stream.indirect.scatter.add.f32 [tilespmem:s17], [sflag:$0x4], $0x80, s6, s15, $0xb8;
	[tilespmem:$0x1C800] =	vst v63  }
0x7f: {  	_ =	swait.ge [sflag:s20], $0x4000  }
0x80: {  	[sflag:s20] =	ssyncset.done $0x0  }
0x81: {  	[sflag:s20] =	ssyncadd.s32 $0xFFFFC000  }
0x82: {  	[tilespmem:s16], [sflag:$0x1] =	stream.indirect.gather [hbm4b:s4+s15], $0x80, s21, s15, $0xb8;
	[tilespmem:$0x1C800] =	vst v63  }
0x83: {  	_ =	swait.ge [sflag:s22], $0x4000  }
0x84: {  	[sflag:s22] =	ssyncset.done $0x0  }
0x85: {  	[sflag:s22] =	ssyncadd.s32 $0xFFFFC000  }
0x86: {  	[tilespmem:s17], [sflag:$0x2] =	stream.indirect.gather [hbm4b:s4+s15], $0x80, s23, s15, $0xb8;
	[tilespmem:$0x1C800] =	vst v63  }
0x87: {  	_ =	swait.ge [sflag:s18], $0x4000  }
0x88: {  	[sflag:s18] =	ssyncset.done $0x0  }
0x89: {  	[sflag:s18] =	ssyncadd.s32 $0xFFFFC000  }
0x8a: {  	[spmem:s2] =	stream.indirect.scatter.add.f32 [tilespmem:s16], [sflag:$0x3], $0x80, s24, s15, $0xb8;
	[tilespmem:$0x1C800] =	vst v63  }
0x8b: {  	_ =	swait.ge [sflag:s19], $0x4000  }
0x8c: {  	[sflag:s19] =	ssyncset.done $0x0  }
0x8d: {  	[sflag:s19] =	ssyncadd.s32 $0xFFFFC000  }
0x8e: {  	[spmem:s2] =	stream.indirect.scatter.add.f32 [tilespmem:s17], [sflag:$0x4], $0x80, s25, s15, $0xb8;
	[tilespmem:$0x1C800] =	vst v63  }
0x8f: {  	_ =	swait.ge [sflag:s20], $0x4000  }
0x90: {  	[sflag:s20] =	ssyncset.done $0x0  }
0x91: {  	[sflag:s20] =	ssyncadd.s32 $0xFFFFC000  }
0x92: {  	[tilespmem:s16], [sflag:$0x1] =	stream.indirect.gather [hbm4b:s4+s15], $0x80, s26, s15, $0xb8;
	[tilespmem:$0x1C800] =	vst v63  }
0x93: {  	_ =	swait.ge [sflag:s22], $0x4000  }
0x94: {  	[sflag:s22] =	ssyncset.done $0x0  }
0x95: {  	[sflag:s22] =	ssyncadd.s32 $0xFFFFC000  }
0x96: {  	[tilespmem:s17], [sflag:$0x2] =	stream.indirect.gather [hbm4b:s4+s15], $0x80, s28, s15, $0xb8;
	[tilespmem:$0x1C800] =	vst v63  }
0x97: {  	_ =	swait.ge [sflag:s18], $0x4000  }
0x98: {  	[sflag:s18] =	ssyncset.done $0x0  }
0x99: {  	[sflag:s18] =	ssyncadd.s32 $0xFFFFC000  }
0x9a: {  	[spmem:s2] =	stream.indirect.scatter.add.f32 [tilespmem:s16], [sflag:$0x3], $0x80, s29, s15, $0xb8;
	[tilespmem:$0x1C800] =	vst v63  }
0x9b: {  	_ =	swait.ge [sflag:s19], $0x4000  }
0x9c: {  	[sflag:s19] =	ssyncset.done $0x0  }
0x9d: {  	[sflag:s19] =	ssyncadd.s32 $0xFFFFC000  }
0x9e: {  	[spmem:s2] =	stream.indirect.scatter.add.f32 [tilespmem:s17], [sflag:$0x4], $0x80, s30, s15, $0xb8;
	[tilespmem:$0x1C800] =	vst v63  }
0x9f: {  	_ =	swait.ge [sflag:s20], $0x4000  }
0xa0: {  	[sflag:s20] =	ssyncset.done $0x0  }
0xa1: {  	[sflag:s20] =	ssyncadd.s32 $0xFFFFC000  }
0xa2: {  	[tilespmem:s16], [sflag:$0x1] =	stream.indirect.gather [hbm4b:s4+s15], $0x80, s31, s15, $0xb8;
	[tilespmem:$0x1C800] =	vst v63  }
0xa3: {  	_ =	swait.ge [sflag:s22], $0x4000  }
0xa4: {  	[sflag:s22] =	ssyncset.done $0x0  }
0xa5: {  	[sflag:s22] =	ssyncadd.s32 $0xFFFFC000  }
0xa6: {  	[tilespmem:s17], [sflag:$0x2] =	stream.indirect.gather [hbm4b:s4+s15], $0x80, s0, s15, $0xb8;
	[tilespmem:$0x1C800] =	vst v63  }
0xa7: {  	_ =	swait.ge [sflag:s18], $0x4000  }
0xa8: {  	[sflag:s18] =	ssyncset.done $0x0  }
0xa9: {  	[sflag:s18] =	ssyncadd.s32 $0xFFFFC000  }
0xaa: {  	[spmem:s2] =	stream.indirect.scatter.add.f32 [tilespmem:s16], [sflag:$0x3], $0x80, s1, s15, $0xb8;
	[tilespmem:$0x1C800] =	vst v63  }
0xab: {  	_ =	swait.ge [sflag:s19], $0x4000  }
0xac: {  	[sflag:s19] =	ssyncset.done $0x0  }
0xad: {  	p0 =	sne.s32 s9, $0x1;
	[sflag:s19] =	ssyncadd.s32 $0xFFFFC000  }
0xae: {  	[spmem:s2] =	stream.indirect.scatter.add.f32 [tilespmem:s17], [sflag:$0x4], $0x80, s5, s15, $0xb8;
	[tilespmem:$0x1C800] =	vst v63  }
.Ltmp1:
0xaf: {  	_ =	swait.ge [sflag:s20], $0x4000;
	(pc) =	sbr.rel @p0 .LBB2_2-.Ltmp1, $4  }
0xb0: {  	[sflag:s20] =	ssyncset.done $0x0  }
0xb1: {  	[sflag:s20] =	ssyncadd.s32 $0xFFFFC000  }
0xb2: {  	_ =	swait.ge [sflag:s22], $0x4000  }
0xb3: {  	s9 =	sadd.s32 $0xFFFFFFFF, s9;
	[sflag:s22] =	ssyncset.done $0x0  }
.LBB2_3:
0xb4: {  	[sflag:s22] =	ssyncadd.s32 $0xFFFFC000  }
0xb5: {  	[bflag:$0x0] =	sbarrier.arrive $0xFFFF  }
0xb6: {  	s6 =	rddreg [dreg:$0x6]  }
0xb7: {  	[hbm:s6], [sflag:s12] =	dma.local [spmem:s7], $0x2800  }
0xb8: {  	_ =	swait.ge [sflag:s13], $0x2800  }
0xb9: {  	s11 =	smov.u32 s12;
	s8 =	sadd.s32 $0x1, s8;
	s12 =	rddreg [dreg:$0x7]  }
0xba: {  	p0 =	sne.s32 s8, s12  }
.Ltmp2:
0xbb: {  	_ = 	snop;
	(pc) =	sbr.rel @p0 .LBB2_1-.Ltmp2, $3  }
0xbc: {  	_ =	sdelay $0x1  }
0xbd: {  	[sflag:s13] =	ssyncset.done $0x0  }
0xbe: {  	s9 =	smov.u32 s7;
	[sflag:s13] =	ssyncadd.s32 $0xFFFFD800  }
0xbf: {  	_ =	sfence.sel $0x180000  }
0xc0: {  	[bflag:$0x0] =	sbarrier.arrive $0xFFFF  }
0xc1: {  	_ =	strace $0x90000050  }
0xc2: {  	s0 =	stileid.u32;
	[bflag:$0x2] =	sbarrier.arrive $0xFFFF  }
0xc3: {  	p0 =	sne.s32 s0, $0x0;
	s0 =	rddreg [dreg:$0x3]  }
0xc4: {  	s0 =	sadd.s32 @!p0 $0x100000, s0  }
0xc5: {  	[sflag:s0] =	ssyncadd.tile.s32 @!p0 $0x1;
	_ =	shalt  }
.Lfunc_end2:
_tile_overlayer_lowered:
.L_overlay_start_2:
0xc6: {  	(tag) =	ssettag $0x2  }
0xc7: {  	s0 =	rddreg [dreg:$0x0];
	s2 =	stileid.u32  }
0xc8: {  	s1 =	rddreg [dreg:$0x1];
	p0 =	sne.s32 s2, $0x0  }
0xc9: {  	s3 =	rddreg [dreg:$0x2];
	[bflag:$0x3] =	sbarrier.arrive $0xFFFF;
	s2 =	simm.s32 @!p0 $0x1C05  }
0xca: {  	[timem:s3], [sflag:s2] =	dma.local @!p0 [hbm:s0], s1  }
0xcb: {  	s0 =	simm.s32 @!p0 $0x5  }
0xcc: {  	_ =	swait.ge @!p0 [sflag:s0], s1  }
0xcd: {  	s1 =	ssub.s32 @!p0 $0x0, s1;
	[sflag:s0] =	ssyncset.done @!p0 $0x0  }
0xce: {  	[sflag:s0] =	ssyncadd.s32 @!p0 s1  }
0xcf: {  	[bflag:$0x3] =	sbarrier.arrive $0xFFFF  }
0xd0: {  	_ =	shalt  }

</sc_bundles>
